<compile_context>
chip_gen: v7x
topology: tpu7x:2x2x1
jax: 0.10.2.dev20260603
libtpu: 0.0.44.dev20260713+nightly
codegen_flags: <defaults>
</compile_context>

<pallas_src>
import functools

import jax
import jax.numpy as jnp
from jax import lax
from jax.experimental import pallas as pl
from jax.experimental.pallas import tpu as pltpu
from jax.experimental.pallas import tpu_sc as plsc

_FDIM = 64
_EDIM = 1024

_NC = 2
_NS = 16
_NW = _NC * _NS
_LANES = 16
_NBUF = 8


def _sc_gather_t(idx_flat, table_t, n_rows):
    cols_per_w = n_rows // _NW
    n_groups = cols_per_w // _LANES
    mesh = plsc.VectorSubcoreMesh(core_axis_name="c", subcore_axis_name="s")

    @functools.partial(
        pl.kernel,
        mesh=mesh,
        out_type=jax.ShapeDtypeStruct((_FDIM, n_rows), jnp.float32),
        scratch_types=[
            pltpu.VMEM((cols_per_w + _LANES,), jnp.int32),
            pltpu.VMEM((_NBUF, _FDIM, 128), jnp.float32),
            pltpu.VMEM((_FDIM, cols_per_w), jnp.float32),
        ]
        + [pltpu.SemaphoreType.DMA] * _NBUF,
        compiler_params=pltpu.CompilerParams(
            needs_layout_passes=False, use_tc_tiling_on_sc=True
        ),
    )
    def gather_kernel(idx_hbm, table_hbm, out_hbm, idx_v, blk_v, stage_v, *sems):
        wid = lax.axis_index("s") * _NC + lax.axis_index("c")
        base = wid * cols_per_w
        pltpu.sync_copy(
            idx_hbm.at[pl.ds(base, cols_per_w)],
            idx_v.at[pl.ds(0, cols_per_w)],
        )
        lane = lax.iota(jnp.int32, _LANES)

        def group_ids(g):
            start = pl.multiple_of(g * _LANES, _LANES)
            chunk = idx_v[pl.ds(start, _LANES)]
            return [
                lax.reduce_sum(jnp.where(lane == k, chunk, 0), axes=(0,))
                for k in range(_LANES)
            ]

        def fetch(slot, tok_id):
            blk = pl.multiple_of((tok_id >> 7) * 128, 128)
            pltpu.make_async_copy(
                table_hbm.at[:, pl.ds(blk, 128)], blk_v.at[slot], sems[slot]
            ).start()

        def wait_slot(slot):
            pltpu.make_async_copy(
                table_hbm.at[:, pl.ds(0, 128)], blk_v.at[slot], sems[slot]
            ).wait()

        cur0 = group_ids(0)
        for t in range(_NBUF):
            fetch(t, cur0[t])

        def body(g, cur):
            nxt = group_ids(g + 1)
            for k in range(_LANES):
                slot = k % _NBUF
                wait_slot(slot)
                tvec = jnp.full((_LANES,), g * _LANES + k, jnp.int32)
                lvec = jnp.full((_LANES,), cur[k] & 127, jnp.int32)
                for q in range(_FDIM // _LANES):
                    jvec = lane + q * _LANES
                    vals = plsc.load_gather(blk_v.at[slot], [jvec, lvec])
                    plsc.store_scatter(stage_v, [jvec, tvec], vals)
                nid = cur[k + _NBUF] if k + _NBUF < _LANES else nxt[k + _NBUF - _LANES]

                @pl.when(g * _LANES + k + _NBUF < cols_per_w)
                def _():
                    fetch(slot, nid)

            return tuple(nxt)

        lax.fori_loop(0, n_groups, body, tuple(cur0), unroll=False)
        pltpu.sync_copy(stage_v, out_hbm.at[:, pl.ds(base, cols_per_w)])

    return gather_kernel(idx_flat, table_t)


def _tc_project_add(tok_t, factorized_table, pos_table, b, l):
    blk = 1024
    l_blocks = l // blk

    def body(tok_ref, fac_ref, pos_ref, out_ref):
        out_ref[...] = (
            lax.dot_general(
                tok_ref[...],
                fac_ref[...],
                dimension_numbers=(((0,), (0,)), ((), ())),
                preferred_element_type=jnp.float32,
            )
            + pos_ref[...]
        )

    out = pl.pallas_call(
        body,
        grid=(l_blocks, b),
        in_specs=[
            pl.BlockSpec((_FDIM, blk), lambda i, j: (0, j * l_blocks + i)),
            pl.BlockSpec((_FDIM, _EDIM), lambda i, j: (0, 0)),
            pl.BlockSpec((blk, _EDIM), lambda i, j: (i, 0)),
        ],
        out_specs=pl.BlockSpec((blk, _EDIM), lambda i, j: (j * l_blocks + i, 0)),
        out_shape=jax.ShapeDtypeStruct((b * l, _EDIM), jnp.float32),
    )(tok_t, factorized_table, pos_table)
    return out


def kernel(inputs, token_table, factorized_table, segment_table, pos_table):
    b, l = inputs.shape
    n_rows = b * l
    idx_flat = inputs.astype(jnp.int32).reshape(n_rows)
    tok_t = _sc_gather_t(idx_flat, token_table.T, n_rows)
    out = _tc_project_add(tok_t, factorized_table, pos_table, b, l)
    return out.reshape(b, l, _EDIM)

# --- scband reference (transcript-rebuilt; emitter-appended) ---
"""Pipeline reference for scband-factorized-tok-seg-posit-embedding-78168404787749 (READ-ONLY COPY).

The authoritative reference and input builder live on the scoring server;
editing this copy changes nothing except your own understanding.
"""

import jax, jax.numpy as jnp
import numpy as np

VOCAB = 1000000
FDIM = 64
EDIM = 1024
MAXLEN = 2048
B = 4
L = 2048


def setup_inputs(seed: int = 0) -> dict:
    key = jax.random.key(seed)
    k1, k2, k3, k4, k5 = jax.random.split(key, 5)
    inputs = jax.random.randint(k1, (B, L), 0, VOCAB)
    token_table = jax.random.normal(k2, (VOCAB, FDIM), dtype=jnp.float32) * 0.02
    factorized_table = jax.random.normal(k3, (FDIM, EDIM), dtype=jnp.float32) * 0.02
    segment_table = jax.random.normal(k4, (2, EDIM), dtype=jnp.float32) * 0.02
    pos_table = jax.random.normal(k5, (MAXLEN, EDIM), dtype=jnp.float32) * 0.02
    return {
        'inputs': inputs,
        'token_table': token_table,
        'factorized_table': factorized_table,
        'segment_table': segment_table,
        'pos_table': pos_table,
    }


def reference(inputs, token_table, factorized_table, segment_table, pos_table):
    # ALBERT-style factorized token embedding:
    # 1) gather low-dim token vectors [B, L, FDIM]
    tok_low = jnp.take(token_table, inputs, axis=0)
    # 2) project to model dim via the factorized embedding matrix [FDIM, EDIM]
    token_vectors = jnp.einsum('blf,fe->ble', tok_low, factorized_table)
    # 3) positional embeddings for positions 0..L-1
    seq_len = inputs.shape[-1]
    positions = jnp.arange(seq_len)
    position_vectors = jnp.take(pos_table, positions, axis=0)
    # segment_table is a declared parameter but unused in call(), matching the original
    return token_vectors + position_vectors[None, :, :]

if __name__ == "__main__":
    import jax
    _d = setup_inputs()
    print(jax.jit(kernel)(*tuple(_d.values())))

</pallas_src>

<mosaic_0001>
#map = affine_map<(d0, d1) -> (0)>
#map1 = affine_map<(d0, d1) -> (0, 0)>
module attributes {stable_mosaic.version = 14 : i64} {
  func.func @gather_kernel(%arg0: i32, %arg1: i32, %arg2: memref<8192xi32, #tpu.memory_space<hbm>>, %arg3: memref<64x1000000xf32, #tpu.memory_space<hbm>>, %arg4: memref<64x8192xf32, #tpu.memory_space<hbm>>, %arg5: memref<272xi32, #tpu.memory_space<vmem>>, %arg6: memref<8x64x128xf32, #tpu.memory_space<vmem>>, %arg7: memref<64x256xf32, #tpu.memory_space<vmem>>, %arg8: memref<!tpu.dma_semaphore, #tpu.memory_space<semaphore_mem>>, %arg9: memref<!tpu.dma_semaphore, #tpu.memory_space<semaphore_mem>>, %arg10: memref<!tpu.dma_semaphore, #tpu.memory_space<semaphore_mem>>, %arg11: memref<!tpu.dma_semaphore, #tpu.memory_space<semaphore_mem>>, %arg12: memref<!tpu.dma_semaphore, #tpu.memory_space<semaphore_mem>>, %arg13: memref<!tpu.dma_semaphore, #tpu.memory_space<semaphore_mem>>, %arg14: memref<!tpu.dma_semaphore, #tpu.memory_space<semaphore_mem>>, %arg15: memref<!tpu.dma_semaphore, #tpu.memory_space<semaphore_mem>>) attributes {dimension_semantics = [#tpu.dimension_semantics<core_parallel>, #tpu.dimension_semantics<subcore_parallel>], iteration_bounds = array<i64: 2, 16>, scalar_prefetch = 0 : i64, scratch_operands = 11 : i64, tpu.core_type = #tpu.core_type<sc_vector_subcore>, window_params = [{transform_indices = #map}, {transform_indices = #map1}, {transform_indices = #map1}]} {
    %mul3A = arith.constant 2 : i32
    %mul3A_0 = arith.muli %arg1, %mul3A : i32
    %add3A = arith.addi %mul3A_0, %arg0 : i32
    %mul3A_1 = arith.constant 256 : i32
    %mul3A_2 = arith.muli %add3A, %mul3A_1 : i32
    "tpu.region"() ({
      %run_scoped3A = tpu.sem_alloc : memref<!tpu.dma_semaphore, #tpu.memory_space<semaphore_mem>>
      %dma_start3A_307 = arith.constant 0 : i32
      %dma_start3A_308 = tpu.memref_slice %arg5[%dma_start3A_307] : memref<272xi32, #tpu.memory_space<vmem>> -> memref<256xi32, #tpu.memory_space<vmem>>
      %dma_start3A_309 = tpu.memref_slice %arg2[%mul3A_2] : memref<8192xi32, #tpu.memory_space<hbm>> -> memref<256xi32, #tpu.memory_space<hbm>>
      %dma_start3A_310 = arith.constant 0 : i32
      %dma_start3A_311 = tpu.memref_slice %arg5[%dma_start3A_310] : memref<272xi32, #tpu.memory_space<vmem>> -> memref<256xi32, #tpu.memory_space<vmem>>
      %dma_start3A_312 = tpu.memref_slice %arg2[%mul3A_2] : memref<8192xi32, #tpu.memory_space<hbm>> -> memref<256xi32, #tpu.memory_space<hbm>>
      tpu.enqueue_dma source(%dma_start3A_312 : memref<256xi32, #tpu.memory_space<hbm>>) target(%dma_start3A_311 : memref<256xi32, #tpu.memory_space<vmem>>) target_semaphore(%run_scoped3A : memref<!tpu.dma_semaphore, #tpu.memory_space<semaphore_mem>>)
      %dma_wait3A = arith.constant 0 : i32
      %dma_wait3A_313 = tpu.memref_slice %arg5[%dma_wait3A] : memref<272xi32, #tpu.memory_space<vmem>> -> memref<256xi32, #tpu.memory_space<vmem>>
      %dma_wait3A_314 = tpu.memref_slice %arg2[%mul3A_2] : memref<8192xi32, #tpu.memory_space<hbm>> -> memref<256xi32, #tpu.memory_space<hbm>>
      %dma_wait3A_315 = arith.constant 0 : i32
      %dma_wait3A_316 = tpu.memref_slice %arg5[%dma_wait3A_315] : memref<272xi32, #tpu.memory_space<vmem>> -> memref<256xi32, #tpu.memory_space<vmem>>
      %dma_wait3A_317 = tpu.memref_slice %arg2[%mul3A_2] : memref<8192xi32, #tpu.memory_space<hbm>> -> memref<256xi32, #tpu.memory_space<hbm>>
      tpu.wait_dma2 semaphore(%run_scoped3A : memref<!tpu.dma_semaphore, #tpu.memory_space<semaphore_mem>>) src(%dma_wait3A_317 : memref<256xi32, #tpu.memory_space<hbm>>) dst(%dma_wait3A_316 : memref<256xi32, #tpu.memory_space<vmem>>)
      tpu.yield
    }) : () -> ()
    %iota3A = tpu.iota {dimensions = array<i32: 0>} : vector<16xi32>
    %multiple_of3A = arith.constant 0 : i32
    %multiple_of3A_3 = tpu.assume_multiple %multiple_of3A, 16 : i32
    %get3A = arith.index_cast %multiple_of3A_3 : i32 to index
    %get3A_4 = tpu.vector_load %arg5[%get3A] {strides = array<i32>} : memref<272xi32, #tpu.memory_space<vmem>>, vector<16xi32>,
    %eq3A = arith.constant 0 : i32
    %eq3A_5 = vector.broadcast %eq3A : i32 to vector<16xi32>
    %eq3A_6 = arith.cmpi eq, %iota3A, %eq3A_5 : vector<16xi32>
    %jit3A = arith.constant 0 : i32
    %broadcast_in_dim3A = vector.broadcast %jit3A : i32 to vector<16xi32>
    %select_n3A = arith.select %eq3A_6, %get3A_4, %broadcast_in_dim3A : vector<16xi1>, vector<16xi32>
    %reduce_sum3A = arith.constant true
    %reduce_sum3A_7 = vector.broadcast %reduce_sum3A : i1 to vector<16xi1>
    %reduce_sum3A_8 = tpu.scan <sum>, %select_n3A masked %reduce_sum3A_7 : vector<16xi32>, vector<16xi1> -> vector<16xi32>
    %reduce_sum3A_9 = vector.extract %reduce_sum3A_8[15] : i32 from vector<16xi32>
    %eq3A_10 = arith.constant 1 : i32
    %eq3A_11 = vector.broadcast %eq3A_10 : i32 to vector<16xi32>
    %eq3A_12 = arith.cmpi eq, %iota3A, %eq3A_11 : vector<16xi32>
    %jit3A_13 = arith.constant 0 : i32
    %broadcast_in_dim3A_14 = vector.broadcast %jit3A_13 : i32 to vector<16xi32>
    %select_n3A_15 = arith.select %eq3A_12, %get3A_4, %broadcast_in_dim3A_14 : vector<16xi1>, vector<16xi32>
    %reduce_sum3A_16 = arith.constant true
    %reduce_sum3A_17 = vector.broadcast %reduce_sum3A_16 : i1 to vector<16xi1>
    %reduce_sum3A_18 = tpu.scan <sum>, %select_n3A_15 masked %reduce_sum3A_17 : vector<16xi32>, vector<16xi1> -> vector<16xi32>
    %reduce_sum3A_19 = vector.extract %reduce_sum3A_18[15] : i32 from vector<16xi32>
    %eq3A_20 = arith.constant 2 : i32
    %eq3A_21 = vector.broadcast %eq3A_20 : i32 to vector<16xi32>
    %eq3A_22 = arith.cmpi eq, %iota3A, %eq3A_21 : vector<16xi32>
    %jit3A_23 = arith.constant 0 : i32
    %broadcast_in_dim3A_24 = vector.broadcast %jit3A_23 : i32 to vector<16xi32>
    %select_n3A_25 = arith.select %eq3A_22, %get3A_4, %broadcast_in_dim3A_24 : vector<16xi1>, vector<16xi32>
    %reduce_sum3A_26 = arith.constant true
    %reduce_sum3A_27 = vector.broadcast %reduce_sum3A_26 : i1 to vector<16xi1>
    %reduce_sum3A_28 = tpu.scan <sum>, %select_n3A_25 masked %reduce_sum3A_27 : vector<16xi32>, vector<16xi1> -> vector<16xi32>
    %reduce_sum3A_29 = vector.extract %reduce_sum3A_28[15] : i32 from vector<16xi32>
    %eq3A_30 = arith.constant 3 : i32
    %eq3A_31 = vector.broadcast %eq3A_30 : i32 to vector<16xi32>
    %eq3A_32 = arith.cmpi eq, %iota3A, %eq3A_31 : vector<16xi32>
    %jit3A_33 = arith.constant 0 : i32
    %broadcast_in_dim3A_34 = vector.broadcast %jit3A_33 : i32 to vector<16xi32>
    %select_n3A_35 = arith.select %eq3A_32, %get3A_4, %broadcast_in_dim3A_34 : vector<16xi1>, vector<16xi32>
    %reduce_sum3A_36 = arith.constant true
    %reduce_sum3A_37 = vector.broadcast %reduce_sum3A_36 : i1 to vector<16xi1>
    %reduce_sum3A_38 = tpu.scan <sum>, %select_n3A_35 masked %reduce_sum3A_37 : vector<16xi32>, vector<16xi1> -> vector<16xi32>
    %reduce_sum3A_39 = vector.extract %reduce_sum3A_38[15] : i32 from vector<16xi32>
    %eq3A_40 = arith.constant 4 : i32
    %eq3A_41 = vector.broadcast %eq3A_40 : i32 to vector<16xi32>
    %eq3A_42 = arith.cmpi eq, %iota3A, %eq3A_41 : vector<16xi32>
    %jit3A_43 = arith.constant 0 : i32
    %broadcast_in_dim3A_44 = vector.broadcast %jit3A_43 : i32 to vector<16xi32>
    %select_n3A_45 = arith.select %eq3A_42, %get3A_4, %broadcast_in_dim3A_44 : vector<16xi1>, vector<16xi32>
    %reduce_sum3A_46 = arith.constant true
    %reduce_sum3A_47 = vector.broadcast %reduce_sum3A_46 : i1 to vector<16xi1>
    %reduce_sum3A_48 = tpu.scan <sum>, %select_n3A_45 masked %reduce_sum3A_47 : vector<16xi32>, vector<16xi1> -> vector<16xi32>
    %reduce_sum3A_49 = vector.extract %reduce_sum3A_48[15] : i32 from vector<16xi32>
    %eq3A_50 = arith.constant 5 : i32
    %eq3A_51 = vector.broadcast %eq3A_50 : i32 to vector<16xi32>
    %eq3A_52 = arith.cmpi eq, %iota3A, %eq3A_51 : vector<16xi32>
    %jit3A_53 = arith.constant 0 : i32
    %broadcast_in_dim3A_54 = vector.broadcast %jit3A_53 : i32 to vector<16xi32>
    %select_n3A_55 = arith.select %eq3A_52, %get3A_4, %broadcast_in_dim3A_54 : vector<16xi1>, vector<16xi32>
    %reduce_sum3A_56 = arith.constant true
    %reduce_sum3A_57 = vector.broadcast %reduce_sum3A_56 : i1 to vector<16xi1>
    %reduce_sum3A_58 = tpu.scan <sum>, %select_n3A_55 masked %reduce_sum3A_57 : vector<16xi32>, vector<16xi1> -> vector<16xi32>
    %reduce_sum3A_59 = vector.extract %reduce_sum3A_58[15] : i32 from vector<16xi32>
    %eq3A_60 = arith.constant 6 : i32
    %eq3A_61 = vector.broadcast %eq3A_60 : i32 to vector<16xi32>
    %eq3A_62 = arith.cmpi eq, %iota3A, %eq3A_61 : vector<16xi32>
    %jit3A_63 = arith.constant 0 : i32
    %broadcast_in_dim3A_64 = vector.broadcast %jit3A_63 : i32 to vector<16xi32>
    %select_n3A_65 = arith.select %eq3A_62, %get3A_4, %broadcast_in_dim3A_64 : vector<16xi1>, vector<16xi32>
    %reduce_sum3A_66 = arith.constant true
    %reduce_sum3A_67 = vector.broadcast %reduce_sum3A_66 : i1 to vector<16xi1>
    %reduce_sum3A_68 = tpu.scan <sum>, %select_n3A_65 masked %reduce_sum3A_67 : vector<16xi32>, vector<16xi1> -> vector<16xi32>
    %reduce_sum3A_69 = vector.extract %reduce_sum3A_68[15] : i32 from vector<16xi32>
    %eq3A_70 = arith.constant 7 : i32
    %eq3A_71 = vector.broadcast %eq3A_70 : i32 to vector<16xi32>
    %eq3A_72 = arith.cmpi eq, %iota3A, %eq3A_71 : vector<16xi32>
    %jit3A_73 = arith.constant 0 : i32
    %broadcast_in_dim3A_74 = vector.broadcast %jit3A_73 : i32 to vector<16xi32>
    %select_n3A_75 = arith.select %eq3A_72, %get3A_4, %broadcast_in_dim3A_74 : vector<16xi1>, vector<16xi32>
    %reduce_sum3A_76 = arith.constant true
    %reduce_sum3A_77 = vector.broadcast %reduce_sum3A_76 : i1 to vector<16xi1>
    %reduce_sum3A_78 = tpu.scan <sum>, %select_n3A_75 masked %reduce_sum3A_77 : vector<16xi32>, vector<16xi1> -> vector<16xi32>
    %reduce_sum3A_79 = vector.extract %reduce_sum3A_78[15] : i32 from vector<16xi32>
    %eq3A_80 = arith.constant 8 : i32
    %eq3A_81 = vector.broadcast %eq3A_80 : i32 to vector<16xi32>
    %eq3A_82 = arith.cmpi eq, %iota3A, %eq3A_81 : vector<16xi32>
    %jit3A_83 = arith.constant 0 : i32
    %broadcast_in_dim3A_84 = vector.broadcast %jit3A_83 : i32 to vector<16xi32>
    %select_n3A_85 = arith.select %eq3A_82, %get3A_4, %broadcast_in_dim3A_84 : vector<16xi1>, vector<16xi32>
    %reduce_sum3A_86 = arith.constant true
    %reduce_sum3A_87 = vector.broadcast %reduce_sum3A_86 : i1 to vector<16xi1>
    %reduce_sum3A_88 = tpu.scan <sum>, %select_n3A_85 masked %reduce_sum3A_87 : vector<16xi32>, vector<16xi1> -> vector<16xi32>
    %reduce_sum3A_89 = vector.extract %reduce_sum3A_88[15] : i32 from vector<16xi32>
    %eq3A_90 = arith.constant 9 : i32
    %eq3A_91 = vector.broadcast %eq3A_90 : i32 to vector<16xi32>
    %eq3A_92 = arith.cmpi eq, %iota3A, %eq3A_91 : vector<16xi32>
    %jit3A_93 = arith.constant 0 : i32
    %broadcast_in_dim3A_94 = vector.broadcast %jit3A_93 : i32 to vector<16xi32>
    %select_n3A_95 = arith.select %eq3A_92, %get3A_4, %broadcast_in_dim3A_94 : vector<16xi1>, vector<16xi32>
    %reduce_sum3A_96 = arith.constant true
    %reduce_sum3A_97 = vector.broadcast %reduce_sum3A_96 : i1 to vector<16xi1>
    %reduce_sum3A_98 = tpu.scan <sum>, %select_n3A_95 masked %reduce_sum3A_97 : vector<16xi32>, vector<16xi1> -> vector<16xi32>
    %reduce_sum3A_99 = vector.extract %reduce_sum3A_98[15] : i32 from vector<16xi32>
    %eq3A_100 = arith.constant 10 : i32
    %eq3A_101 = vector.broadcast %eq3A_100 : i32 to vector<16xi32>
    %eq3A_102 = arith.cmpi eq, %iota3A, %eq3A_101 : vector<16xi32>
    %jit3A_103 = arith.constant 0 : i32
    %broadcast_in_dim3A_104 = vector.broadcast %jit3A_103 : i32 to vector<16xi32>
    %select_n3A_105 = arith.select %eq3A_102, %get3A_4, %broadcast_in_dim3A_104 : vector<16xi1>, vector<16xi32>
    %reduce_sum3A_106 = arith.constant true
    %reduce_sum3A_107 = vector.broadcast %reduce_sum3A_106 : i1 to vector<16xi1>
    %reduce_sum3A_108 = tpu.scan <sum>, %select_n3A_105 masked %reduce_sum3A_107 : vector<16xi32>, vector<16xi1> -> vector<16xi32>
    %reduce_sum3A_109 = vector.extract %reduce_sum3A_108[15] : i32 from vector<16xi32>
    %eq3A_110 = arith.constant 11 : i32
    %eq3A_111 = vector.broadcast %eq3A_110 : i32 to vector<16xi32>
    %eq3A_112 = arith.cmpi eq, %iota3A, %eq3A_111 : vector<16xi32>
    %jit3A_113 = arith.constant 0 : i32
    %broadcast_in_dim3A_114 = vector.broadcast %jit3A_113 : i32 to vector<16xi32>
    %select_n3A_115 = arith.select %eq3A_112, %get3A_4, %broadcast_in_dim3A_114 : vector<16xi1>, vector<16xi32>
    %reduce_sum3A_116 = arith.constant true
    %reduce_sum3A_117 = vector.broadcast %reduce_sum3A_116 : i1 to vector<16xi1>
    %reduce_sum3A_118 = tpu.scan <sum>, %select_n3A_115 masked %reduce_sum3A_117 : vector<16xi32>, vector<16xi1> -> vector<16xi32>
    %reduce_sum3A_119 = vector.extract %reduce_sum3A_118[15] : i32 from vector<16xi32>
    %eq3A_120 = arith.constant 12 : i32
    %eq3A_121 = vector.broadcast %eq3A_120 : i32 to vector<16xi32>
    %eq3A_122 = arith.cmpi eq, %iota3A, %eq3A_121 : vector<16xi32>
    %jit3A_123 = arith.constant 0 : i32
    %broadcast_in_dim3A_124 = vector.broadcast %jit3A_123 : i32 to vector<16xi32>
    %select_n3A_125 = arith.select %eq3A_122, %get3A_4, %broadcast_in_dim3A_124 : vector<16xi1>, vector<16xi32>
    %reduce_sum3A_126 = arith.constant true
    %reduce_sum3A_127 = vector.broadcast %reduce_sum3A_126 : i1 to vector<16xi1>
    %reduce_sum3A_128 = tpu.scan <sum>, %select_n3A_125 masked %reduce_sum3A_127 : vector<16xi32>, vector<16xi1> -> vector<16xi32>
    %reduce_sum3A_129 = vector.extract %reduce_sum3A_128[15] : i32 from vector<16xi32>
    %eq3A_130 = arith.constant 13 : i32
    %eq3A_131 = vector.broadcast %eq3A_130 : i32 to vector<16xi32>
    %eq3A_132 = arith.cmpi eq, %iota3A, %eq3A_131 : vector<16xi32>
    %jit3A_133 = arith.constant 0 : i32
    %broadcast_in_dim3A_134 = vector.broadcast %jit3A_133 : i32 to vector<16xi32>
    %select_n3A_135 = arith.select %eq3A_132, %get3A_4, %broadcast_in_dim3A_134 : vector<16xi1>, vector<16xi32>
    %reduce_sum3A_136 = arith.constant true
    %reduce_sum3A_137 = vector.broadcast %reduce_sum3A_136 : i1 to vector<16xi1>
    %reduce_sum3A_138 = tpu.scan <sum>, %select_n3A_135 masked %reduce_sum3A_137 : vector<16xi32>, vector<16xi1> -> vector<16xi32>
    %reduce_sum3A_139 = vector.extract %reduce_sum3A_138[15] : i32 from vector<16xi32>
    %eq3A_140 = arith.constant 14 : i32
    %eq3A_141 = vector.broadcast %eq3A_140 : i32 to vector<16xi32>
    %eq3A_142 = arith.cmpi eq, %iota3A, %eq3A_141 : vector<16xi32>
    %jit3A_143 = arith.constant 0 : i32
    %broadcast_in_dim3A_144 = vector.broadcast %jit3A_143 : i32 to vector<16xi32>
    %select_n3A_145 = arith.select %eq3A_142, %get3A_4, %broadcast_in_dim3A_144 : vector<16xi1>, vector<16xi32>
    %reduce_sum3A_146 = arith.constant true
    %reduce_sum3A_147 = vector.broadcast %reduce_sum3A_146 : i1 to vector<16xi1>
    %reduce_sum3A_148 = tpu.scan <sum>, %select_n3A_145 masked %reduce_sum3A_147 : vector<16xi32>, vector<16xi1> -> vector<16xi32>
    %reduce_sum3A_149 = vector.extract %reduce_sum3A_148[15] : i32 from vector<16xi32>
    %eq3A_150 = arith.constant 15 : i32
    %eq3A_151 = vector.broadcast %eq3A_150 : i32 to vector<16xi32>
    %eq3A_152 = arith.cmpi eq, %iota3A, %eq3A_151 : vector<16xi32>
    %jit3A_153 = arith.constant 0 : i32
    %broadcast_in_dim3A_154 = vector.broadcast %jit3A_153 : i32 to vector<16xi32>
    %select_n3A_155 = arith.select %eq3A_152, %get3A_4, %broadcast_in_dim3A_154 : vector<16xi1>, vector<16xi32>
    %reduce_sum3A_156 = arith.constant true
    %reduce_sum3A_157 = vector.broadcast %reduce_sum3A_156 : i1 to vector<16xi1>
    %reduce_sum3A_158 = tpu.scan <sum>, %select_n3A_155 masked %reduce_sum3A_157 : vector<16xi32>, vector<16xi1> -> vector<16xi32>
    %reduce_sum3A_159 = vector.extract %reduce_sum3A_158[15] : i32 from vector<16xi32>
    %shift_right_arithmetic3A = arith.constant 7 : i32
    %shift_right_arithmetic3A_160 = arith.shrsi %reduce_sum3A_9, %shift_right_arithmetic3A : i32
    %mul3A_161 = arith.constant 128 : i32
    %mul3A_162 = arith.muli %shift_right_arithmetic3A_160, %mul3A_161 : i32
    %multiple_of3A_163 = tpu.assume_multiple %mul3A_162, 128 : i32
    %dma_start3A = arith.constant 0 : i32
    %dma_start3A_164 = arith.constant 0 : i32
    %dma_start3A_165 = arith.constant 0 : i32
    %dma_start3A_166 = tpu.memref_slice %arg6[%dma_start3A, %dma_start3A_164, %dma_start3A_165] : memref<8x64x128xf32, #tpu.memory_space<vmem>> -> memref<1x64x128xf32, #tpu.memory_space<vmem>>
    %dma_start3A_167 = tpu.memref_squeeze %dma_start3A_166 : memref<1x64x128xf32, #tpu.memory_space<vmem>> -> memref<64x128xf32, #tpu.memory_space<vmem>>
    %dma_start3A_168 = arith.constant 0 : i32
    %dma_start3A_169 = tpu.memref_slice %arg3[%dma_start3A_168, %multiple_of3A_163] : memref<64x1000000xf32, #tpu.memory_space<hbm>> -> memref<64x128xf32, #tpu.memory_space<hbm>>
    %dma_start3A_170 = arith.constant 0 : i32
    %dma_start3A_171 = arith.constant 0 : i32
    %dma_start3A_172 = tpu.memref_slice %arg6[%dma_start3A, %dma_start3A_170, %dma_start3A_171] : memref<8x64x128xf32, #tpu.memory_space<vmem>> -> memref<1x64x128xf32, #tpu.memory_space<vmem>>
    %dma_start3A_173 = tpu.memref_squeeze %dma_start3A_172 : memref<1x64x128xf32, #tpu.memory_space<vmem>> -> memref<64x128xf32, #tpu.memory_space<vmem>>
    %dma_start3A_174 = arith.constant 0 : i32
    %dma_start3A_175 = tpu.memref_slice %arg3[%dma_start3A_174, %multiple_of3A_163] : memref<64x1000000xf32, #tpu.memory_space<hbm>> -> memref<64x128xf32, #tpu.memory_space<hbm>>
    tpu.enqueue_dma source(%dma_start3A_175 : memref<64x128xf32, #tpu.memory_space<hbm>>) target(%dma_start3A_173 : memref<64x128xf32, #tpu.memory_space<vmem>>) target_semaphore(%arg8 : memref<!tpu.dma_semaphore, #tpu.memory_space<semaphore_mem>>)
    %shift_right_arithmetic3A_176 = arith.constant 7 : i32
    %shift_right_arithmetic3A_177 = arith.shrsi %reduce_sum3A_19, %shift_right_arithmetic3A_176 : i32
    %mul3A_178 = arith.constant 128 : i32
    %mul3A_179 = arith.muli %shift_right_arithmetic3A_177, %mul3A_178 : i32
    %multiple_of3A_180 = tpu.assume_multiple %mul3A_179, 128 : i32
    %dma_start3A_181 = arith.constant 1 : i32
    %dma_start3A_182 = arith.constant 0 : i32
    %dma_start3A_183 = arith.constant 0 : i32
    %dma_start3A_184 = tpu.memref_slice %arg6[%dma_start3A_181, %dma_start3A_182, %dma_start3A_183] : memref<8x64x128xf32, #tpu.memory_space<vmem>> -> memref<1x64x128xf32, #tpu.memory_space<vmem>>
    %dma_start3A_185 = tpu.memref_squeeze %dma_start3A_184 : memref<1x64x128xf32, #tpu.memory_space<vmem>> -> memref<64x128xf32, #tpu.memory_space<vmem>>
    %dma_start3A_186 = arith.constant 0 : i32
    %dma_start3A_187 = tpu.memref_slice %arg3[%dma_start3A_186, %multiple_of3A_180] : memref<64x1000000xf32, #tpu.memory_space<hbm>> -> memref<64x128xf32, #tpu.memory_space<hbm>>
    %dma_start3A_188 = arith.constant 0 : i32
    %dma_start3A_189 = arith.constant 0 : i32
    %dma_start3A_190 = tpu.memref_slice %arg6[%dma_start3A_181, %dma_start3A_188, %dma_start3A_189] : memref<8x64x128xf32, #tpu.memory_space<vmem>> -> memref<1x64x128xf32, #tpu.memory_space<vmem>>
    %dma_start3A_191 = tpu.memref_squeeze %dma_start3A_190 : memref<1x64x128xf32, #tpu.memory_space<vmem>> -> memref<64x128xf32, #tpu.memory_space<vmem>>
    %dma_start3A_192 = arith.constant 0 : i32
    %dma_start3A_193 = tpu.memref_slice %arg3[%dma_start3A_192, %multiple_of3A_180] : memref<64x1000000xf32, #tpu.memory_space<hbm>> -> memref<64x128xf32, #tpu.memory_space<hbm>>
    tpu.enqueue_dma source(%dma_start3A_193 : memref<64x128xf32, #tpu.memory_space<hbm>>) target(%dma_start3A_191 : memref<64x128xf32, #tpu.memory_space<vmem>>) target_semaphore(%arg9 : memref<!tpu.dma_semaphore, #tpu.memory_space<semaphore_mem>>)
    %shift_right_arithmetic3A_194 = arith.constant 7 : i32
    %shift_right_arithmetic3A_195 = arith.shrsi %reduce_sum3A_29, %shift_right_arithmetic3A_194 : i32
    %mul3A_196 = arith.constant 128 : i32
    %mul3A_197 = arith.muli %shift_right_arithmetic3A_195, %mul3A_196 : i32
    %multiple_of3A_198 = tpu.assume_multiple %mul3A_197, 128 : i32
    %dma_start3A_199 = arith.constant 2 : i32
    %dma_start3A_200 = arith.constant 0 : i32
    %dma_start3A_201 = arith.constant 0 : i32
    %dma_start3A_202 = tpu.memref_slice %arg6[%dma_start3A_199, %dma_start3A_200, %dma_start3A_201] : memref<8x64x128xf32, #tpu.memory_space<vmem>> -> memref<1x64x128xf32, #tpu.memory_space<vmem>>
    %dma_start3A_203 = tpu.memref_squeeze %dma_start3A_202 : memref<1x64x128xf32, #tpu.memory_space<vmem>> -> memref<64x128xf32, #tpu.memory_space<vmem>>
    %dma_start3A_204 = arith.constant 0 : i32
    %dma_start3A_205 = tpu.memref_slice %arg3[%dma_start3A_204, %multiple_of3A_198] : memref<64x1000000xf32, #tpu.memory_space<hbm>> -> memref<64x128xf32, #tpu.memory_space<hbm>>
    %dma_start3A_206 = arith.constant 0 : i32
    %dma_start3A_207 = arith.constant 0 : i32
    %dma_start3A_208 = tpu.memref_slice %arg6[%dma_start3A_199, %dma_start3A_206, %dma_start3A_207] : memref<8x64x128xf32, #tpu.memory_space<vmem>> -> memref<1x64x128xf32, #tpu.memory_space<vmem>>
    %dma_start3A_209 = tpu.memref_squeeze %dma_start3A_208 : memref<1x64x128xf32, #tpu.memory_space<vmem>> -> memref<64x128xf32, #tpu.memory_space<vmem>>
    %dma_start3A_210 = arith.constant 0 : i32
    %dma_start3A_211 = tpu.memref_slice %arg3[%dma_start3A_210, %multiple_of3A_198] : memref<64x1000000xf32, #tpu.memory_space<hbm>> -> memref<64x128xf32, #tpu.memory_space<hbm>>
    tpu.enqueue_dma source(%dma_start3A_211 : memref<64x128xf32, #tpu.memory_space<hbm>>) target(%dma_start3A_209 : memref<64x128xf32, #tpu.memory_space<vmem>>) target_semaphore(%arg10 : memref<!tpu.dma_semaphore, #tpu.memory_space<semaphore_mem>>)
    %shift_right_arithmetic3A_212 = arith.constant 7 : i32
    %shift_right_arithmetic3A_213 = arith.shrsi %reduce_sum3A_39, %shift_right_arithmetic3A_212 : i32
    %mul3A_214 = arith.constant 128 : i32
    %mul3A_215 = arith.muli %shift_right_arithmetic3A_213, %mul3A_214 : i32
    %multiple_of3A_216 = tpu.assume_multiple %mul3A_215, 128 : i32
    %dma_start3A_217 = arith.constant 3 : i32
    %dma_start3A_218 = arith.constant 0 : i32
    %dma_start3A_219 = arith.constant 0 : i32
    %dma_start3A_220 = tpu.memref_slice %arg6[%dma_start3A_217, %dma_start3A_218, %dma_start3A_219] : memref<8x64x128xf32, #tpu.memory_space<vmem>> -> memref<1x64x128xf32, #tpu.memory_space<vmem>>
    %dma_start3A_221 = tpu.memref_squeeze %dma_start3A_220 : memref<1x64x128xf32, #tpu.memory_space<vmem>> -> memref<64x128xf32, #tpu.memory_space<vmem>>
    %dma_start3A_222 = arith.constant 0 : i32
    %dma_start3A_223 = tpu.memref_slice %arg3[%dma_start3A_222, %multiple_of3A_216] : memref<64x1000000xf32, #tpu.memory_space<hbm>> -> memref<64x128xf32, #tpu.memory_space<hbm>>
    %dma_start3A_224 = arith.constant 0 : i32
    %dma_start3A_225 = arith.constant 0 : i32
    %dma_start3A_226 = tpu.memref_slice %arg6[%dma_start3A_217, %dma_start3A_224, %dma_start3A_225] : memref<8x64x128xf32, #tpu.memory_space<vmem>> -> memref<1x64x128xf32, #tpu.memory_space<vmem>>
    %dma_start3A_227 = tpu.memref_squeeze %dma_start3A_226 : memref<1x64x128xf32, #tpu.memory_space<vmem>> -> memref<64x128xf32, #tpu.memory_space<vmem>>
    %dma_start3A_228 = arith.constant 0 : i32
    %dma_start3A_229 = tpu.memref_slice %arg3[%dma_start3A_228, %multiple_of3A_216] : memref<64x1000000xf32, #tpu.memory_space<hbm>> -> memref<64x128xf32, #tpu.memory_space<hbm>>
    tpu.enqueue_dma source(%dma_start3A_229 : memref<64x128xf32, #tpu.memory_space<hbm>>) target(%dma_start3A_227 : memref<64x128xf32, #tpu.memory_space<vmem>>) target_semaphore(%arg11 : memref<!tpu.dma_semaphore, #tpu.memory_space<semaphore_mem>>)
    %shift_right_arithmetic3A_230 = arith.constant 7 : i32
    %shift_right_arithmetic3A_231 = arith.shrsi %reduce_sum3A_49, %shift_right_arithmetic3A_230 : i32
    %mul3A_232 = arith.constant 128 : i32
    %mul3A_233 = arith.muli %shift_right_arithmetic3A_231, %mul3A_232 : i32
    %multiple_of3A_234 = tpu.assume_multiple %mul3A_233, 128 : i32
    %dma_start3A_235 = arith.constant 4 : i32
    %dma_start3A_236 = arith.constant 0 : i32
    %dma_start3A_237 = arith.constant 0 : i32
    %dma_start3A_238 = tpu.memref_slice %arg6[%dma_start3A_235, %dma_start3A_236, %dma_start3A_237] : memref<8x64x128xf32, #tpu.memory_space<vmem>> -> memref<1x64x128xf32, #tpu.memory_space<vmem>>
    %dma_start3A_239 = tpu.memref_squeeze %dma_start3A_238 : memref<1x64x128xf32, #tpu.memory_space<vmem>> -> memref<64x128xf32, #tpu.memory_space<vmem>>
    %dma_start3A_240 = arith.constant 0 : i32
    %dma_start3A_241 = tpu.memref_slice %arg3[%dma_start3A_240, %multiple_of3A_234] : memref<64x1000000xf32, #tpu.memory_space<hbm>> -> memref<64x128xf32, #tpu.memory_space<hbm>>
    %dma_start3A_242 = arith.constant 0 : i32
    %dma_start3A_243 = arith.constant 0 : i32
    %dma_start3A_244 = tpu.memref_slice %arg6[%dma_start3A_235, %dma_start3A_242, %dma_start3A_243] : memref<8x64x128xf32, #tpu.memory_space<vmem>> -> memref<1x64x128xf32, #tpu.memory_space<vmem>>
    %dma_start3A_245 = tpu.memref_squeeze %dma_start3A_244 : memref<1x64x128xf32, #tpu.memory_space<vmem>> -> memref<64x128xf32, #tpu.memory_space<vmem>>
    %dma_start3A_246 = arith.constant 0 : i32
    %dma_start3A_247 = tpu.memref_slice %arg3[%dma_start3A_246, %multiple_of3A_234] : memref<64x1000000xf32, #tpu.memory_space<hbm>> -> memref<64x128xf32, #tpu.memory_space<hbm>>
    tpu.enqueue_dma source(%dma_start3A_247 : memref<64x128xf32, #tpu.memory_space<hbm>>) target(%dma_start3A_245 : memref<64x128xf32, #tpu.memory_space<vmem>>) target_semaphore(%arg12 : memref<!tpu.dma_semaphore, #tpu.memory_space<semaphore_mem>>)
    %shift_right_arithmetic3A_248 = arith.constant 7 : i32
    %shift_right_arithmetic3A_249 = arith.shrsi %reduce_sum3A_59, %shift_right_arithmetic3A_248 : i32
    %mul3A_250 = arith.constant 128 : i32
    %mul3A_251 = arith.muli %shift_right_arithmetic3A_249, %mul3A_250 : i32
    %multiple_of3A_252 = tpu.assume_multiple %mul3A_251, 128 : i32
    %dma_start3A_253 = arith.constant 5 : i32
    %dma_start3A_254 = arith.constant 0 : i32
    %dma_start3A_255 = arith.constant 0 : i32
    %dma_start3A_256 = tpu.memref_slice %arg6[%dma_start3A_253, %dma_start3A_254, %dma_start3A_255] : memref<8x64x128xf32, #tpu.memory_space<vmem>> -> memref<1x64x128xf32, #tpu.memory_space<vmem>>
    %dma_start3A_257 = tpu.memref_squeeze %dma_start3A_256 : memref<1x64x128xf32, #tpu.memory_space<vmem>> -> memref<64x128xf32, #tpu.memory_space<vmem>>
    %dma_start3A_258 = arith.constant 0 : i32
    %dma_start3A_259 = tpu.memref_slice %arg3[%dma_start3A_258, %multiple_of3A_252] : memref<64x1000000xf32, #tpu.memory_space<hbm>> -> memref<64x128xf32, #tpu.memory_space<hbm>>
    %dma_start3A_260 = arith.constant 0 : i32
    %dma_start3A_261 = arith.constant 0 : i32
    %dma_start3A_262 = tpu.memref_slice %arg6[%dma_start3A_253, %dma_start3A_260, %dma_start3A_261] : memref<8x64x128xf32, #tpu.memory_space<vmem>> -> memref<1x64x128xf32, #tpu.memory_space<vmem>>
    %dma_start3A_263 = tpu.memref_squeeze %dma_start3A_262 : memref<1x64x128xf32, #tpu.memory_space<vmem>> -> memref<64x128xf32, #tpu.memory_space<vmem>>
    %dma_start3A_264 = arith.constant 0 : i32
    %dma_start3A_265 = tpu.memref_slice %arg3[%dma_start3A_264, %multiple_of3A_252] : memref<64x1000000xf32, #tpu.memory_space<hbm>> -> memref<64x128xf32, #tpu.memory_space<hbm>>
    tpu.enqueue_dma source(%dma_start3A_265 : memref<64x128xf32, #tpu.memory_space<hbm>>) target(%dma_start3A_263 : memref<64x128xf32, #tpu.memory_space<vmem>>) target_semaphore(%arg13 : memref<!tpu.dma_semaphore, #tpu.memory_space<semaphore_mem>>)
    %shift_right_arithmetic3A_266 = arith.constant 7 : i32
    %shift_right_arithmetic3A_267 = arith.shrsi %reduce_sum3A_69, %shift_right_arithmetic3A_266 : i32
    %mul3A_268 = arith.constant 128 : i32
    %mul3A_269 = arith.muli %shift_right_arithmetic3A_267, %mul3A_268 : i32
    %multiple_of3A_270 = tpu.assume_multiple %mul3A_269, 128 : i32
    %dma_start3A_271 = arith.constant 6 : i32
    %dma_start3A_272 = arith.constant 0 : i32
    %dma_start3A_273 = arith.constant 0 : i32
    %dma_start3A_274 = tpu.memref_slice %arg6[%dma_start3A_271, %dma_start3A_272, %dma_start3A_273] : memref<8x64x128xf32, #tpu.memory_space<vmem>> -> memref<1x64x128xf32, #tpu.memory_space<vmem>>
    %dma_start3A_275 = tpu.memref_squeeze %dma_start3A_274 : memref<1x64x128xf32, #tpu.memory_space<vmem>> -> memref<64x128xf32, #tpu.memory_space<vmem>>
    %dma_start3A_276 = arith.constant 0 : i32
    %dma_start3A_277 = tpu.memref_slice %arg3[%dma_start3A_276, %multiple_of3A_270] : memref<64x1000000xf32, #tpu.memory_space<hbm>> -> memref<64x128xf32, #tpu.memory_space<hbm>>
    %dma_start3A_278 = arith.constant 0 : i32
    %dma_start3A_279 = arith.constant 0 : i32
    %dma_start3A_280 = tpu.memref_slice %arg6[%dma_start3A_271, %dma_start3A_278, %dma_start3A_279] : memref<8x64x128xf32, #tpu.memory_space<vmem>> -> memref<1x64x128xf32, #tpu.memory_space<vmem>>
    %dma_start3A_281 = tpu.memref_squeeze %dma_start3A_280 : memref<1x64x128xf32, #tpu.memory_space<vmem>> -> memref<64x128xf32, #tpu.memory_space<vmem>>
    %dma_start3A_282 = arith.constant 0 : i32
    %dma_start3A_283 = tpu.memref_slice %arg3[%dma_start3A_282, %multiple_of3A_270] : memref<64x1000000xf32, #tpu.memory_space<hbm>> -> memref<64x128xf32, #tpu.memory_space<hbm>>
    tpu.enqueue_dma source(%dma_start3A_283 : memref<64x128xf32, #tpu.memory_space<hbm>>) target(%dma_start3A_281 : memref<64x128xf32, #tpu.memory_space<vmem>>) target_semaphore(%arg14 : memref<!tpu.dma_semaphore, #tpu.memory_space<semaphore_mem>>)
    %shift_right_arithmetic3A_284 = arith.constant 7 : i32
    %shift_right_arithmetic3A_285 = arith.shrsi %reduce_sum3A_79, %shift_right_arithmetic3A_284 : i32
    %mul3A_286 = arith.constant 128 : i32
    %mul3A_287 = arith.muli %shift_right_arithmetic3A_285, %mul3A_286 : i32
    %multiple_of3A_288 = tpu.assume_multiple %mul3A_287, 128 : i32
    %dma_start3A_289 = arith.constant 7 : i32
    %dma_start3A_290 = arith.constant 0 : i32
    %dma_start3A_291 = arith.constant 0 : i32
    %dma_start3A_292 = tpu.memref_slice %arg6[%dma_start3A_289, %dma_start3A_290, %dma_start3A_291] : memref<8x64x128xf32, #tpu.memory_space<vmem>> -> memref<1x64x128xf32, #tpu.memory_space<vmem>>
    %dma_start3A_293 = tpu.memref_squeeze %dma_start3A_292 : memref<1x64x128xf32, #tpu.memory_space<vmem>> -> memref<64x128xf32, #tpu.memory_space<vmem>>
    %dma_start3A_294 = arith.constant 0 : i32
    %dma_start3A_295 = tpu.memref_slice %arg3[%dma_start3A_294, %multiple_of3A_288] : memref<64x1000000xf32, #tpu.memory_space<hbm>> -> memref<64x128xf32, #tpu.memory_space<hbm>>
    %dma_start3A_296 = arith.constant 0 : i32
    %dma_start3A_297 = arith.constant 0 : i32
    %dma_start3A_298 = tpu.memref_slice %arg6[%dma_start3A_289, %dma_start3A_296, %dma_start3A_297] : memref<8x64x128xf32, #tpu.memory_space<vmem>> -> memref<1x64x128xf32, #tpu.memory_space<vmem>>
    %dma_start3A_299 = tpu.memref_squeeze %dma_start3A_298 : memref<1x64x128xf32, #tpu.memory_space<vmem>> -> memref<64x128xf32, #tpu.memory_space<vmem>>
    %dma_start3A_300 = arith.constant 0 : i32
    %dma_start3A_301 = tpu.memref_slice %arg3[%dma_start3A_300, %multiple_of3A_288] : memref<64x1000000xf32, #tpu.memory_space<hbm>> -> memref<64x128xf32, #tpu.memory_space<hbm>>
    tpu.enqueue_dma source(%dma_start3A_301 : memref<64x128xf32, #tpu.memory_space<hbm>>) target(%dma_start3A_299 : memref<64x128xf32, #tpu.memory_space<vmem>>) target_semaphore(%arg15 : memref<!tpu.dma_semaphore, #tpu.memory_space<semaphore_mem>>)
    %scan3A = arith.constant 0 : i32
    %scan3A_302 = arith.constant 16 : i32
    %scan3A_303 = arith.addi %scan3A, %scan3A_302 : i32
    %scan3A_304 = arith.constant 1 : i32
    %scan3A_305:16 = scf.for %scan3A_307 = %scan3A to %scan3A_303 step %scan3A_304 iter_args(%scan3A_308 = %reduce_sum3A_9, %scan3A_309 = %reduce_sum3A_19, %scan3A_310 = %reduce_sum3A_29, %scan3A_311 = %reduce_sum3A_39, %scan3A_312 = %reduce_sum3A_49, %scan3A_313 = %reduce_sum3A_59, %scan3A_314 = %reduce_sum3A_69, %scan3A_315 = %reduce_sum3A_79, %scan3A_316 = %reduce_sum3A_89, %scan3A_317 = %reduce_sum3A_99, %scan3A_318 = %reduce_sum3A_109, %scan3A_319 = %reduce_sum3A_119, %scan3A_320 = %reduce_sum3A_129, %scan3A_321 = %reduce_sum3A_139, %scan3A_322 = %reduce_sum3A_149, %scan3A_323 = %reduce_sum3A_159) -> (i32, i32, i32, i32, i32, i32, i32, i32, i32, i32, i32, i32, i32, i32, i32, i32)  : i32 {
      %add3A_324 = arith.constant 1 : i32
      %add3A_325 = arith.addi %scan3A_307, %add3A_324 : i32
      %mul3A_326 = arith.constant 16 : i32
      %mul3A_327 = arith.muli %add3A_325, %mul3A_326 : i32
      %multiple_of3A_328 = tpu.assume_multiple %mul3A_327, 16 : i32
      %get3A_329 = arith.index_cast %multiple_of3A_328 : i32 to index
      %get3A_330 = tpu.vector_load %arg5[%get3A_329] {strides = array<i32>} : memref<272xi32, #tpu.memory_space<vmem>>, vector<16xi32>,
      %eq3A_331 = arith.constant 0 : i32
      %eq3A_332 = vector.broadcast %eq3A_331 : i32 to vector<16xi32>
      %eq3A_333 = arith.cmpi eq, %iota3A, %eq3A_332 : vector<16xi32>
      %jit3A_334 = arith.constant 0 : i32
      %broadcast_in_dim3A_335 = vector.broadcast %jit3A_334 : i32 to vector<16xi32>
      %select_n3A_336 = arith.select %eq3A_333, %get3A_330, %broadcast_in_dim3A_335 : vector<16xi1>, vector<16xi32>
      %reduce_sum3A_337 = arith.constant true
      %reduce_sum3A_338 = vector.broadcast %reduce_sum3A_337 : i1 to vector<16xi1>
      %reduce_sum3A_339 = tpu.scan <sum>, %select_n3A_336 masked %reduce_sum3A_338 : vector<16xi32>, vector<16xi1> -> vector<16xi32>
      %reduce_sum3A_340 = vector.extract %reduce_sum3A_339[15] : i32 from vector<16xi32>
      %eq3A_341 = arith.constant 1 : i32
      %eq3A_342 = vector.broadcast %eq3A_341 : i32 to vector<16xi32>
      %eq3A_343 = arith.cmpi eq, %iota3A, %eq3A_342 : vector<16xi32>
      %jit3A_344 = arith.constant 0 : i32
      %broadcast_in_dim3A_345 = vector.broadcast %jit3A_344 : i32 to vector<16xi32>
      %select_n3A_346 = arith.select %eq3A_343, %get3A_330, %broadcast_in_dim3A_345 : vector<16xi1>, vector<16xi32>
      %reduce_sum3A_347 = arith.constant true
      %reduce_sum3A_348 = vector.broadcast %reduce_sum3A_347 : i1 to vector<16xi1>
      %reduce_sum3A_349 = tpu.scan <sum>, %select_n3A_346 masked %reduce_sum3A_348 : vector<16xi32>, vector<16xi1> -> vector<16xi32>
      %reduce_sum3A_350 = vector.extract %reduce_sum3A_349[15] : i32 from vector<16xi32>
      %eq3A_351 = arith.constant 2 : i32
      %eq3A_352 = vector.broadcast %eq3A_351 : i32 to vector<16xi32>
      %eq3A_353 = arith.cmpi eq, %iota3A, %eq3A_352 : vector<16xi32>
      %jit3A_354 = arith.constant 0 : i32
      %broadcast_in_dim3A_355 = vector.broadcast %jit3A_354 : i32 to vector<16xi32>
      %select_n3A_356 = arith.select %eq3A_353, %get3A_330, %broadcast_in_dim3A_355 : vector<16xi1>, vector<16xi32>
      %reduce_sum3A_357 = arith.constant true
      %reduce_sum3A_358 = vector.broadcast %reduce_sum3A_357 : i1 to vector<16xi1>
      %reduce_sum3A_359 = tpu.scan <sum>, %select_n3A_356 masked %reduce_sum3A_358 : vector<16xi32>, vector<16xi1> -> vector<16xi32>
      %reduce_sum3A_360 = vector.extract %reduce_sum3A_359[15] : i32 from vector<16xi32>
      %eq3A_361 = arith.constant 3 : i32
      %eq3A_362 = vector.broadcast %eq3A_361 : i32 to vector<16xi32>
      %eq3A_363 = arith.cmpi eq, %iota3A, %eq3A_362 : vector<16xi32>
      %jit3A_364 = arith.constant 0 : i32
      %broadcast_in_dim3A_365 = vector.broadcast %jit3A_364 : i32 to vector<16xi32>
      %select_n3A_366 = arith.select %eq3A_363, %get3A_330, %broadcast_in_dim3A_365 : vector<16xi1>, vector<16xi32>
      %reduce_sum3A_367 = arith.constant true
      %reduce_sum3A_368 = vector.broadcast %reduce_sum3A_367 : i1 to vector<16xi1>
      %reduce_sum3A_369 = tpu.scan <sum>, %select_n3A_366 masked %reduce_sum3A_368 : vector<16xi32>, vector<16xi1> -> vector<16xi32>
      %reduce_sum3A_370 = vector.extract %reduce_sum3A_369[15] : i32 from vector<16xi32>
      %eq3A_371 = arith.constant 4 : i32
      %eq3A_372 = vector.broadcast %eq3A_371 : i32 to vector<16xi32>
      %eq3A_373 = arith.cmpi eq, %iota3A, %eq3A_372 : vector<16xi32>
      %jit3A_374 = arith.constant 0 : i32
      %broadcast_in_dim3A_375 = vector.broadcast %jit3A_374 : i32 to vector<16xi32>
      %select_n3A_376 = arith.select %eq3A_373, %get3A_330, %broadcast_in_dim3A_375 : vector<16xi1>, vector<16xi32>
      %reduce_sum3A_377 = arith.constant true
      %reduce_sum3A_378 = vector.broadcast %reduce_sum3A_377 : i1 to vector<16xi1>
      %reduce_sum3A_379 = tpu.scan <sum>, %select_n3A_376 masked %reduce_sum3A_378 : vector<16xi32>, vector<16xi1> -> vector<16xi32>
      %reduce_sum3A_380 = vector.extract %reduce_sum3A_379[15] : i32 from vector<16xi32>
      %eq3A_381 = arith.constant 5 : i32
      %eq3A_382 = vector.broadcast %eq3A_381 : i32 to vector<16xi32>
      %eq3A_383 = arith.cmpi eq, %iota3A, %eq3A_382 : vector<16xi32>
      %jit3A_384 = arith.constant 0 : i32
      %broadcast_in_dim3A_385 = vector.broadcast %jit3A_384 : i32 to vector<16xi32>
      %select_n3A_386 = arith.select %eq3A_383, %get3A_330, %broadcast_in_dim3A_385 : vector<16xi1>, vector<16xi32>
      %reduce_sum3A_387 = arith.constant true
      %reduce_sum3A_388 = vector.broadcast %reduce_sum3A_387 : i1 to vector<16xi1>
      %reduce_sum3A_389 = tpu.scan <sum>, %select_n3A_386 masked %reduce_sum3A_388 : vector<16xi32>, vector<16xi1> -> vector<16xi32>
      %reduce_sum3A_390 = vector.extract %reduce_sum3A_389[15] : i32 from vector<16xi32>
      %eq3A_391 = arith.constant 6 : i32
      %eq3A_392 = vector.broadcast %eq3A_391 : i32 to vector<16xi32>
      %eq3A_393 = arith.cmpi eq, %iota3A, %eq3A_392 : vector<16xi32>
      %jit3A_394 = arith.constant 0 : i32
      %broadcast_in_dim3A_395 = vector.broadcast %jit3A_394 : i32 to vector<16xi32>
      %select_n3A_396 = arith.select %eq3A_393, %get3A_330, %broadcast_in_dim3A_395 : vector<16xi1>, vector<16xi32>
      %reduce_sum3A_397 = arith.constant true
      %reduce_sum3A_398 = vector.broadcast %reduce_sum3A_397 : i1 to vector<16xi1>
      %reduce_sum3A_399 = tpu.scan <sum>, %select_n3A_396 masked %reduce_sum3A_398 : vector<16xi32>, vector<16xi1> -> vector<16xi32>
      %reduce_sum3A_400 = vector.extract %reduce_sum3A_399[15] : i32 from vector<16xi32>
      %eq3A_401 = arith.constant 7 : i32
      %eq3A_402 = vector.broadcast %eq3A_401 : i32 to vector<16xi32>
      %eq3A_403 = arith.cmpi eq, %iota3A, %eq3A_402 : vector<16xi32>
      %jit3A_404 = arith.constant 0 : i32
      %broadcast_in_dim3A_405 = vector.broadcast %jit3A_404 : i32 to vector<16xi32>
      %select_n3A_406 = arith.select %eq3A_403, %get3A_330, %broadcast_in_dim3A_405 : vector<16xi1>, vector<16xi32>
      %reduce_sum3A_407 = arith.constant true
      %reduce_sum3A_408 = vector.broadcast %reduce_sum3A_407 : i1 to vector<16xi1>
      %reduce_sum3A_409 = tpu.scan <sum>, %select_n3A_406 masked %reduce_sum3A_408 : vector<16xi32>, vector<16xi1> -> vector<16xi32>
      %reduce_sum3A_410 = vector.extract %reduce_sum3A_409[15] : i32 from vector<16xi32>
      %eq3A_411 = arith.constant 8 : i32
      %eq3A_412 = vector.broadcast %eq3A_411 : i32 to vector<16xi32>
      %eq3A_413 = arith.cmpi eq, %iota3A, %eq3A_412 : vector<16xi32>
      %jit3A_414 = arith.constant 0 : i32
      %broadcast_in_dim3A_415 = vector.broadcast %jit3A_414 : i32 to vector<16xi32>
      %select_n3A_416 = arith.select %eq3A_413, %get3A_330, %broadcast_in_dim3A_415 : vector<16xi1>, vector<16xi32>
      %reduce_sum3A_417 = arith.constant true
      %reduce_sum3A_418 = vector.broadcast %reduce_sum3A_417 : i1 to vector<16xi1>
      %reduce_sum3A_419 = tpu.scan <sum>, %select_n3A_416 masked %reduce_sum3A_418 : vector<16xi32>, vector<16xi1> -> vector<16xi32>
      %reduce_sum3A_420 = vector.extract %reduce_sum3A_419[15] : i32 from vector<16xi32>
      %eq3A_421 = arith.constant 9 : i32
      %eq3A_422 = vector.broadcast %eq3A_421 : i32 to vector<16xi32>
      %eq3A_423 = arith.cmpi eq, %iota3A, %eq3A_422 : vector<16xi32>
      %jit3A_424 = arith.constant 0 : i32
      %broadcast_in_dim3A_425 = vector.broadcast %jit3A_424 : i32 to vector<16xi32>
      %select_n3A_426 = arith.select %eq3A_423, %get3A_330, %broadcast_in_dim3A_425 : vector<16xi1>, vector<16xi32>
      %reduce_sum3A_427 = arith.constant true
      %reduce_sum3A_428 = vector.broadcast %reduce_sum3A_427 : i1 to vector<16xi1>
      %reduce_sum3A_429 = tpu.scan <sum>, %select_n3A_426 masked %reduce_sum3A_428 : vector<16xi32>, vector<16xi1> -> vector<16xi32>
      %reduce_sum3A_430 = vector.extract %reduce_sum3A_429[15] : i32 from vector<16xi32>
      %eq3A_431 = arith.constant 10 : i32
      %eq3A_432 = vector.broadcast %eq3A_431 : i32 to vector<16xi32>
      %eq3A_433 = arith.cmpi eq, %iota3A, %eq3A_432 : vector<16xi32>
      %jit3A_434 = arith.constant 0 : i32
      %broadcast_in_dim3A_435 = vector.broadcast %jit3A_434 : i32 to vector<16xi32>
      %select_n3A_436 = arith.select %eq3A_433, %get3A_330, %broadcast_in_dim3A_435 : vector<16xi1>, vector<16xi32>
      %reduce_sum3A_437 = arith.constant true
      %reduce_sum3A_438 = vector.broadcast %reduce_sum3A_437 : i1 to vector<16xi1>
      %reduce_sum3A_439 = tpu.scan <sum>, %select_n3A_436 masked %reduce_sum3A_438 : vector<16xi32>, vector<16xi1> -> vector<16xi32>
      %reduce_sum3A_440 = vector.extract %reduce_sum3A_439[15] : i32 from vector<16xi32>
      %eq3A_441 = arith.constant 11 : i32
      %eq3A_442 = vector.broadcast %eq3A_441 : i32 to vector<16xi32>
      %eq3A_443 = arith.cmpi eq, %iota3A, %eq3A_442 : vector<16xi32>
      %jit3A_444 = arith.constant 0 : i32
      %broadcast_in_dim3A_445 = vector.broadcast %jit3A_444 : i32 to vector<16xi32>
      %select_n3A_446 = arith.select %eq3A_443, %get3A_330, %broadcast_in_dim3A_445 : vector<16xi1>, vector<16xi32>
      %reduce_sum3A_447 = arith.constant true
      %reduce_sum3A_448 = vector.broadcast %reduce_sum3A_447 : i1 to vector<16xi1>
      %reduce_sum3A_449 = tpu.scan <sum>, %select_n3A_446 masked %reduce_sum3A_448 : vector<16xi32>, vector<16xi1> -> vector<16xi32>
      %reduce_sum3A_450 = vector.extract %reduce_sum3A_449[15] : i32 from vector<16xi32>
      %eq3A_451 = arith.constant 12 : i32
      %eq3A_452 = vector.broadcast %eq3A_451 : i32 to vector<16xi32>
      %eq3A_453 = arith.cmpi eq, %iota3A, %eq3A_452 : vector<16xi32>
      %jit3A_454 = arith.constant 0 : i32
      %broadcast_in_dim3A_455 = vector.broadcast %jit3A_454 : i32 to vector<16xi32>
      %select_n3A_456 = arith.select %eq3A_453, %get3A_330, %broadcast_in_dim3A_455 : vector<16xi1>, vector<16xi32>
      %reduce_sum3A_457 = arith.constant true
      %reduce_sum3A_458 = vector.broadcast %reduce_sum3A_457 : i1 to vector<16xi1>
      %reduce_sum3A_459 = tpu.scan <sum>, %select_n3A_456 masked %reduce_sum3A_458 : vector<16xi32>, vector<16xi1> -> vector<16xi32>
      %reduce_sum3A_460 = vector.extract %reduce_sum3A_459[15] : i32 from vector<16xi32>
      %eq3A_461 = arith.constant 13 : i32
      %eq3A_462 = vector.broadcast %eq3A_461 : i32 to vector<16xi32>
      %eq3A_463 = arith.cmpi eq, %iota3A, %eq3A_462 : vector<16xi32>
      %jit3A_464 = arith.constant 0 : i32
      %broadcast_in_dim3A_465 = vector.broadcast %jit3A_464 : i32 to vector<16xi32>
      %select_n3A_466 = arith.select %eq3A_463, %get3A_330, %broadcast_in_dim3A_465 : vector<16xi1>, vector<16xi32>
      %reduce_sum3A_467 = arith.constant true
      %reduce_sum3A_468 = vector.broadcast %reduce_sum3A_467 : i1 to vector<16xi1>
      %reduce_sum3A_469 = tpu.scan <sum>, %select_n3A_466 masked %reduce_sum3A_468 : vector<16xi32>, vector<16xi1> -> vector<16xi32>
      %reduce_sum3A_470 = vector.extract %reduce_sum3A_469[15] : i32 from vector<16xi32>
      %eq3A_471 = arith.constant 14 : i32
      %eq3A_472 = vector.broadcast %eq3A_471 : i32 to vector<16xi32>
      %eq3A_473 = arith.cmpi eq, %iota3A, %eq3A_472 : vector<16xi32>
      %jit3A_474 = arith.constant 0 : i32
      %broadcast_in_dim3A_475 = vector.broadcast %jit3A_474 : i32 to vector<16xi32>
      %select_n3A_476 = arith.select %eq3A_473, %get3A_330, %broadcast_in_dim3A_475 : vector<16xi1>, vector<16xi32>
      %reduce_sum3A_477 = arith.constant true
      %reduce_sum3A_478 = vector.broadcast %reduce_sum3A_477 : i1 to vector<16xi1>
      %reduce_sum3A_479 = tpu.scan <sum>, %select_n3A_476 masked %reduce_sum3A_478 : vector<16xi32>, vector<16xi1> -> vector<16xi32>
      %reduce_sum3A_480 = vector.extract %reduce_sum3A_479[15] : i32 from vector<16xi32>
      %eq3A_481 = arith.constant 15 : i32
      %eq3A_482 = vector.broadcast %eq3A_481 : i32 to vector<16xi32>
      %eq3A_483 = arith.cmpi eq, %iota3A, %eq3A_482 : vector<16xi32>
      %jit3A_484 = arith.constant 0 : i32
      %broadcast_in_dim3A_485 = vector.broadcast %jit3A_484 : i32 to vector<16xi32>
      %select_n3A_486 = arith.select %eq3A_483, %get3A_330, %broadcast_in_dim3A_485 : vector<16xi1>, vector<16xi32>
      %reduce_sum3A_487 = arith.constant true
      %reduce_sum3A_488 = vector.broadcast %reduce_sum3A_487 : i1 to vector<16xi1>
      %reduce_sum3A_489 = tpu.scan <sum>, %select_n3A_486 masked %reduce_sum3A_488 : vector<16xi32>, vector<16xi1> -> vector<16xi32>
      %reduce_sum3A_490 = vector.extract %reduce_sum3A_489[15] : i32 from vector<16xi32>
      %dma_wait3A = arith.constant 0 : i32
      %dma_wait3A_491 = arith.constant 0 : i32
      %dma_wait3A_492 = arith.constant 0 : i32
      %dma_wait3A_493 = tpu.memref_slice %arg6[%dma_wait3A, %dma_wait3A_491, %dma_wait3A_492] : memref<8x64x128xf32, #tpu.memory_space<vmem>> -> memref<1x64x128xf32, #tpu.memory_space<vmem>>
      %dma_wait3A_494 = tpu.memref_squeeze %dma_wait3A_493 : memref<1x64x128xf32, #tpu.memory_space<vmem>> -> memref<64x128xf32, #tpu.memory_space<vmem>>
      %dma_wait3A_495 = arith.constant 0 : i32
      %dma_wait3A_496 = arith.constant 0 : i32
      %dma_wait3A_497 = tpu.memref_slice %arg3[%dma_wait3A_495, %dma_wait3A_496] : memref<64x1000000xf32, #tpu.memory_space<hbm>> -> memref<64x128xf32, #tpu.memory_space<hbm>>
      %dma_wait3A_498 = arith.constant 0 : i32
      %dma_wait3A_499 = arith.constant 0 : i32
      %dma_wait3A_500 = tpu.memref_slice %arg6[%dma_wait3A, %dma_wait3A_498, %dma_wait3A_499] : memref<8x64x128xf32, #tpu.memory_space<vmem>> -> memref<1x64x128xf32, #tpu.memory_space<vmem>>
      %dma_wait3A_501 = tpu.memref_squeeze %dma_wait3A_500 : memref<1x64x128xf32, #tpu.memory_space<vmem>> -> memref<64x128xf32, #tpu.memory_space<vmem>>
      %dma_wait3A_502 = arith.constant 0 : i32
      %dma_wait3A_503 = arith.constant 0 : i32
      %dma_wait3A_504 = tpu.memref_slice %arg3[%dma_wait3A_502, %dma_wait3A_503] : memref<64x1000000xf32, #tpu.memory_space<hbm>> -> memref<64x128xf32, #tpu.memory_space<hbm>>
      tpu.wait_dma2 semaphore(%arg8 : memref<!tpu.dma_semaphore, #tpu.memory_space<semaphore_mem>>) src(%dma_wait3A_504 : memref<64x128xf32, #tpu.memory_space<hbm>>) dst(%dma_wait3A_501 : memref<64x128xf32, #tpu.memory_space<vmem>>)
      %mul3A_505 = arith.constant 16 : i32
      %mul3A_506 = arith.muli %scan3A_307, %mul3A_505 : i32
      %add3A_507 = arith.constant 0 : i32
      %add3A_508 = arith.addi %mul3A_506, %add3A_507 : i32
      %broadcast_in_dim3A_509 = vector.broadcast %add3A_508 : i32 to vector<16xi32>
      %and3A = arith.constant 127 : i32
      %and3A_510 = arith.andi %scan3A_308, %and3A : i32
      %broadcast_in_dim3A_511 = vector.broadcast %and3A_510 : i32 to vector<16xi32>
      %add3A_512 = arith.constant 0 : i32
      %add3A_513 = vector.broadcast %add3A_512 : i32 to vector<16xi32>
      %add3A_514 = arith.addi %iota3A, %add3A_513 : vector<16xi32>
      %gather3A = arith.constant 0 : i32
      %gather3A_515 = arith.constant 0 : i32
      %gather3A_516 = arith.constant 0 : i32
      %gather3A_517 = tpu.memref_slice %arg6[%gather3A, %gather3A_515, %gather3A_516] : memref<8x64x128xf32, #tpu.memory_space<vmem>> -> memref<1x64x128xf32, #tpu.memory_space<vmem>>
      %gather3A_518 = tpu.memref_squeeze %gather3A_517 : memref<1x64x128xf32, #tpu.memory_space<vmem>> -> memref<64x128xf32, #tpu.memory_space<vmem>>
      %gather3A_519 = tpu.vector_load_idx %gather3A_518[%add3A_514, %broadcast_in_dim3A_511] : memref<64x128xf32, #tpu.memory_space<vmem>>[vector<16xi32>, vector<16xi32>], vector<16xf32>,
      tpu.vector_store_idx %arg7[%add3A_514, %broadcast_in_dim3A_509], %gather3A_519 : memref<64x256xf32, #tpu.memory_space<vmem>>[vector<16xi32>, vector<16xi32>], vector<16xf32>,
      %add3A_520 = arith.constant 16 : i32
      %add3A_521 = vector.broadcast %add3A_520 : i32 to vector<16xi32>
      %add3A_522 = arith.addi %iota3A, %add3A_521 : vector<16xi32>
      %gather3A_523 = arith.constant 0 : i32
      %gather3A_524 = arith.constant 0 : i32
      %gather3A_525 = arith.constant 0 : i32
      %gather3A_526 = tpu.memref_slice %arg6[%gather3A_523, %gather3A_524, %gather3A_525] : memref<8x64x128xf32, #tpu.memory_space<vmem>> -> memref<1x64x128xf32, #tpu.memory_space<vmem>>
      %gather3A_527 = tpu.memref_squeeze %gather3A_526 : memref<1x64x128xf32, #tpu.memory_space<vmem>> -> memref<64x128xf32, #tpu.memory_space<vmem>>
      %gather3A_528 = tpu.vector_load_idx %gather3A_527[%add3A_522, %broadcast_in_dim3A_511] : memref<64x128xf32, #tpu.memory_space<vmem>>[vector<16xi32>, vector<16xi32>], vector<16xf32>,
      tpu.vector_store_idx %arg7[%add3A_522, %broadcast_in_dim3A_509], %gather3A_528 : memref<64x256xf32, #tpu.memory_space<vmem>>[vector<16xi32>, vector<16xi32>], vector<16xf32>,
      %add3A_529 = arith.constant 32 : i32
      %add3A_530 = vector.broadcast %add3A_529 : i32 to vector<16xi32>
      %add3A_531 = arith.addi %iota3A, %add3A_530 : vector<16xi32>
      %gather3A_532 = arith.constant 0 : i32
      %gather3A_533 = arith.constant 0 : i32
      %gather3A_534 = arith.constant 0 : i32
      %gather3A_535 = tpu.memref_slice %arg6[%gather3A_532, %gather3A_533, %gather3A_534] : memref<8x64x128xf32, #tpu.memory_space<vmem>> -> memref<1x64x128xf32, #tpu.memory_space<vmem>>
      %gather3A_536 = tpu.memref_squeeze %gather3A_535 : memref<1x64x128xf32, #tpu.memory_space<vmem>> -> memref<64x128xf32, #tpu.memory_space<vmem>>
      %gather3A_537 = tpu.vector_load_idx %gather3A_536[%add3A_531, %broadcast_in_dim3A_511] : memref<64x128xf32, #tpu.memory_space<vmem>>[vector<16xi32>, vector<16xi32>], vector<16xf32>,
      tpu.vector_store_idx %arg7[%add3A_531, %broadcast_in_dim3A_509], %gather3A_537 : memref<64x256xf32, #tpu.memory_space<vmem>>[vector<16xi32>, vector<16xi32>], vector<16xf32>,
      %add3A_538 = arith.constant 48 : i32
      %add3A_539 = vector.broadcast %add3A_538 : i32 to vector<16xi32>
      %add3A_540 = arith.addi %iota3A, %add3A_539 : vector<16xi32>
      %gather3A_541 = arith.constant 0 : i32
      %gather3A_542 = arith.constant 0 : i32
      %gather3A_543 = arith.constant 0 : i32
      %gather3A_544 = tpu.memref_slice %arg6[%gather3A_541, %gather3A_542, %gather3A_543] : memref<8x64x128xf32, #tpu.memory_space<vmem>> -> memref<1x64x128xf32, #tpu.memory_space<vmem>>
      %gather3A_545 = tpu.memref_squeeze %gather3A_544 : memref<1x64x128xf32, #tpu.memory_space<vmem>> -> memref<64x128xf32, #tpu.memory_space<vmem>>
      %gather3A_546 = tpu.vector_load_idx %gather3A_545[%add3A_540, %broadcast_in_dim3A_511] : memref<64x128xf32, #tpu.memory_space<vmem>>[vector<16xi32>, vector<16xi32>], vector<16xf32>,
      tpu.vector_store_idx %arg7[%add3A_540, %broadcast_in_dim3A_509], %gather3A_546 : memref<64x256xf32, #tpu.memory_space<vmem>>[vector<16xi32>, vector<16xi32>], vector<16xf32>,
      %mul3A_547 = arith.constant 16 : i32
      %mul3A_548 = arith.muli %scan3A_307, %mul3A_547 : i32
      %add3A_549 = arith.constant 0 : i32
      %add3A_550 = arith.addi %mul3A_548, %add3A_549 : i32
      %add3A_551 = arith.constant 8 : i32
      %add3A_552 = arith.addi %add3A_550, %add3A_551 : i32
      %lt3A = arith.constant 256 : i32
      %lt3A_553 = arith.cmpi slt, %add3A_552, %lt3A : i32
      %convert_element_type3A = arith.extui %lt3A_553 : i1 to i32
      %cond3A = arith.constant 0 : i32
      %cond3A_554 = arith.cmpi ne, %convert_element_type3A, %cond3A : i32
      scf.if %cond3A_554 {
        %shift_right_arithmetic3A_1605 = arith.constant 7 : i32
        %shift_right_arithmetic3A_1606 = arith.shrsi %scan3A_316, %shift_right_arithmetic3A_1605 : i32
        %mul3A_1607 = arith.constant 128 : i32
        %mul3A_1608 = arith.muli %shift_right_arithmetic3A_1606, %mul3A_1607 : i32
        %multiple_of3A_1609 = tpu.assume_multiple %mul3A_1608, 128 : i32
        %dma_start3A_1610 = arith.constant 0 : i32
        %dma_start3A_1611 = arith.constant 0 : i32
        %dma_start3A_1612 = arith.constant 0 : i32
        %dma_start3A_1613 = tpu.memref_slice %arg6[%dma_start3A_1610, %dma_start3A_1611, %dma_start3A_1612] : memref<8x64x128xf32, #tpu.memory_space<vmem>> -> memref<1x64x128xf32, #tpu.memory_space<vmem>>
        %dma_start3A_1614 = tpu.memref_squeeze %dma_start3A_1613 : memref<1x64x128xf32, #tpu.memory_space<vmem>> -> memref<64x128xf32, #tpu.memory_space<vmem>>
        %dma_start3A_1615 = arith.constant 0 : i32
        %dma_start3A_1616 = tpu.memref_slice %arg3[%dma_start3A_1615, %multiple_of3A_1609] : memref<64x1000000xf32, #tpu.memory_space<hbm>> -> memref<64x128xf32, #tpu.memory_space<hbm>>
        %dma_start3A_1617 = arith.constant 0 : i32
        %dma_start3A_1618 = arith.constant 0 : i32
        %dma_start3A_1619 = tpu.memref_slice %arg6[%dma_start3A_1610, %dma_start3A_1617, %dma_start3A_1618] : memref<8x64x128xf32, #tpu.memory_space<vmem>> -> memref<1x64x128xf32, #tpu.memory_space<vmem>>
        %dma_start3A_1620 = tpu.memref_squeeze %dma_start3A_1619 : memref<1x64x128xf32, #tpu.memory_space<vmem>> -> memref<64x128xf32, #tpu.memory_space<vmem>>
        %dma_start3A_1621 = arith.constant 0 : i32
        %dma_start3A_1622 = tpu.memref_slice %arg3[%dma_start3A_1621, %multiple_of3A_1609] : memref<64x1000000xf32, #tpu.memory_space<hbm>> -> memref<64x128xf32, #tpu.memory_space<hbm>>
        tpu.enqueue_dma source(%dma_start3A_1622 : memref<64x128xf32, #tpu.memory_space<hbm>>) target(%dma_start3A_1620 : memref<64x128xf32, #tpu.memory_space<vmem>>) target_semaphore(%arg8 : memref<!tpu.dma_semaphore, #tpu.memory_space<semaphore_mem>>)
      } else {
      }
      %dma_wait3A_555 = arith.constant 1 : i32
      %dma_wait3A_556 = arith.constant 0 : i32
      %dma_wait3A_557 = arith.constant 0 : i32
      %dma_wait3A_558 = tpu.memref_slice %arg6[%dma_wait3A_555, %dma_wait3A_556, %dma_wait3A_557] : memref<8x64x128xf32, #tpu.memory_space<vmem>> -> memref<1x64x128xf32, #tpu.memory_space<vmem>>
      %dma_wait3A_559 = tpu.memref_squeeze %dma_wait3A_558 : memref<1x64x128xf32, #tpu.memory_space<vmem>> -> memref<64x128xf32, #tpu.memory_space<vmem>>
      %dma_wait3A_560 = arith.constant 0 : i32
      %dma_wait3A_561 = arith.constant 0 : i32
      %dma_wait3A_562 = tpu.memref_slice %arg3[%dma_wait3A_560, %dma_wait3A_561] : memref<64x1000000xf32, #tpu.memory_space<hbm>> -> memref<64x128xf32, #tpu.memory_space<hbm>>
      %dma_wait3A_563 = arith.constant 0 : i32
      %dma_wait3A_564 = arith.constant 0 : i32
      %dma_wait3A_565 = tpu.memref_slice %arg6[%dma_wait3A_555, %dma_wait3A_563, %dma_wait3A_564] : memref<8x64x128xf32, #tpu.memory_space<vmem>> -> memref<1x64x128xf32, #tpu.memory_space<vmem>>
      %dma_wait3A_566 = tpu.memref_squeeze %dma_wait3A_565 : memref<1x64x128xf32, #tpu.memory_space<vmem>> -> memref<64x128xf32, #tpu.memory_space<vmem>>
      %dma_wait3A_567 = arith.constant 0 : i32
      %dma_wait3A_568 = arith.constant 0 : i32
      %dma_wait3A_569 = tpu.memref_slice %arg3[%dma_wait3A_567, %dma_wait3A_568] : memref<64x1000000xf32, #tpu.memory_space<hbm>> -> memref<64x128xf32, #tpu.memory_space<hbm>>
      tpu.wait_dma2 semaphore(%arg9 : memref<!tpu.dma_semaphore, #tpu.memory_space<semaphore_mem>>) src(%dma_wait3A_569 : memref<64x128xf32, #tpu.memory_space<hbm>>) dst(%dma_wait3A_566 : memref<64x128xf32, #tpu.memory_space<vmem>>)
      %mul3A_570 = arith.constant 16 : i32
      %mul3A_571 = arith.muli %scan3A_307, %mul3A_570 : i32
      %add3A_572 = arith.constant 1 : i32
      %add3A_573 = arith.addi %mul3A_571, %add3A_572 : i32
      %broadcast_in_dim3A_574 = vector.broadcast %add3A_573 : i32 to vector<16xi32>
      %and3A_575 = arith.constant 127 : i32
      %and3A_576 = arith.andi %scan3A_309, %and3A_575 : i32
      %broadcast_in_dim3A_577 = vector.broadcast %and3A_576 : i32 to vector<16xi32>
      %add3A_578 = arith.constant 0 : i32
      %add3A_579 = vector.broadcast %add3A_578 : i32 to vector<16xi32>
      %add3A_580 = arith.addi %iota3A, %add3A_579 : vector<16xi32>
      %gather3A_581 = arith.constant 1 : i32
      %gather3A_582 = arith.constant 0 : i32
      %gather3A_583 = arith.constant 0 : i32
      %gather3A_584 = tpu.memref_slice %arg6[%gather3A_581, %gather3A_582, %gather3A_583] : memref<8x64x128xf32, #tpu.memory_space<vmem>> -> memref<1x64x128xf32, #tpu.memory_space<vmem>>
      %gather3A_585 = tpu.memref_squeeze %gather3A_584 : memref<1x64x128xf32, #tpu.memory_space<vmem>> -> memref<64x128xf32, #tpu.memory_space<vmem>>
      %gather3A_586 = tpu.vector_load_idx %gather3A_585[%add3A_580, %broadcast_in_dim3A_577] : memref<64x128xf32, #tpu.memory_space<vmem>>[vector<16xi32>, vector<16xi32>], vector<16xf32>,
      tpu.vector_store_idx %arg7[%add3A_580, %broadcast_in_dim3A_574], %gather3A_586 : memref<64x256xf32, #tpu.memory_space<vmem>>[vector<16xi32>, vector<16xi32>], vector<16xf32>,
      %add3A_587 = arith.constant 16 : i32
      %add3A_588 = vector.broadcast %add3A_587 : i32 to vector<16xi32>
      %add3A_589 = arith.addi %iota3A, %add3A_588 : vector<16xi32>
      %gather3A_590 = arith.constant 1 : i32
      %gather3A_591 = arith.constant 0 : i32
      %gather3A_592 = arith.constant 0 : i32
      %gather3A_593 = tpu.memref_slice %arg6[%gather3A_590, %gather3A_591, %gather3A_592] : memref<8x64x128xf32, #tpu.memory_space<vmem>> -> memref<1x64x128xf32, #tpu.memory_space<vmem>>
      %gather3A_594 = tpu.memref_squeeze %gather3A_593 : memref<1x64x128xf32, #tpu.memory_space<vmem>> -> memref<64x128xf32, #tpu.memory_space<vmem>>
      %gather3A_595 = tpu.vector_load_idx %gather3A_594[%add3A_589, %broadcast_in_dim3A_577] : memref<64x128xf32, #tpu.memory_space<vmem>>[vector<16xi32>, vector<16xi32>], vector<16xf32>,
      tpu.vector_store_idx %arg7[%add3A_589, %broadcast_in_dim3A_574], %gather3A_595 : memref<64x256xf32, #tpu.memory_space<vmem>>[vector<16xi32>, vector<16xi32>], vector<16xf32>,
      %add3A_596 = arith.constant 32 : i32
      %add3A_597 = vector.broadcast %add3A_596 : i32 to vector<16xi32>
      %add3A_598 = arith.addi %iota3A, %add3A_597 : vector<16xi32>
      %gather3A_599 = arith.constant 1 : i32
      %gather3A_600 = arith.constant 0 : i32
      %gather3A_601 = arith.constant 0 : i32
      %gather3A_602 = tpu.memref_slice %arg6[%gather3A_599, %gather3A_600, %gather3A_601] : memref<8x64x128xf32, #tpu.memory_space<vmem>> -> memref<1x64x128xf32, #tpu.memory_space<vmem>>
      %gather3A_603 = tpu.memref_squeeze %gather3A_602 : memref<1x64x128xf32, #tpu.memory_space<vmem>> -> memref<64x128xf32, #tpu.memory_space<vmem>>
      %gather3A_604 = tpu.vector_load_idx %gather3A_603[%add3A_598, %broadcast_in_dim3A_577] : memref<64x128xf32, #tpu.memory_space<vmem>>[vector<16xi32>, vector<16xi32>], vector<16xf32>,
      tpu.vector_store_idx %arg7[%add3A_598, %broadcast_in_dim3A_574], %gather3A_604 : memref<64x256xf32, #tpu.memory_space<vmem>>[vector<16xi32>, vector<16xi32>], vector<16xf32>,
      %add3A_605 = arith.constant 48 : i32
      %add3A_606 = vector.broadcast %add3A_605 : i32 to vector<16xi32>
      %add3A_607 = arith.addi %iota3A, %add3A_606 : vector<16xi32>
      %gather3A_608 = arith.constant 1 : i32
      %gather3A_609 = arith.constant 0 : i32
      %gather3A_610 = arith.constant 0 : i32
      %gather3A_611 = tpu.memref_slice %arg6[%gather3A_608, %gather3A_609, %gather3A_610] : memref<8x64x128xf32, #tpu.memory_space<vmem>> -> memref<1x64x128xf32, #tpu.memory_space<vmem>>
      %gather3A_612 = tpu.memref_squeeze %gather3A_611 : memref<1x64x128xf32, #tpu.memory_space<vmem>> -> memref<64x128xf32, #tpu.memory_space<vmem>>
      %gather3A_613 = tpu.vector_load_idx %gather3A_612[%add3A_607, %broadcast_in_dim3A_577] : memref<64x128xf32, #tpu.memory_space<vmem>>[vector<16xi32>, vector<16xi32>], vector<16xf32>,
      tpu.vector_store_idx %arg7[%add3A_607, %broadcast_in_dim3A_574], %gather3A_613 : memref<64x256xf32, #tpu.memory_space<vmem>>[vector<16xi32>, vector<16xi32>], vector<16xf32>,
      %mul3A_614 = arith.constant 16 : i32
      %mul3A_615 = arith.muli %scan3A_307, %mul3A_614 : i32
      %add3A_616 = arith.constant 1 : i32
      %add3A_617 = arith.addi %mul3A_615, %add3A_616 : i32
      %add3A_618 = arith.constant 8 : i32
      %add3A_619 = arith.addi %add3A_617, %add3A_618 : i32
      %lt3A_620 = arith.constant 256 : i32
      %lt3A_621 = arith.cmpi slt, %add3A_619, %lt3A_620 : i32
      %convert_element_type3A_622 = arith.extui %lt3A_621 : i1 to i32
      %cond3A_623 = arith.constant 0 : i32
      %cond3A_624 = arith.cmpi ne, %convert_element_type3A_622, %cond3A_623 : i32
      scf.if %cond3A_624 {
        %shift_right_arithmetic3A_1605 = arith.constant 7 : i32
        %shift_right_arithmetic3A_1606 = arith.shrsi %scan3A_317, %shift_right_arithmetic3A_1605 : i32
        %mul3A_1607 = arith.constant 128 : i32
        %mul3A_1608 = arith.muli %shift_right_arithmetic3A_1606, %mul3A_1607 : i32
        %multiple_of3A_1609 = tpu.assume_multiple %mul3A_1608, 128 : i32
        %dma_start3A_1610 = arith.constant 1 : i32
        %dma_start3A_1611 = arith.constant 0 : i32
        %dma_start3A_1612 = arith.constant 0 : i32
        %dma_start3A_1613 = tpu.memref_slice %arg6[%dma_start3A_1610, %dma_start3A_1611, %dma_start3A_1612] : memref<8x64x128xf32, #tpu.memory_space<vmem>> -> memref<1x64x128xf32, #tpu.memory_space<vmem>>
        %dma_start3A_1614 = tpu.memref_squeeze %dma_start3A_1613 : memref<1x64x128xf32, #tpu.memory_space<vmem>> -> memref<64x128xf32, #tpu.memory_space<vmem>>
        %dma_start3A_1615 = arith.constant 0 : i32
        %dma_start3A_1616 = tpu.memref_slice %arg3[%dma_start3A_1615, %multiple_of3A_1609] : memref<64x1000000xf32, #tpu.memory_space<hbm>> -> memref<64x128xf32, #tpu.memory_space<hbm>>
        %dma_start3A_1617 = arith.constant 0 : i32
        %dma_start3A_1618 = arith.constant 0 : i32
        %dma_start3A_1619 = tpu.memref_slice %arg6[%dma_start3A_1610, %dma_start3A_1617, %dma_start3A_1618] : memref<8x64x128xf32, #tpu.memory_space<vmem>> -> memref<1x64x128xf32, #tpu.memory_space<vmem>>
        %dma_start3A_1620 = tpu.memref_squeeze %dma_start3A_1619 : memref<1x64x128xf32, #tpu.memory_space<vmem>> -> memref<64x128xf32, #tpu.memory_space<vmem>>
        %dma_start3A_1621 = arith.constant 0 : i32
        %dma_start3A_1622 = tpu.memref_slice %arg3[%dma_start3A_1621, %multiple_of3A_1609] : memref<64x1000000xf32, #tpu.memory_space<hbm>> -> memref<64x128xf32, #tpu.memory_space<hbm>>
        tpu.enqueue_dma source(%dma_start3A_1622 : memref<64x128xf32, #tpu.memory_space<hbm>>) target(%dma_start3A_1620 : memref<64x128xf32, #tpu.memory_space<vmem>>) target_semaphore(%arg9 : memref<!tpu.dma_semaphore, #tpu.memory_space<semaphore_mem>>)
      } else {
      }
      %dma_wait3A_625 = arith.constant 2 : i32
      %dma_wait3A_626 = arith.constant 0 : i32
      %dma_wait3A_627 = arith.constant 0 : i32
      %dma_wait3A_628 = tpu.memref_slice %arg6[%dma_wait3A_625, %dma_wait3A_626, %dma_wait3A_627] : memref<8x64x128xf32, #tpu.memory_space<vmem>> -> memref<1x64x128xf32, #tpu.memory_space<vmem>>
      %dma_wait3A_629 = tpu.memref_squeeze %dma_wait3A_628 : memref<1x64x128xf32, #tpu.memory_space<vmem>> -> memref<64x128xf32, #tpu.memory_space<vmem>>
      %dma_wait3A_630 = arith.constant 0 : i32
      %dma_wait3A_631 = arith.constant 0 : i32
      %dma_wait3A_632 = tpu.memref_slice %arg3[%dma_wait3A_630, %dma_wait3A_631] : memref<64x1000000xf32, #tpu.memory_space<hbm>> -> memref<64x128xf32, #tpu.memory_space<hbm>>
      %dma_wait3A_633 = arith.constant 0 : i32
      %dma_wait3A_634 = arith.constant 0 : i32
      %dma_wait3A_635 = tpu.memref_slice %arg6[%dma_wait3A_625, %dma_wait3A_633, %dma_wait3A_634] : memref<8x64x128xf32, #tpu.memory_space<vmem>> -> memref<1x64x128xf32, #tpu.memory_space<vmem>>
      %dma_wait3A_636 = tpu.memref_squeeze %dma_wait3A_635 : memref<1x64x128xf32, #tpu.memory_space<vmem>> -> memref<64x128xf32, #tpu.memory_space<vmem>>
      %dma_wait3A_637 = arith.constant 0 : i32
      %dma_wait3A_638 = arith.constant 0 : i32
      %dma_wait3A_639 = tpu.memref_slice %arg3[%dma_wait3A_637, %dma_wait3A_638] : memref<64x1000000xf32, #tpu.memory_space<hbm>> -> memref<64x128xf32, #tpu.memory_space<hbm>>
      tpu.wait_dma2 semaphore(%arg10 : memref<!tpu.dma_semaphore, #tpu.memory_space<semaphore_mem>>) src(%dma_wait3A_639 : memref<64x128xf32, #tpu.memory_space<hbm>>) dst(%dma_wait3A_636 : memref<64x128xf32, #tpu.memory_space<vmem>>)
      %mul3A_640 = arith.constant 16 : i32
      %mul3A_641 = arith.muli %scan3A_307, %mul3A_640 : i32
      %add3A_642 = arith.constant 2 : i32
      %add3A_643 = arith.addi %mul3A_641, %add3A_642 : i32
      %broadcast_in_dim3A_644 = vector.broadcast %add3A_643 : i32 to vector<16xi32>
      %and3A_645 = arith.constant 127 : i32
      %and3A_646 = arith.andi %scan3A_310, %and3A_645 : i32
      %broadcast_in_dim3A_647 = vector.broadcast %and3A_646 : i32 to vector<16xi32>
      %add3A_648 = arith.constant 0 : i32
      %add3A_649 = vector.broadcast %add3A_648 : i32 to vector<16xi32>
      %add3A_650 = arith.addi %iota3A, %add3A_649 : vector<16xi32>
      %gather3A_651 = arith.constant 2 : i32
      %gather3A_652 = arith.constant 0 : i32
      %gather3A_653 = arith.constant 0 : i32
      %gather3A_654 = tpu.memref_slice %arg6[%gather3A_651, %gather3A_652, %gather3A_653] : memref<8x64x128xf32, #tpu.memory_space<vmem>> -> memref<1x64x128xf32, #tpu.memory_space<vmem>>
      %gather3A_655 = tpu.memref_squeeze %gather3A_654 : memref<1x64x128xf32, #tpu.memory_space<vmem>> -> memref<64x128xf32, #tpu.memory_space<vmem>>
      %gather3A_656 = tpu.vector_load_idx %gather3A_655[%add3A_650, %broadcast_in_dim3A_647] : memref<64x128xf32, #tpu.memory_space<vmem>>[vector<16xi32>, vector<16xi32>], vector<16xf32>,
      tpu.vector_store_idx %arg7[%add3A_650, %broadcast_in_dim3A_644], %gather3A_656 : memref<64x256xf32, #tpu.memory_space<vmem>>[vector<16xi32>, vector<16xi32>], vector<16xf32>,
      %add3A_657 = arith.constant 16 : i32
      %add3A_658 = vector.broadcast %add3A_657 : i32 to vector<16xi32>
      %add3A_659 = arith.addi %iota3A, %add3A_658 : vector<16xi32>
      %gather3A_660 = arith.constant 2 : i32
      %gather3A_661 = arith.constant 0 : i32
      %gather3A_662 = arith.constant 0 : i32
      %gather3A_663 = tpu.memref_slice %arg6[%gather3A_660, %gather3A_661, %gather3A_662] : memref<8x64x128xf32, #tpu.memory_space<vmem>> -> memref<1x64x128xf32, #tpu.memory_space<vmem>>
      %gather3A_664 = tpu.memref_squeeze %gather3A_663 : memref<1x64x128xf32, #tpu.memory_space<vmem>> -> memref<64x128xf32, #tpu.memory_space<vmem>>
      %gather3A_665 = tpu.vector_load_idx %gather3A_664[%add3A_659, %broadcast_in_dim3A_647] : memref<64x128xf32, #tpu.memory_space<vmem>>[vector<16xi32>, vector<16xi32>], vector<16xf32>,
      tpu.vector_store_idx %arg7[%add3A_659, %broadcast_in_dim3A_644], %gather3A_665 : memref<64x256xf32, #tpu.memory_space<vmem>>[vector<16xi32>, vector<16xi32>], vector<16xf32>,
      %add3A_666 = arith.constant 32 : i32
      %add3A_667 = vector.broadcast %add3A_666 : i32 to vector<16xi32>
      %add3A_668 = arith.addi %iota3A, %add3A_667 : vector<16xi32>
      %gather3A_669 = arith.constant 2 : i32
      %gather3A_670 = arith.constant 0 : i32
      %gather3A_671 = arith.constant 0 : i32
      %gather3A_672 = tpu.memref_slice %arg6[%gather3A_669, %gather3A_670, %gather3A_671] : memref<8x64x128xf32, #tpu.memory_space<vmem>> -> memref<1x64x128xf32, #tpu.memory_space<vmem>>
      %gather3A_673 = tpu.memref_squeeze %gather3A_672 : memref<1x64x128xf32, #tpu.memory_space<vmem>> -> memref<64x128xf32, #tpu.memory_space<vmem>>
      %gather3A_674 = tpu.vector_load_idx %gather3A_673[%add3A_668, %broadcast_in_dim3A_647] : memref<64x128xf32, #tpu.memory_space<vmem>>[vector<16xi32>, vector<16xi32>], vector<16xf32>,
      tpu.vector_store_idx %arg7[%add3A_668, %broadcast_in_dim3A_644], %gather3A_674 : memref<64x256xf32, #tpu.memory_space<vmem>>[vector<16xi32>, vector<16xi32>], vector<16xf32>,
      %add3A_675 = arith.constant 48 : i32
      %add3A_676 = vector.broadcast %add3A_675 : i32 to vector<16xi32>
      %add3A_677 = arith.addi %iota3A, %add3A_676 : vector<16xi32>
      %gather3A_678 = arith.constant 2 : i32
      %gather3A_679 = arith.constant 0 : i32
      %gather3A_680 = arith.constant 0 : i32
      %gather3A_681 = tpu.memref_slice %arg6[%gather3A_678, %gather3A_679, %gather3A_680] : memref<8x64x128xf32, #tpu.memory_space<vmem>> -> memref<1x64x128xf32, #tpu.memory_space<vmem>>
      %gather3A_682 = tpu.memref_squeeze %gather3A_681 : memref<1x64x128xf32, #tpu.memory_space<vmem>> -> memref<64x128xf32, #tpu.memory_space<vmem>>
      %gather3A_683 = tpu.vector_load_idx %gather3A_682[%add3A_677, %broadcast_in_dim3A_647] : memref<64x128xf32, #tpu.memory_space<vmem>>[vector<16xi32>, vector<16xi32>], vector<16xf32>,
      tpu.vector_store_idx %arg7[%add3A_677, %broadcast_in_dim3A_644], %gather3A_683 : memref<64x256xf32, #tpu.memory_space<vmem>>[vector<16xi32>, vector<16xi32>], vector<16xf32>,
      %mul3A_684 = arith.constant 16 : i32
      %mul3A_685 = arith.muli %scan3A_307, %mul3A_684 : i32
      %add3A_686 = arith.constant 2 : i32
      %add3A_687 = arith.addi %mul3A_685, %add3A_686 : i32
      %add3A_688 = arith.constant 8 : i32
      %add3A_689 = arith.addi %add3A_687, %add3A_688 : i32
      %lt3A_690 = arith.constant 256 : i32
      %lt3A_691 = arith.cmpi slt, %add3A_689, %lt3A_690 : i32
      %convert_element_type3A_692 = arith.extui %lt3A_691 : i1 to i32
      %cond3A_693 = arith.constant 0 : i32
      %cond3A_694 = arith.cmpi ne, %convert_element_type3A_692, %cond3A_693 : i32
      scf.if %cond3A_694 {
        %shift_right_arithmetic3A_1605 = arith.constant 7 : i32
        %shift_right_arithmetic3A_1606 = arith.shrsi %scan3A_318, %shift_right_arithmetic3A_1605 : i32
        %mul3A_1607 = arith.constant 128 : i32
        %mul3A_1608 = arith.muli %shift_right_arithmetic3A_1606, %mul3A_1607 : i32
        %multiple_of3A_1609 = tpu.assume_multiple %mul3A_1608, 128 : i32
        %dma_start3A_1610 = arith.constant 2 : i32
        %dma_start3A_1611 = arith.constant 0 : i32
        %dma_start3A_1612 = arith.constant 0 : i32
        %dma_start3A_1613 = tpu.memref_slice %arg6[%dma_start3A_1610, %dma_start3A_1611, %dma_start3A_1612] : memref<8x64x128xf32, #tpu.memory_space<vmem>> -> memref<1x64x128xf32, #tpu.memory_space<vmem>>
        %dma_start3A_1614 = tpu.memref_squeeze %dma_start3A_1613 : memref<1x64x128xf32, #tpu.memory_space<vmem>> -> memref<64x128xf32, #tpu.memory_space<vmem>>
        %dma_start3A_1615 = arith.constant 0 : i32
        %dma_start3A_1616 = tpu.memref_slice %arg3[%dma_start3A_1615, %multiple_of3A_1609] : memref<64x1000000xf32, #tpu.memory_space<hbm>> -> memref<64x128xf32, #tpu.memory_space<hbm>>
        %dma_start3A_1617 = arith.constant 0 : i32
        %dma_start3A_1618 = arith.constant 0 : i32
        %dma_start3A_1619 = tpu.memref_slice %arg6[%dma_start3A_1610, %dma_start3A_1617, %dma_start3A_1618] : memref<8x64x128xf32, #tpu.memory_space<vmem>> -> memref<1x64x128xf32, #tpu.memory_space<vmem>>
        %dma_start3A_1620 = tpu.memref_squeeze %dma_start3A_1619 : memref<1x64x128xf32, #tpu.memory_space<vmem>> -> memref<64x128xf32, #tpu.memory_space<vmem>>
        %dma_start3A_1621 = arith.constant 0 : i32
        %dma_start3A_1622 = tpu.memref_slice %arg3[%dma_start3A_1621, %multiple_of3A_1609] : memref<64x1000000xf32, #tpu.memory_space<hbm>> -> memref<64x128xf32, #tpu.memory_space<hbm>>
        tpu.enqueue_dma source(%dma_start3A_1622 : memref<64x128xf32, #tpu.memory_space<hbm>>) target(%dma_start3A_1620 : memref<64x128xf32, #tpu.memory_space<vmem>>) target_semaphore(%arg10 : memref<!tpu.dma_semaphore, #tpu.memory_space<semaphore_mem>>)
      } else {
      }
      %dma_wait3A_695 = arith.constant 3 : i32
      %dma_wait3A_696 = arith.constant 0 : i32
      %dma_wait3A_697 = arith.constant 0 : i32
      %dma_wait3A_698 = tpu.memref_slice %arg6[%dma_wait3A_695, %dma_wait3A_696, %dma_wait3A_697] : memref<8x64x128xf32, #tpu.memory_space<vmem>> -> memref<1x64x128xf32, #tpu.memory_space<vmem>>
      %dma_wait3A_699 = tpu.memref_squeeze %dma_wait3A_698 : memref<1x64x128xf32, #tpu.memory_space<vmem>> -> memref<64x128xf32, #tpu.memory_space<vmem>>
      %dma_wait3A_700 = arith.constant 0 : i32
      %dma_wait3A_701 = arith.constant 0 : i32
      %dma_wait3A_702 = tpu.memref_slice %arg3[%dma_wait3A_700, %dma_wait3A_701] : memref<64x1000000xf32, #tpu.memory_space<hbm>> -> memref<64x128xf32, #tpu.memory_space<hbm>>
      %dma_wait3A_703 = arith.constant 0 : i32
      %dma_wait3A_704 = arith.constant 0 : i32
      %dma_wait3A_705 = tpu.memref_slice %arg6[%dma_wait3A_695, %dma_wait3A_703, %dma_wait3A_704] : memref<8x64x128xf32, #tpu.memory_space<vmem>> -> memref<1x64x128xf32, #tpu.memory_space<vmem>>
      %dma_wait3A_706 = tpu.memref_squeeze %dma_wait3A_705 : memref<1x64x128xf32, #tpu.memory_space<vmem>> -> memref<64x128xf32, #tpu.memory_space<vmem>>
      %dma_wait3A_707 = arith.constant 0 : i32
      %dma_wait3A_708 = arith.constant 0 : i32
      %dma_wait3A_709 = tpu.memref_slice %arg3[%dma_wait3A_707, %dma_wait3A_708] : memref<64x1000000xf32, #tpu.memory_space<hbm>> -> memref<64x128xf32, #tpu.memory_space<hbm>>
      tpu.wait_dma2 semaphore(%arg11 : memref<!tpu.dma_semaphore, #tpu.memory_space<semaphore_mem>>) src(%dma_wait3A_709 : memref<64x128xf32, #tpu.memory_space<hbm>>) dst(%dma_wait3A_706 : memref<64x128xf32, #tpu.memory_space<vmem>>)
      %mul3A_710 = arith.constant 16 : i32
      %mul3A_711 = arith.muli %scan3A_307, %mul3A_710 : i32
      %add3A_712 = arith.constant 3 : i32
      %add3A_713 = arith.addi %mul3A_711, %add3A_712 : i32
      %broadcast_in_dim3A_714 = vector.broadcast %add3A_713 : i32 to vector<16xi32>
      %and3A_715 = arith.constant 127 : i32
      %and3A_716 = arith.andi %scan3A_311, %and3A_715 : i32
      %broadcast_in_dim3A_717 = vector.broadcast %and3A_716 : i32 to vector<16xi32>
      %add3A_718 = arith.constant 0 : i32
      %add3A_719 = vector.broadcast %add3A_718 : i32 to vector<16xi32>
      %add3A_720 = arith.addi %iota3A, %add3A_719 : vector<16xi32>
      %gather3A_721 = arith.constant 3 : i32
      %gather3A_722 = arith.constant 0 : i32
      %gather3A_723 = arith.constant 0 : i32
      %gather3A_724 = tpu.memref_slice %arg6[%gather3A_721, %gather3A_722, %gather3A_723] : memref<8x64x128xf32, #tpu.memory_space<vmem>> -> memref<1x64x128xf32, #tpu.memory_space<vmem>>
      %gather3A_725 = tpu.memref_squeeze %gather3A_724 : memref<1x64x128xf32, #tpu.memory_space<vmem>> -> memref<64x128xf32, #tpu.memory_space<vmem>>
      %gather3A_726 = tpu.vector_load_idx %gather3A_725[%add3A_720, %broadcast_in_dim3A_717] : memref<64x128xf32, #tpu.memory_space<vmem>>[vector<16xi32>, vector<16xi32>], vector<16xf32>,
      tpu.vector_store_idx %arg7[%add3A_720, %broadcast_in_dim3A_714], %gather3A_726 : memref<64x256xf32, #tpu.memory_space<vmem>>[vector<16xi32>, vector<16xi32>], vector<16xf32>,
      %add3A_727 = arith.constant 16 : i32
      %add3A_728 = vector.broadcast %add3A_727 : i32 to vector<16xi32>
      %add3A_729 = arith.addi %iota3A, %add3A_728 : vector<16xi32>
      %gather3A_730 = arith.constant 3 : i32
      %gather3A_731 = arith.constant 0 : i32
      %gather3A_732 = arith.constant 0 : i32
      %gather3A_733 = tpu.memref_slice %arg6[%gather3A_730, %gather3A_731, %gather3A_732] : memref<8x64x128xf32, #tpu.memory_space<vmem>> -> memref<1x64x128xf32, #tpu.memory_space<vmem>>
      %gather3A_734 = tpu.memref_squeeze %gather3A_733 : memref<1x64x128xf32, #tpu.memory_space<vmem>> -> memref<64x128xf32, #tpu.memory_space<vmem>>
      %gather3A_735 = tpu.vector_load_idx %gather3A_734[%add3A_729, %broadcast_in_dim3A_717] : memref<64x128xf32, #tpu.memory_space<vmem>>[vector<16xi32>, vector<16xi32>], vector<16xf32>,
      tpu.vector_store_idx %arg7[%add3A_729, %broadcast_in_dim3A_714], %gather3A_735 : memref<64x256xf32, #tpu.memory_space<vmem>>[vector<16xi32>, vector<16xi32>], vector<16xf32>,
      %add3A_736 = arith.constant 32 : i32
      %add3A_737 = vector.broadcast %add3A_736 : i32 to vector<16xi32>
      %add3A_738 = arith.addi %iota3A, %add3A_737 : vector<16xi32>
      %gather3A_739 = arith.constant 3 : i32
      %gather3A_740 = arith.constant 0 : i32
      %gather3A_741 = arith.constant 0 : i32
      %gather3A_742 = tpu.memref_slice %arg6[%gather3A_739, %gather3A_740, %gather3A_741] : memref<8x64x128xf32, #tpu.memory_space<vmem>> -> memref<1x64x128xf32, #tpu.memory_space<vmem>>
      %gather3A_743 = tpu.memref_squeeze %gather3A_742 : memref<1x64x128xf32, #tpu.memory_space<vmem>> -> memref<64x128xf32, #tpu.memory_space<vmem>>
      %gather3A_744 = tpu.vector_load_idx %gather3A_743[%add3A_738, %broadcast_in_dim3A_717] : memref<64x128xf32, #tpu.memory_space<vmem>>[vector<16xi32>, vector<16xi32>], vector<16xf32>,
      tpu.vector_store_idx %arg7[%add3A_738, %broadcast_in_dim3A_714], %gather3A_744 : memref<64x256xf32, #tpu.memory_space<vmem>>[vector<16xi32>, vector<16xi32>], vector<16xf32>,
      %add3A_745 = arith.constant 48 : i32
      %add3A_746 = vector.broadcast %add3A_745 : i32 to vector<16xi32>
      %add3A_747 = arith.addi %iota3A, %add3A_746 : vector<16xi32>
      %gather3A_748 = arith.constant 3 : i32
      %gather3A_749 = arith.constant 0 : i32
      %gather3A_750 = arith.constant 0 : i32
      %gather3A_751 = tpu.memref_slice %arg6[%gather3A_748, %gather3A_749, %gather3A_750] : memref<8x64x128xf32, #tpu.memory_space<vmem>> -> memref<1x64x128xf32, #tpu.memory_space<vmem>>
      %gather3A_752 = tpu.memref_squeeze %gather3A_751 : memref<1x64x128xf32, #tpu.memory_space<vmem>> -> memref<64x128xf32, #tpu.memory_space<vmem>>
      %gather3A_753 = tpu.vector_load_idx %gather3A_752[%add3A_747, %broadcast_in_dim3A_717] : memref<64x128xf32, #tpu.memory_space<vmem>>[vector<16xi32>, vector<16xi32>], vector<16xf32>,
      tpu.vector_store_idx %arg7[%add3A_747, %broadcast_in_dim3A_714], %gather3A_753 : memref<64x256xf32, #tpu.memory_space<vmem>>[vector<16xi32>, vector<16xi32>], vector<16xf32>,
      %mul3A_754 = arith.constant 16 : i32
      %mul3A_755 = arith.muli %scan3A_307, %mul3A_754 : i32
      %add3A_756 = arith.constant 3 : i32
      %add3A_757 = arith.addi %mul3A_755, %add3A_756 : i32
      %add3A_758 = arith.constant 8 : i32
      %add3A_759 = arith.addi %add3A_757, %add3A_758 : i32
      %lt3A_760 = arith.constant 256 : i32
      %lt3A_761 = arith.cmpi slt, %add3A_759, %lt3A_760 : i32
      %convert_element_type3A_762 = arith.extui %lt3A_761 : i1 to i32
      %cond3A_763 = arith.constant 0 : i32
      %cond3A_764 = arith.cmpi ne, %convert_element_type3A_762, %cond3A_763 : i32
      scf.if %cond3A_764 {
        %shift_right_arithmetic3A_1605 = arith.constant 7 : i32
        %shift_right_arithmetic3A_1606 = arith.shrsi %scan3A_319, %shift_right_arithmetic3A_1605 : i32
        %mul3A_1607 = arith.constant 128 : i32
        %mul3A_1608 = arith.muli %shift_right_arithmetic3A_1606, %mul3A_1607 : i32
        %multiple_of3A_1609 = tpu.assume_multiple %mul3A_1608, 128 : i32
        %dma_start3A_1610 = arith.constant 3 : i32
        %dma_start3A_1611 = arith.constant 0 : i32
        %dma_start3A_1612 = arith.constant 0 : i32
        %dma_start3A_1613 = tpu.memref_slice %arg6[%dma_start3A_1610, %dma_start3A_1611, %dma_start3A_1612] : memref<8x64x128xf32, #tpu.memory_space<vmem>> -> memref<1x64x128xf32, #tpu.memory_space<vmem>>
        %dma_start3A_1614 = tpu.memref_squeeze %dma_start3A_1613 : memref<1x64x128xf32, #tpu.memory_space<vmem>> -> memref<64x128xf32, #tpu.memory_space<vmem>>
        %dma_start3A_1615 = arith.constant 0 : i32
        %dma_start3A_1616 = tpu.memref_slice %arg3[%dma_start3A_1615, %multiple_of3A_1609] : memref<64x1000000xf32, #tpu.memory_space<hbm>> -> memref<64x128xf32, #tpu.memory_space<hbm>>
        %dma_start3A_1617 = arith.constant 0 : i32
        %dma_start3A_1618 = arith.constant 0 : i32
        %dma_start3A_1619 = tpu.memref_slice %arg6[%dma_start3A_1610, %dma_start3A_1617, %dma_start3A_1618] : memref<8x64x128xf32, #tpu.memory_space<vmem>> -> memref<1x64x128xf32, #tpu.memory_space<vmem>>
        %dma_start3A_1620 = tpu.memref_squeeze %dma_start3A_1619 : memref<1x64x128xf32, #tpu.memory_space<vmem>> -> memref<64x128xf32, #tpu.memory_space<vmem>>
        %dma_start3A_1621 = arith.constant 0 : i32
        %dma_start3A_1622 = tpu.memref_slice %arg3[%dma_start3A_1621, %multiple_of3A_1609] : memref<64x1000000xf32, #tpu.memory_space<hbm>> -> memref<64x128xf32, #tpu.memory_space<hbm>>
        tpu.enqueue_dma source(%dma_start3A_1622 : memref<64x128xf32, #tpu.memory_space<hbm>>) target(%dma_start3A_1620 : memref<64x128xf32, #tpu.memory_space<vmem>>) target_semaphore(%arg11 : memref<!tpu.dma_semaphore, #tpu.memory_space<semaphore_mem>>)
      } else {
      }
      %dma_wait3A_765 = arith.constant 4 : i32
      %dma_wait3A_766 = arith.constant 0 : i32
      %dma_wait3A_767 = arith.constant 0 : i32
      %dma_wait3A_768 = tpu.memref_slice %arg6[%dma_wait3A_765, %dma_wait3A_766, %dma_wait3A_767] : memref<8x64x128xf32, #tpu.memory_space<vmem>> -> memref<1x64x128xf32, #tpu.memory_space<vmem>>
      %dma_wait3A_769 = tpu.memref_squeeze %dma_wait3A_768 : memref<1x64x128xf32, #tpu.memory_space<vmem>> -> memref<64x128xf32, #tpu.memory_space<vmem>>
      %dma_wait3A_770 = arith.constant 0 : i32
      %dma_wait3A_771 = arith.constant 0 : i32
      %dma_wait3A_772 = tpu.memref_slice %arg3[%dma_wait3A_770, %dma_wait3A_771] : memref<64x1000000xf32, #tpu.memory_space<hbm>> -> memref<64x128xf32, #tpu.memory_space<hbm>>
      %dma_wait3A_773 = arith.constant 0 : i32
      %dma_wait3A_774 = arith.constant 0 : i32
      %dma_wait3A_775 = tpu.memref_slice %arg6[%dma_wait3A_765, %dma_wait3A_773, %dma_wait3A_774] : memref<8x64x128xf32, #tpu.memory_space<vmem>> -> memref<1x64x128xf32, #tpu.memory_space<vmem>>
      %dma_wait3A_776 = tpu.memref_squeeze %dma_wait3A_775 : memref<1x64x128xf32, #tpu.memory_space<vmem>> -> memref<64x128xf32, #tpu.memory_space<vmem>>
      %dma_wait3A_777 = arith.constant 0 : i32
      %dma_wait3A_778 = arith.constant 0 : i32
      %dma_wait3A_779 = tpu.memref_slice %arg3[%dma_wait3A_777, %dma_wait3A_778] : memref<64x1000000xf32, #tpu.memory_space<hbm>> -> memref<64x128xf32, #tpu.memory_space<hbm>>
      tpu.wait_dma2 semaphore(%arg12 : memref<!tpu.dma_semaphore, #tpu.memory_space<semaphore_mem>>) src(%dma_wait3A_779 : memref<64x128xf32, #tpu.memory_space<hbm>>) dst(%dma_wait3A_776 : memref<64x128xf32, #tpu.memory_space<vmem>>)
      %mul3A_780 = arith.constant 16 : i32
      %mul3A_781 = arith.muli %scan3A_307, %mul3A_780 : i32
      %add3A_782 = arith.constant 4 : i32
      %add3A_783 = arith.addi %mul3A_781, %add3A_782 : i32
      %broadcast_in_dim3A_784 = vector.broadcast %add3A_783 : i32 to vector<16xi32>
      %and3A_785 = arith.constant 127 : i32
      %and3A_786 = arith.andi %scan3A_312, %and3A_785 : i32
      %broadcast_in_dim3A_787 = vector.broadcast %and3A_786 : i32 to vector<16xi32>
      %add3A_788 = arith.constant 0 : i32
      %add3A_789 = vector.broadcast %add3A_788 : i32 to vector<16xi32>
      %add3A_790 = arith.addi %iota3A, %add3A_789 : vector<16xi32>
      %gather3A_791 = arith.constant 4 : i32
      %gather3A_792 = arith.constant 0 : i32
      %gather3A_793 = arith.constant 0 : i32
      %gather3A_794 = tpu.memref_slice %arg6[%gather3A_791, %gather3A_792, %gather3A_793] : memref<8x64x128xf32, #tpu.memory_space<vmem>> -> memref<1x64x128xf32, #tpu.memory_space<vmem>>
      %gather3A_795 = tpu.memref_squeeze %gather3A_794 : memref<1x64x128xf32, #tpu.memory_space<vmem>> -> memref<64x128xf32, #tpu.memory_space<vmem>>
      %gather3A_796 = tpu.vector_load_idx %gather3A_795[%add3A_790, %broadcast_in_dim3A_787] : memref<64x128xf32, #tpu.memory_space<vmem>>[vector<16xi32>, vector<16xi32>], vector<16xf32>,
      tpu.vector_store_idx %arg7[%add3A_790, %broadcast_in_dim3A_784], %gather3A_796 : memref<64x256xf32, #tpu.memory_space<vmem>>[vector<16xi32>, vector<16xi32>], vector<16xf32>,
      %add3A_797 = arith.constant 16 : i32
      %add3A_798 = vector.broadcast %add3A_797 : i32 to vector<16xi32>
      %add3A_799 = arith.addi %iota3A, %add3A_798 : vector<16xi32>
      %gather3A_800 = arith.constant 4 : i32
      %gather3A_801 = arith.constant 0 : i32
      %gather3A_802 = arith.constant 0 : i32
      %gather3A_803 = tpu.memref_slice %arg6[%gather3A_800, %gather3A_801, %gather3A_802] : memref<8x64x128xf32, #tpu.memory_space<vmem>> -> memref<1x64x128xf32, #tpu.memory_space<vmem>>
      %gather3A_804 = tpu.memref_squeeze %gather3A_803 : memref<1x64x128xf32, #tpu.memory_space<vmem>> -> memref<64x128xf32, #tpu.memory_space<vmem>>
      %gather3A_805 = tpu.vector_load_idx %gather3A_804[%add3A_799, %broadcast_in_dim3A_787] : memref<64x128xf32, #tpu.memory_space<vmem>>[vector<16xi32>, vector<16xi32>], vector<16xf32>,
      tpu.vector_store_idx %arg7[%add3A_799, %broadcast_in_dim3A_784], %gather3A_805 : memref<64x256xf32, #tpu.memory_space<vmem>>[vector<16xi32>, vector<16xi32>], vector<16xf32>,
      %add3A_806 = arith.constant 32 : i32
      %add3A_807 = vector.broadcast %add3A_806 : i32 to vector<16xi32>
      %add3A_808 = arith.addi %iota3A, %add3A_807 : vector<16xi32>
      %gather3A_809 = arith.constant 4 : i32
      %gather3A_810 = arith.constant 0 : i32
      %gather3A_811 = arith.constant 0 : i32
      %gather3A_812 = tpu.memref_slice %arg6[%gather3A_809, %gather3A_810, %gather3A_811] : memref<8x64x128xf32, #tpu.memory_space<vmem>> -> memref<1x64x128xf32, #tpu.memory_space<vmem>>
      %gather3A_813 = tpu.memref_squeeze %gather3A_812 : memref<1x64x128xf32, #tpu.memory_space<vmem>> -> memref<64x128xf32, #tpu.memory_space<vmem>>
      %gather3A_814 = tpu.vector_load_idx %gather3A_813[%add3A_808, %broadcast_in_dim3A_787] : memref<64x128xf32, #tpu.memory_space<vmem>>[vector<16xi32>, vector<16xi32>], vector<16xf32>,
      tpu.vector_store_idx %arg7[%add3A_808, %broadcast_in_dim3A_784], %gather3A_814 : memref<64x256xf32, #tpu.memory_space<vmem>>[vector<16xi32>, vector<16xi32>], vector<16xf32>,
      %add3A_815 = arith.constant 48 : i32
      %add3A_816 = vector.broadcast %add3A_815 : i32 to vector<16xi32>
      %add3A_817 = arith.addi %iota3A, %add3A_816 : vector<16xi32>
      %gather3A_818 = arith.constant 4 : i32
      %gather3A_819 = arith.constant 0 : i32
      %gather3A_820 = arith.constant 0 : i32
      %gather3A_821 = tpu.memref_slice %arg6[%gather3A_818, %gather3A_819, %gather3A_820] : memref<8x64x128xf32, #tpu.memory_space<vmem>> -> memref<1x64x128xf32, #tpu.memory_space<vmem>>
      %gather3A_822 = tpu.memref_squeeze %gather3A_821 : memref<1x64x128xf32, #tpu.memory_space<vmem>> -> memref<64x128xf32, #tpu.memory_space<vmem>>
      %gather3A_823 = tpu.vector_load_idx %gather3A_822[%add3A_817, %broadcast_in_dim3A_787] : memref<64x128xf32, #tpu.memory_space<vmem>>[vector<16xi32>, vector<16xi32>], vector<16xf32>,
      tpu.vector_store_idx %arg7[%add3A_817, %broadcast_in_dim3A_784], %gather3A_823 : memref<64x256xf32, #tpu.memory_space<vmem>>[vector<16xi32>, vector<16xi32>], vector<16xf32>,
      %mul3A_824 = arith.constant 16 : i32
      %mul3A_825 = arith.muli %scan3A_307, %mul3A_824 : i32
      %add3A_826 = arith.constant 4 : i32
      %add3A_827 = arith.addi %mul3A_825, %add3A_826 : i32
      %add3A_828 = arith.constant 8 : i32
      %add3A_829 = arith.addi %add3A_827, %add3A_828 : i32
      %lt3A_830 = arith.constant 256 : i32
      %lt3A_831 = arith.cmpi slt, %add3A_829, %lt3A_830 : i32
      %convert_element_type3A_832 = arith.extui %lt3A_831 : i1 to i32
      %cond3A_833 = arith.constant 0 : i32
      %cond3A_834 = arith.cmpi ne, %convert_element_type3A_832, %cond3A_833 : i32
      scf.if %cond3A_834 {
        %shift_right_arithmetic3A_1605 = arith.constant 7 : i32
        %shift_right_arithmetic3A_1606 = arith.shrsi %scan3A_320, %shift_right_arithmetic3A_1605 : i32
        %mul3A_1607 = arith.constant 128 : i32
        %mul3A_1608 = arith.muli %shift_right_arithmetic3A_1606, %mul3A_1607 : i32
        %multiple_of3A_1609 = tpu.assume_multiple %mul3A_1608, 128 : i32
        %dma_start3A_1610 = arith.constant 4 : i32
        %dma_start3A_1611 = arith.constant 0 : i32
        %dma_start3A_1612 = arith.constant 0 : i32
        %dma_start3A_1613 = tpu.memref_slice %arg6[%dma_start3A_1610, %dma_start3A_1611, %dma_start3A_1612] : memref<8x64x128xf32, #tpu.memory_space<vmem>> -> memref<1x64x128xf32, #tpu.memory_space<vmem>>
        %dma_start3A_1614 = tpu.memref_squeeze %dma_start3A_1613 : memref<1x64x128xf32, #tpu.memory_space<vmem>> -> memref<64x128xf32, #tpu.memory_space<vmem>>
        %dma_start3A_1615 = arith.constant 0 : i32
        %dma_start3A_1616 = tpu.memref_slice %arg3[%dma_start3A_1615, %multiple_of3A_1609] : memref<64x1000000xf32, #tpu.memory_space<hbm>> -> memref<64x128xf32, #tpu.memory_space<hbm>>
        %dma_start3A_1617 = arith.constant 0 : i32
        %dma_start3A_1618 = arith.constant 0 : i32
        %dma_start3A_1619 = tpu.memref_slice %arg6[%dma_start3A_1610, %dma_start3A_1617, %dma_start3A_1618] : memref<8x64x128xf32, #tpu.memory_space<vmem>> -> memref<1x64x128xf32, #tpu.memory_space<vmem>>
        %dma_start3A_1620 = tpu.memref_squeeze %dma_start3A_1619 : memref<1x64x128xf32, #tpu.memory_space<vmem>> -> memref<64x128xf32, #tpu.memory_space<vmem>>
        %dma_start3A_1621 = arith.constant 0 : i32
        %dma_start3A_1622 = tpu.memref_slice %arg3[%dma_start3A_1621, %multiple_of3A_1609] : memref<64x1000000xf32, #tpu.memory_space<hbm>> -> memref<64x128xf32, #tpu.memory_space<hbm>>
        tpu.enqueue_dma source(%dma_start3A_1622 : memref<64x128xf32, #tpu.memory_space<hbm>>) target(%dma_start3A_1620 : memref<64x128xf32, #tpu.memory_space<vmem>>) target_semaphore(%arg12 : memref<!tpu.dma_semaphore, #tpu.memory_space<semaphore_mem>>)
      } else {
      }
      %dma_wait3A_835 = arith.constant 5 : i32
      %dma_wait3A_836 = arith.constant 0 : i32
      %dma_wait3A_837 = arith.constant 0 : i32
      %dma_wait3A_838 = tpu.memref_slice %arg6[%dma_wait3A_835, %dma_wait3A_836, %dma_wait3A_837] : memref<8x64x128xf32, #tpu.memory_space<vmem>> -> memref<1x64x128xf32, #tpu.memory_space<vmem>>
      %dma_wait3A_839 = tpu.memref_squeeze %dma_wait3A_838 : memref<1x64x128xf32, #tpu.memory_space<vmem>> -> memref<64x128xf32, #tpu.memory_space<vmem>>
      %dma_wait3A_840 = arith.constant 0 : i32
      %dma_wait3A_841 = arith.constant 0 : i32
      %dma_wait3A_842 = tpu.memref_slice %arg3[%dma_wait3A_840, %dma_wait3A_841] : memref<64x1000000xf32, #tpu.memory_space<hbm>> -> memref<64x128xf32, #tpu.memory_space<hbm>>
      %dma_wait3A_843 = arith.constant 0 : i32
      %dma_wait3A_844 = arith.constant 0 : i32
      %dma_wait3A_845 = tpu.memref_slice %arg6[%dma_wait3A_835, %dma_wait3A_843, %dma_wait3A_844] : memref<8x64x128xf32, #tpu.memory_space<vmem>> -> memref<1x64x128xf32, #tpu.memory_space<vmem>>
      %dma_wait3A_846 = tpu.memref_squeeze %dma_wait3A_845 : memref<1x64x128xf32, #tpu.memory_space<vmem>> -> memref<64x128xf32, #tpu.memory_space<vmem>>
      %dma_wait3A_847 = arith.constant 0 : i32
      %dma_wait3A_848 = arith.constant 0 : i32
      %dma_wait3A_849 = tpu.memref_slice %arg3[%dma_wait3A_847, %dma_wait3A_848] : memref<64x1000000xf32, #tpu.memory_space<hbm>> -> memref<64x128xf32, #tpu.memory_space<hbm>>
      tpu.wait_dma2 semaphore(%arg13 : memref<!tpu.dma_semaphore, #tpu.memory_space<semaphore_mem>>) src(%dma_wait3A_849 : memref<64x128xf32, #tpu.memory_space<hbm>>) dst(%dma_wait3A_846 : memref<64x128xf32, #tpu.memory_space<vmem>>)
      %mul3A_850 = arith.constant 16 : i32
      %mul3A_851 = arith.muli %scan3A_307, %mul3A_850 : i32
      %add3A_852 = arith.constant 5 : i32
      %add3A_853 = arith.addi %mul3A_851, %add3A_852 : i32
      %broadcast_in_dim3A_854 = vector.broadcast %add3A_853 : i32 to vector<16xi32>
      %and3A_855 = arith.constant 127 : i32
      %and3A_856 = arith.andi %scan3A_313, %and3A_855 : i32
      %broadcast_in_dim3A_857 = vector.broadcast %and3A_856 : i32 to vector<16xi32>
      %add3A_858 = arith.constant 0 : i32
      %add3A_859 = vector.broadcast %add3A_858 : i32 to vector<16xi32>
      %add3A_860 = arith.addi %iota3A, %add3A_859 : vector<16xi32>
      %gather3A_861 = arith.constant 5 : i32
      %gather3A_862 = arith.constant 0 : i32
      %gather3A_863 = arith.constant 0 : i32
      %gather3A_864 = tpu.memref_slice %arg6[%gather3A_861, %gather3A_862, %gather3A_863] : memref<8x64x128xf32, #tpu.memory_space<vmem>> -> memref<1x64x128xf32, #tpu.memory_space<vmem>>
      %gather3A_865 = tpu.memref_squeeze %gather3A_864 : memref<1x64x128xf32, #tpu.memory_space<vmem>> -> memref<64x128xf32, #tpu.memory_space<vmem>>
      %gather3A_866 = tpu.vector_load_idx %gather3A_865[%add3A_860, %broadcast_in_dim3A_857] : memref<64x128xf32, #tpu.memory_space<vmem>>[vector<16xi32>, vector<16xi32>], vector<16xf32>,
      tpu.vector_store_idx %arg7[%add3A_860, %broadcast_in_dim3A_854], %gather3A_866 : memref<64x256xf32, #tpu.memory_space<vmem>>[vector<16xi32>, vector<16xi32>], vector<16xf32>,
      %add3A_867 = arith.constant 16 : i32
      %add3A_868 = vector.broadcast %add3A_867 : i32 to vector<16xi32>
      %add3A_869 = arith.addi %iota3A, %add3A_868 : vector<16xi32>
      %gather3A_870 = arith.constant 5 : i32
      %gather3A_871 = arith.constant 0 : i32
      %gather3A_872 = arith.constant 0 : i32
      %gather3A_873 = tpu.memref_slice %arg6[%gather3A_870, %gather3A_871, %gather3A_872] : memref<8x64x128xf32, #tpu.memory_space<vmem>> -> memref<1x64x128xf32, #tpu.memory_space<vmem>>
      %gather3A_874 = tpu.memref_squeeze %gather3A_873 : memref<1x64x128xf32, #tpu.memory_space<vmem>> -> memref<64x128xf32, #tpu.memory_space<vmem>>
      %gather3A_875 = tpu.vector_load_idx %gather3A_874[%add3A_869, %broadcast_in_dim3A_857] : memref<64x128xf32, #tpu.memory_space<vmem>>[vector<16xi32>, vector<16xi32>], vector<16xf32>,
      tpu.vector_store_idx %arg7[%add3A_869, %broadcast_in_dim3A_854], %gather3A_875 : memref<64x256xf32, #tpu.memory_space<vmem>>[vector<16xi32>, vector<16xi32>], vector<16xf32>,
      %add3A_876 = arith.constant 32 : i32
      %add3A_877 = vector.broadcast %add3A_876 : i32 to vector<16xi32>
      %add3A_878 = arith.addi %iota3A, %add3A_877 : vector<16xi32>
      %gather3A_879 = arith.constant 5 : i32
      %gather3A_880 = arith.constant 0 : i32
      %gather3A_881 = arith.constant 0 : i32
      %gather3A_882 = tpu.memref_slice %arg6[%gather3A_879, %gather3A_880, %gather3A_881] : memref<8x64x128xf32, #tpu.memory_space<vmem>> -> memref<1x64x128xf32, #tpu.memory_space<vmem>>
      %gather3A_883 = tpu.memref_squeeze %gather3A_882 : memref<1x64x128xf32, #tpu.memory_space<vmem>> -> memref<64x128xf32, #tpu.memory_space<vmem>>
      %gather3A_884 = tpu.vector_load_idx %gather3A_883[%add3A_878, %broadcast_in_dim3A_857] : memref<64x128xf32, #tpu.memory_space<vmem>>[vector<16xi32>, vector<16xi32>], vector<16xf32>,
      tpu.vector_store_idx %arg7[%add3A_878, %broadcast_in_dim3A_854], %gather3A_884 : memref<64x256xf32, #tpu.memory_space<vmem>>[vector<16xi32>, vector<16xi32>], vector<16xf32>,
      %add3A_885 = arith.constant 48 : i32
      %add3A_886 = vector.broadcast %add3A_885 : i32 to vector<16xi32>
      %add3A_887 = arith.addi %iota3A, %add3A_886 : vector<16xi32>
      %gather3A_888 = arith.constant 5 : i32
      %gather3A_889 = arith.constant 0 : i32
      %gather3A_890 = arith.constant 0 : i32
      %gather3A_891 = tpu.memref_slice %arg6[%gather3A_888, %gather3A_889, %gather3A_890] : memref<8x64x128xf32, #tpu.memory_space<vmem>> -> memref<1x64x128xf32, #tpu.memory_space<vmem>>
      %gather3A_892 = tpu.memref_squeeze %gather3A_891 : memref<1x64x128xf32, #tpu.memory_space<vmem>> -> memref<64x128xf32, #tpu.memory_space<vmem>>
      %gather3A_893 = tpu.vector_load_idx %gather3A_892[%add3A_887, %broadcast_in_dim3A_857] : memref<64x128xf32, #tpu.memory_space<vmem>>[vector<16xi32>, vector<16xi32>], vector<16xf32>,
      tpu.vector_store_idx %arg7[%add3A_887, %broadcast_in_dim3A_854], %gather3A_893 : memref<64x256xf32, #tpu.memory_space<vmem>>[vector<16xi32>, vector<16xi32>], vector<16xf32>,
      %mul3A_894 = arith.constant 16 : i32
      %mul3A_895 = arith.muli %scan3A_307, %mul3A_894 : i32
      %add3A_896 = arith.constant 5 : i32
      %add3A_897 = arith.addi %mul3A_895, %add3A_896 : i32
      %add3A_898 = arith.constant 8 : i32
      %add3A_899 = arith.addi %add3A_897, %add3A_898 : i32
      %lt3A_900 = arith.constant 256 : i32
      %lt3A_901 = arith.cmpi slt, %add3A_899, %lt3A_900 : i32
      %convert_element_type3A_902 = arith.extui %lt3A_901 : i1 to i32
      %cond3A_903 = arith.constant 0 : i32
      %cond3A_904 = arith.cmpi ne, %convert_element_type3A_902, %cond3A_903 : i32
      scf.if %cond3A_904 {
        %shift_right_arithmetic3A_1605 = arith.constant 7 : i32
        %shift_right_arithmetic3A_1606 = arith.shrsi %scan3A_321, %shift_right_arithmetic3A_1605 : i32
        %mul3A_1607 = arith.constant 128 : i32
        %mul3A_1608 = arith.muli %shift_right_arithmetic3A_1606, %mul3A_1607 : i32
        %multiple_of3A_1609 = tpu.assume_multiple %mul3A_1608, 128 : i32
        %dma_start3A_1610 = arith.constant 5 : i32
        %dma_start3A_1611 = arith.constant 0 : i32
        %dma_start3A_1612 = arith.constant 0 : i32
        %dma_start3A_1613 = tpu.memref_slice %arg6[%dma_start3A_1610, %dma_start3A_1611, %dma_start3A_1612] : memref<8x64x128xf32, #tpu.memory_space<vmem>> -> memref<1x64x128xf32, #tpu.memory_space<vmem>>
        %dma_start3A_1614 = tpu.memref_squeeze %dma_start3A_1613 : memref<1x64x128xf32, #tpu.memory_space<vmem>> -> memref<64x128xf32, #tpu.memory_space<vmem>>
        %dma_start3A_1615 = arith.constant 0 : i32
        %dma_start3A_1616 = tpu.memref_slice %arg3[%dma_start3A_1615, %multiple_of3A_1609] : memref<64x1000000xf32, #tpu.memory_space<hbm>> -> memref<64x128xf32, #tpu.memory_space<hbm>>
        %dma_start3A_1617 = arith.constant 0 : i32
        %dma_start3A_1618 = arith.constant 0 : i32
        %dma_start3A_1619 = tpu.memref_slice %arg6[%dma_start3A_1610, %dma_start3A_1617, %dma_start3A_1618] : memref<8x64x128xf32, #tpu.memory_space<vmem>> -> memref<1x64x128xf32, #tpu.memory_space<vmem>>
        %dma_start3A_1620 = tpu.memref_squeeze %dma_start3A_1619 : memref<1x64x128xf32, #tpu.memory_space<vmem>> -> memref<64x128xf32, #tpu.memory_space<vmem>>
        %dma_start3A_1621 = arith.constant 0 : i32
        %dma_start3A_1622 = tpu.memref_slice %arg3[%dma_start3A_1621, %multiple_of3A_1609] : memref<64x1000000xf32, #tpu.memory_space<hbm>> -> memref<64x128xf32, #tpu.memory_space<hbm>>
        tpu.enqueue_dma source(%dma_start3A_1622 : memref<64x128xf32, #tpu.memory_space<hbm>>) target(%dma_start3A_1620 : memref<64x128xf32, #tpu.memory_space<vmem>>) target_semaphore(%arg13 : memref<!tpu.dma_semaphore, #tpu.memory_space<semaphore_mem>>)
      } else {
      }
      %dma_wait3A_905 = arith.constant 6 : i32
      %dma_wait3A_906 = arith.constant 0 : i32
      %dma_wait3A_907 = arith.constant 0 : i32
      %dma_wait3A_908 = tpu.memref_slice %arg6[%dma_wait3A_905, %dma_wait3A_906, %dma_wait3A_907] : memref<8x64x128xf32, #tpu.memory_space<vmem>> -> memref<1x64x128xf32, #tpu.memory_space<vmem>>
      %dma_wait3A_909 = tpu.memref_squeeze %dma_wait3A_908 : memref<1x64x128xf32, #tpu.memory_space<vmem>> -> memref<64x128xf32, #tpu.memory_space<vmem>>
      %dma_wait3A_910 = arith.constant 0 : i32
      %dma_wait3A_911 = arith.constant 0 : i32
      %dma_wait3A_912 = tpu.memref_slice %arg3[%dma_wait3A_910, %dma_wait3A_911] : memref<64x1000000xf32, #tpu.memory_space<hbm>> -> memref<64x128xf32, #tpu.memory_space<hbm>>
      %dma_wait3A_913 = arith.constant 0 : i32
      %dma_wait3A_914 = arith.constant 0 : i32
      %dma_wait3A_915 = tpu.memref_slice %arg6[%dma_wait3A_905, %dma_wait3A_913, %dma_wait3A_914] : memref<8x64x128xf32, #tpu.memory_space<vmem>> -> memref<1x64x128xf32, #tpu.memory_space<vmem>>
      %dma_wait3A_916 = tpu.memref_squeeze %dma_wait3A_915 : memref<1x64x128xf32, #tpu.memory_space<vmem>> -> memref<64x128xf32, #tpu.memory_space<vmem>>
      %dma_wait3A_917 = arith.constant 0 : i32
      %dma_wait3A_918 = arith.constant 0 : i32
      %dma_wait3A_919 = tpu.memref_slice %arg3[%dma_wait3A_917, %dma_wait3A_918] : memref<64x1000000xf32, #tpu.memory_space<hbm>> -> memref<64x128xf32, #tpu.memory_space<hbm>>
      tpu.wait_dma2 semaphore(%arg14 : memref<!tpu.dma_semaphore, #tpu.memory_space<semaphore_mem>>) src(%dma_wait3A_919 : memref<64x128xf32, #tpu.memory_space<hbm>>) dst(%dma_wait3A_916 : memref<64x128xf32, #tpu.memory_space<vmem>>)
      %mul3A_920 = arith.constant 16 : i32
      %mul3A_921 = arith.muli %scan3A_307, %mul3A_920 : i32
      %add3A_922 = arith.constant 6 : i32
      %add3A_923 = arith.addi %mul3A_921, %add3A_922 : i32
      %broadcast_in_dim3A_924 = vector.broadcast %add3A_923 : i32 to vector<16xi32>
      %and3A_925 = arith.constant 127 : i32
      %and3A_926 = arith.andi %scan3A_314, %and3A_925 : i32
      %broadcast_in_dim3A_927 = vector.broadcast %and3A_926 : i32 to vector<16xi32>
      %add3A_928 = arith.constant 0 : i32
      %add3A_929 = vector.broadcast %add3A_928 : i32 to vector<16xi32>
      %add3A_930 = arith.addi %iota3A, %add3A_929 : vector<16xi32>
      %gather3A_931 = arith.constant 6 : i32
      %gather3A_932 = arith.constant 0 : i32
      %gather3A_933 = arith.constant 0 : i32
      %gather3A_934 = tpu.memref_slice %arg6[%gather3A_931, %gather3A_932, %gather3A_933] : memref<8x64x128xf32, #tpu.memory_space<vmem>> -> memref<1x64x128xf32, #tpu.memory_space<vmem>>
      %gather3A_935 = tpu.memref_squeeze %gather3A_934 : memref<1x64x128xf32, #tpu.memory_space<vmem>> -> memref<64x128xf32, #tpu.memory_space<vmem>>
      %gather3A_936 = tpu.vector_load_idx %gather3A_935[%add3A_930, %broadcast_in_dim3A_927] : memref<64x128xf32, #tpu.memory_space<vmem>>[vector<16xi32>, vector<16xi32>], vector<16xf32>,
      tpu.vector_store_idx %arg7[%add3A_930, %broadcast_in_dim3A_924], %gather3A_936 : memref<64x256xf32, #tpu.memory_space<vmem>>[vector<16xi32>, vector<16xi32>], vector<16xf32>,
      %add3A_937 = arith.constant 16 : i32
      %add3A_938 = vector.broadcast %add3A_937 : i32 to vector<16xi32>
      %add3A_939 = arith.addi %iota3A, %add3A_938 : vector<16xi32>
      %gather3A_940 = arith.constant 6 : i32
      %gather3A_941 = arith.constant 0 : i32
      %gather3A_942 = arith.constant 0 : i32
      %gather3A_943 = tpu.memref_slice %arg6[%gather3A_940, %gather3A_941, %gather3A_942] : memref<8x64x128xf32, #tpu.memory_space<vmem>> -> memref<1x64x128xf32, #tpu.memory_space<vmem>>
      %gather3A_944 = tpu.memref_squeeze %gather3A_943 : memref<1x64x128xf32, #tpu.memory_space<vmem>> -> memref<64x128xf32, #tpu.memory_space<vmem>>
      %gather3A_945 = tpu.vector_load_idx %gather3A_944[%add3A_939, %broadcast_in_dim3A_927] : memref<64x128xf32, #tpu.memory_space<vmem>>[vector<16xi32>, vector<16xi32>], vector<16xf32>,
      tpu.vector_store_idx %arg7[%add3A_939, %broadcast_in_dim3A_924], %gather3A_945 : memref<64x256xf32, #tpu.memory_space<vmem>>[vector<16xi32>, vector<16xi32>], vector<16xf32>,
      %add3A_946 = arith.constant 32 : i32
      %add3A_947 = vector.broadcast %add3A_946 : i32 to vector<16xi32>
      %add3A_948 = arith.addi %iota3A, %add3A_947 : vector<16xi32>
      %gather3A_949 = arith.constant 6 : i32
      %gather3A_950 = arith.constant 0 : i32
      %gather3A_951 = arith.constant 0 : i32
      %gather3A_952 = tpu.memref_slice %arg6[%gather3A_949, %gather3A_950, %gather3A_951] : memref<8x64x128xf32, #tpu.memory_space<vmem>> -> memref<1x64x128xf32, #tpu.memory_space<vmem>>
      %gather3A_953 = tpu.memref_squeeze %gather3A_952 : memref<1x64x128xf32, #tpu.memory_space<vmem>> -> memref<64x128xf32, #tpu.memory_space<vmem>>
      %gather3A_954 = tpu.vector_load_idx %gather3A_953[%add3A_948, %broadcast_in_dim3A_927] : memref<64x128xf32, #tpu.memory_space<vmem>>[vector<16xi32>, vector<16xi32>], vector<16xf32>,
      tpu.vector_store_idx %arg7[%add3A_948, %broadcast_in_dim3A_924], %gather3A_954 : memref<64x256xf32, #tpu.memory_space<vmem>>[vector<16xi32>, vector<16xi32>], vector<16xf32>,
      %add3A_955 = arith.constant 48 : i32
      %add3A_956 = vector.broadcast %add3A_955 : i32 to vector<16xi32>
      %add3A_957 = arith.addi %iota3A, %add3A_956 : vector<16xi32>
      %gather3A_958 = arith.constant 6 : i32
      %gather3A_959 = arith.constant 0 : i32
      %gather3A_960 = arith.constant 0 : i32
      %gather3A_961 = tpu.memref_slice %arg6[%gather3A_958, %gather3A_959, %gather3A_960] : memref<8x64x128xf32, #tpu.memory_space<vmem>> -> memref<1x64x128xf32, #tpu.memory_space<vmem>>
      %gather3A_962 = tpu.memref_squeeze %gather3A_961 : memref<1x64x128xf32, #tpu.memory_space<vmem>> -> memref<64x128xf32, #tpu.memory_space<vmem>>
      %gather3A_963 = tpu.vector_load_idx %gather3A_962[%add3A_957, %broadcast_in_dim3A_927] : memref<64x128xf32, #tpu.memory_space<vmem>>[vector<16xi32>, vector<16xi32>], vector<16xf32>,
      tpu.vector_store_idx %arg7[%add3A_957, %broadcast_in_dim3A_924], %gather3A_963 : memref<64x256xf32, #tpu.memory_space<vmem>>[vector<16xi32>, vector<16xi32>], vector<16xf32>,
      %mul3A_964 = arith.constant 16 : i32
      %mul3A_965 = arith.muli %scan3A_307, %mul3A_964 : i32
      %add3A_966 = arith.constant 6 : i32
      %add3A_967 = arith.addi %mul3A_965, %add3A_966 : i32
      %add3A_968 = arith.constant 8 : i32
      %add3A_969 = arith.addi %add3A_967, %add3A_968 : i32
      %lt3A_970 = arith.constant 256 : i32
      %lt3A_971 = arith.cmpi slt, %add3A_969, %lt3A_970 : i32
      %convert_element_type3A_972 = arith.extui %lt3A_971 : i1 to i32
      %cond3A_973 = arith.constant 0 : i32
      %cond3A_974 = arith.cmpi ne, %convert_element_type3A_972, %cond3A_973 : i32
      scf.if %cond3A_974 {
        %shift_right_arithmetic3A_1605 = arith.constant 7 : i32
        %shift_right_arithmetic3A_1606 = arith.shrsi %scan3A_322, %shift_right_arithmetic3A_1605 : i32
        %mul3A_1607 = arith.constant 128 : i32
        %mul3A_1608 = arith.muli %shift_right_arithmetic3A_1606, %mul3A_1607 : i32
        %multiple_of3A_1609 = tpu.assume_multiple %mul3A_1608, 128 : i32
        %dma_start3A_1610 = arith.constant 6 : i32
        %dma_start3A_1611 = arith.constant 0 : i32
        %dma_start3A_1612 = arith.constant 0 : i32
        %dma_start3A_1613 = tpu.memref_slice %arg6[%dma_start3A_1610, %dma_start3A_1611, %dma_start3A_1612] : memref<8x64x128xf32, #tpu.memory_space<vmem>> -> memref<1x64x128xf32, #tpu.memory_space<vmem>>
        %dma_start3A_1614 = tpu.memref_squeeze %dma_start3A_1613 : memref<1x64x128xf32, #tpu.memory_space<vmem>> -> memref<64x128xf32, #tpu.memory_space<vmem>>
        %dma_start3A_1615 = arith.constant 0 : i32
        %dma_start3A_1616 = tpu.memref_slice %arg3[%dma_start3A_1615, %multiple_of3A_1609] : memref<64x1000000xf32, #tpu.memory_space<hbm>> -> memref<64x128xf32, #tpu.memory_space<hbm>>
        %dma_start3A_1617 = arith.constant 0 : i32
        %dma_start3A_1618 = arith.constant 0 : i32
        %dma_start3A_1619 = tpu.memref_slice %arg6[%dma_start3A_1610, %dma_start3A_1617, %dma_start3A_1618] : memref<8x64x128xf32, #tpu.memory_space<vmem>> -> memref<1x64x128xf32, #tpu.memory_space<vmem>>
        %dma_start3A_1620 = tpu.memref_squeeze %dma_start3A_1619 : memref<1x64x128xf32, #tpu.memory_space<vmem>> -> memref<64x128xf32, #tpu.memory_space<vmem>>
        %dma_start3A_1621 = arith.constant 0 : i32
        %dma_start3A_1622 = tpu.memref_slice %arg3[%dma_start3A_1621, %multiple_of3A_1609] : memref<64x1000000xf32, #tpu.memory_space<hbm>> -> memref<64x128xf32, #tpu.memory_space<hbm>>
        tpu.enqueue_dma source(%dma_start3A_1622 : memref<64x128xf32, #tpu.memory_space<hbm>>) target(%dma_start3A_1620 : memref<64x128xf32, #tpu.memory_space<vmem>>) target_semaphore(%arg14 : memref<!tpu.dma_semaphore, #tpu.memory_space<semaphore_mem>>)
      } else {
      }
      %dma_wait3A_975 = arith.constant 7 : i32
      %dma_wait3A_976 = arith.constant 0 : i32
      %dma_wait3A_977 = arith.constant 0 : i32
      %dma_wait3A_978 = tpu.memref_slice %arg6[%dma_wait3A_975, %dma_wait3A_976, %dma_wait3A_977] : memref<8x64x128xf32, #tpu.memory_space<vmem>> -> memref<1x64x128xf32, #tpu.memory_space<vmem>>
      %dma_wait3A_979 = tpu.memref_squeeze %dma_wait3A_978 : memref<1x64x128xf32, #tpu.memory_space<vmem>> -> memref<64x128xf32, #tpu.memory_space<vmem>>
      %dma_wait3A_980 = arith.constant 0 : i32
      %dma_wait3A_981 = arith.constant 0 : i32
      %dma_wait3A_982 = tpu.memref_slice %arg3[%dma_wait3A_980, %dma_wait3A_981] : memref<64x1000000xf32, #tpu.memory_space<hbm>> -> memref<64x128xf32, #tpu.memory_space<hbm>>
      %dma_wait3A_983 = arith.constant 0 : i32
      %dma_wait3A_984 = arith.constant 0 : i32
      %dma_wait3A_985 = tpu.memref_slice %arg6[%dma_wait3A_975, %dma_wait3A_983, %dma_wait3A_984] : memref<8x64x128xf32, #tpu.memory_space<vmem>> -> memref<1x64x128xf32, #tpu.memory_space<vmem>>
      %dma_wait3A_986 = tpu.memref_squeeze %dma_wait3A_985 : memref<1x64x128xf32, #tpu.memory_space<vmem>> -> memref<64x128xf32, #tpu.memory_space<vmem>>
      %dma_wait3A_987 = arith.constant 0 : i32
      %dma_wait3A_988 = arith.constant 0 : i32
      %dma_wait3A_989 = tpu.memref_slice %arg3[%dma_wait3A_987, %dma_wait3A_988] : memref<64x1000000xf32, #tpu.memory_space<hbm>> -> memref<64x128xf32, #tpu.memory_space<hbm>>
      tpu.wait_dma2 semaphore(%arg15 : memref<!tpu.dma_semaphore, #tpu.memory_space<semaphore_mem>>) src(%dma_wait3A_989 : memref<64x128xf32, #tpu.memory_space<hbm>>) dst(%dma_wait3A_986 : memref<64x128xf32, #tpu.memory_space<vmem>>)
      %mul3A_990 = arith.constant 16 : i32
      %mul3A_991 = arith.muli %scan3A_307, %mul3A_990 : i32
      %add3A_992 = arith.constant 7 : i32
      %add3A_993 = arith.addi %mul3A_991, %add3A_992 : i32
      %broadcast_in_dim3A_994 = vector.broadcast %add3A_993 : i32 to vector<16xi32>
      %and3A_995 = arith.constant 127 : i32
      %and3A_996 = arith.andi %scan3A_315, %and3A_995 : i32
      %broadcast_in_dim3A_997 = vector.broadcast %and3A_996 : i32 to vector<16xi32>
      %add3A_998 = arith.constant 0 : i32
      %add3A_999 = vector.broadcast %add3A_998 : i32 to vector<16xi32>
      %add3A_1000 = arith.addi %iota3A, %add3A_999 : vector<16xi32>
      %gather3A_1001 = arith.constant 7 : i32
      %gather3A_1002 = arith.constant 0 : i32
      %gather3A_1003 = arith.constant 0 : i32
      %gather3A_1004 = tpu.memref_slice %arg6[%gather3A_1001, %gather3A_1002, %gather3A_1003] : memref<8x64x128xf32, #tpu.memory_space<vmem>> -> memref<1x64x128xf32, #tpu.memory_space<vmem>>
      %gather3A_1005 = tpu.memref_squeeze %gather3A_1004 : memref<1x64x128xf32, #tpu.memory_space<vmem>> -> memref<64x128xf32, #tpu.memory_space<vmem>>
      %gather3A_1006 = tpu.vector_load_idx %gather3A_1005[%add3A_1000, %broadcast_in_dim3A_997] : memref<64x128xf32, #tpu.memory_space<vmem>>[vector<16xi32>, vector<16xi32>], vector<16xf32>,
      tpu.vector_store_idx %arg7[%add3A_1000, %broadcast_in_dim3A_994], %gather3A_1006 : memref<64x256xf32, #tpu.memory_space<vmem>>[vector<16xi32>, vector<16xi32>], vector<16xf32>,
      %add3A_1007 = arith.constant 16 : i32
      %add3A_1008 = vector.broadcast %add3A_1007 : i32 to vector<16xi32>
      %add3A_1009 = arith.addi %iota3A, %add3A_1008 : vector<16xi32>
      %gather3A_1010 = arith.constant 7 : i32
      %gather3A_1011 = arith.constant 0 : i32
      %gather3A_1012 = arith.constant 0 : i32
      %gather3A_1013 = tpu.memref_slice %arg6[%gather3A_1010, %gather3A_1011, %gather3A_1012] : memref<8x64x128xf32, #tpu.memory_space<vmem>> -> memref<1x64x128xf32, #tpu.memory_space<vmem>>
      %gather3A_1014 = tpu.memref_squeeze %gather3A_1013 : memref<1x64x128xf32, #tpu.memory_space<vmem>> -> memref<64x128xf32, #tpu.memory_space<vmem>>
      %gather3A_1015 = tpu.vector_load_idx %gather3A_1014[%add3A_1009, %broadcast_in_dim3A_997] : memref<64x128xf32, #tpu.memory_space<vmem>>[vector<16xi32>, vector<16xi32>], vector<16xf32>,
      tpu.vector_store_idx %arg7[%add3A_1009, %broadcast_in_dim3A_994], %gather3A_1015 : memref<64x256xf32, #tpu.memory_space<vmem>>[vector<16xi32>, vector<16xi32>], vector<16xf32>,
      %add3A_1016 = arith.constant 32 : i32
      %add3A_1017 = vector.broadcast %add3A_1016 : i32 to vector<16xi32>
      %add3A_1018 = arith.addi %iota3A, %add3A_1017 : vector<16xi32>
      %gather3A_1019 = arith.constant 7 : i32
      %gather3A_1020 = arith.constant 0 : i32
      %gather3A_1021 = arith.constant 0 : i32
      %gather3A_1022 = tpu.memref_slice %arg6[%gather3A_1019, %gather3A_1020, %gather3A_1021] : memref<8x64x128xf32, #tpu.memory_space<vmem>> -> memref<1x64x128xf32, #tpu.memory_space<vmem>>
      %gather3A_1023 = tpu.memref_squeeze %gather3A_1022 : memref<1x64x128xf32, #tpu.memory_space<vmem>> -> memref<64x128xf32, #tpu.memory_space<vmem>>
      %gather3A_1024 = tpu.vector_load_idx %gather3A_1023[%add3A_1018, %broadcast_in_dim3A_997] : memref<64x128xf32, #tpu.memory_space<vmem>>[vector<16xi32>, vector<16xi32>], vector<16xf32>,
      tpu.vector_store_idx %arg7[%add3A_1018, %broadcast_in_dim3A_994], %gather3A_1024 : memref<64x256xf32, #tpu.memory_space<vmem>>[vector<16xi32>, vector<16xi32>], vector<16xf32>,
      %add3A_1025 = arith.constant 48 : i32
      %add3A_1026 = vector.broadcast %add3A_1025 : i32 to vector<16xi32>
      %add3A_1027 = arith.addi %iota3A, %add3A_1026 : vector<16xi32>
      %gather3A_1028 = arith.constant 7 : i32
      %gather3A_1029 = arith.constant 0 : i32
      %gather3A_1030 = arith.constant 0 : i32
      %gather3A_1031 = tpu.memref_slice %arg6[%gather3A_1028, %gather3A_1029, %gather3A_1030] : memref<8x64x128xf32, #tpu.memory_space<vmem>> -> memref<1x64x128xf32, #tpu.memory_space<vmem>>
      %gather3A_1032 = tpu.memref_squeeze %gather3A_1031 : memref<1x64x128xf32, #tpu.memory_space<vmem>> -> memref<64x128xf32, #tpu.memory_space<vmem>>
      %gather3A_1033 = tpu.vector_load_idx %gather3A_1032[%add3A_1027, %broadcast_in_dim3A_997] : memref<64x128xf32, #tpu.memory_space<vmem>>[vector<16xi32>, vector<16xi32>], vector<16xf32>,
      tpu.vector_store_idx %arg7[%add3A_1027, %broadcast_in_dim3A_994], %gather3A_1033 : memref<64x256xf32, #tpu.memory_space<vmem>>[vector<16xi32>, vector<16xi32>], vector<16xf32>,
      %mul3A_1034 = arith.constant 16 : i32
      %mul3A_1035 = arith.muli %scan3A_307, %mul3A_1034 : i32
      %add3A_1036 = arith.constant 7 : i32
      %add3A_1037 = arith.addi %mul3A_1035, %add3A_1036 : i32
      %add3A_1038 = arith.constant 8 : i32
      %add3A_1039 = arith.addi %add3A_1037, %add3A_1038 : i32
      %lt3A_1040 = arith.constant 256 : i32
      %lt3A_1041 = arith.cmpi slt, %add3A_1039, %lt3A_1040 : i32
      %convert_element_type3A_1042 = arith.extui %lt3A_1041 : i1 to i32
      %cond3A_1043 = arith.constant 0 : i32
      %cond3A_1044 = arith.cmpi ne, %convert_element_type3A_1042, %cond3A_1043 : i32
      scf.if %cond3A_1044 {
        %shift_right_arithmetic3A_1605 = arith.constant 7 : i32
        %shift_right_arithmetic3A_1606 = arith.shrsi %scan3A_323, %shift_right_arithmetic3A_1605 : i32
        %mul3A_1607 = arith.constant 128 : i32
        %mul3A_1608 = arith.muli %shift_right_arithmetic3A_1606, %mul3A_1607 : i32
        %multiple_of3A_1609 = tpu.assume_multiple %mul3A_1608, 128 : i32
        %dma_start3A_1610 = arith.constant 7 : i32
        %dma_start3A_1611 = arith.constant 0 : i32
        %dma_start3A_1612 = arith.constant 0 : i32
        %dma_start3A_1613 = tpu.memref_slice %arg6[%dma_start3A_1610, %dma_start3A_1611, %dma_start3A_1612] : memref<8x64x128xf32, #tpu.memory_space<vmem>> -> memref<1x64x128xf32, #tpu.memory_space<vmem>>
        %dma_start3A_1614 = tpu.memref_squeeze %dma_start3A_1613 : memref<1x64x128xf32, #tpu.memory_space<vmem>> -> memref<64x128xf32, #tpu.memory_space<vmem>>
        %dma_start3A_1615 = arith.constant 0 : i32
        %dma_start3A_1616 = tpu.memref_slice %arg3[%dma_start3A_1615, %multiple_of3A_1609] : memref<64x1000000xf32, #tpu.memory_space<hbm>> -> memref<64x128xf32, #tpu.memory_space<hbm>>
        %dma_start3A_1617 = arith.constant 0 : i32
        %dma_start3A_1618 = arith.constant 0 : i32
        %dma_start3A_1619 = tpu.memref_slice %arg6[%dma_start3A_1610, %dma_start3A_1617, %dma_start3A_1618] : memref<8x64x128xf32, #tpu.memory_space<vmem>> -> memref<1x64x128xf32, #tpu.memory_space<vmem>>
        %dma_start3A_1620 = tpu.memref_squeeze %dma_start3A_1619 : memref<1x64x128xf32, #tpu.memory_space<vmem>> -> memref<64x128xf32, #tpu.memory_space<vmem>>
        %dma_start3A_1621 = arith.constant 0 : i32
        %dma_start3A_1622 = tpu.memref_slice %arg3[%dma_start3A_1621, %multiple_of3A_1609] : memref<64x1000000xf32, #tpu.memory_space<hbm>> -> memref<64x128xf32, #tpu.memory_space<hbm>>
        tpu.enqueue_dma source(%dma_start3A_1622 : memref<64x128xf32, #tpu.memory_space<hbm>>) target(%dma_start3A_1620 : memref<64x128xf32, #tpu.memory_space<vmem>>) target_semaphore(%arg15 : memref<!tpu.dma_semaphore, #tpu.memory_space<semaphore_mem>>)
      } else {
      }
      %dma_wait3A_1045 = arith.constant 0 : i32
      %dma_wait3A_1046 = arith.constant 0 : i32
      %dma_wait3A_1047 = arith.constant 0 : i32
      %dma_wait3A_1048 = tpu.memref_slice %arg6[%dma_wait3A_1045, %dma_wait3A_1046, %dma_wait3A_1047] : memref<8x64x128xf32, #tpu.memory_space<vmem>> -> memref<1x64x128xf32, #tpu.memory_space<vmem>>
      %dma_wait3A_1049 = tpu.memref_squeeze %dma_wait3A_1048 : memref<1x64x128xf32, #tpu.memory_space<vmem>> -> memref<64x128xf32, #tpu.memory_space<vmem>>
      %dma_wait3A_1050 = arith.constant 0 : i32
      %dma_wait3A_1051 = arith.constant 0 : i32
      %dma_wait3A_1052 = tpu.memref_slice %arg3[%dma_wait3A_1050, %dma_wait3A_1051] : memref<64x1000000xf32, #tpu.memory_space<hbm>> -> memref<64x128xf32, #tpu.memory_space<hbm>>
      %dma_wait3A_1053 = arith.constant 0 : i32
      %dma_wait3A_1054 = arith.constant 0 : i32
      %dma_wait3A_1055 = tpu.memref_slice %arg6[%dma_wait3A_1045, %dma_wait3A_1053, %dma_wait3A_1054] : memref<8x64x128xf32, #tpu.memory_space<vmem>> -> memref<1x64x128xf32, #tpu.memory_space<vmem>>
      %dma_wait3A_1056 = tpu.memref_squeeze %dma_wait3A_1055 : memref<1x64x128xf32, #tpu.memory_space<vmem>> -> memref<64x128xf32, #tpu.memory_space<vmem>>
      %dma_wait3A_1057 = arith.constant 0 : i32
      %dma_wait3A_1058 = arith.constant 0 : i32
      %dma_wait3A_1059 = tpu.memref_slice %arg3[%dma_wait3A_1057, %dma_wait3A_1058] : memref<64x1000000xf32, #tpu.memory_space<hbm>> -> memref<64x128xf32, #tpu.memory_space<hbm>>
      tpu.wait_dma2 semaphore(%arg8 : memref<!tpu.dma_semaphore, #tpu.memory_space<semaphore_mem>>) src(%dma_wait3A_1059 : memref<64x128xf32, #tpu.memory_space<hbm>>) dst(%dma_wait3A_1056 : memref<64x128xf32, #tpu.memory_space<vmem>>)
      %mul3A_1060 = arith.constant 16 : i32
      %mul3A_1061 = arith.muli %scan3A_307, %mul3A_1060 : i32
      %add3A_1062 = arith.constant 8 : i32
      %add3A_1063 = arith.addi %mul3A_1061, %add3A_1062 : i32
      %broadcast_in_dim3A_1064 = vector.broadcast %add3A_1063 : i32 to vector<16xi32>
      %and3A_1065 = arith.constant 127 : i32
      %and3A_1066 = arith.andi %scan3A_316, %and3A_1065 : i32
      %broadcast_in_dim3A_1067 = vector.broadcast %and3A_1066 : i32 to vector<16xi32>
      %add3A_1068 = arith.constant 0 : i32
      %add3A_1069 = vector.broadcast %add3A_1068 : i32 to vector<16xi32>
      %add3A_1070 = arith.addi %iota3A, %add3A_1069 : vector<16xi32>
      %gather3A_1071 = arith.constant 0 : i32
      %gather3A_1072 = arith.constant 0 : i32
      %gather3A_1073 = arith.constant 0 : i32
      %gather3A_1074 = tpu.memref_slice %arg6[%gather3A_1071, %gather3A_1072, %gather3A_1073] : memref<8x64x128xf32, #tpu.memory_space<vmem>> -> memref<1x64x128xf32, #tpu.memory_space<vmem>>
      %gather3A_1075 = tpu.memref_squeeze %gather3A_1074 : memref<1x64x128xf32, #tpu.memory_space<vmem>> -> memref<64x128xf32, #tpu.memory_space<vmem>>
      %gather3A_1076 = tpu.vector_load_idx %gather3A_1075[%add3A_1070, %broadcast_in_dim3A_1067] : memref<64x128xf32, #tpu.memory_space<vmem>>[vector<16xi32>, vector<16xi32>], vector<16xf32>,
      tpu.vector_store_idx %arg7[%add3A_1070, %broadcast_in_dim3A_1064], %gather3A_1076 : memref<64x256xf32, #tpu.memory_space<vmem>>[vector<16xi32>, vector<16xi32>], vector<16xf32>,
      %add3A_1077 = arith.constant 16 : i32
      %add3A_1078 = vector.broadcast %add3A_1077 : i32 to vector<16xi32>
      %add3A_1079 = arith.addi %iota3A, %add3A_1078 : vector<16xi32>
      %gather3A_1080 = arith.constant 0 : i32
      %gather3A_1081 = arith.constant 0 : i32
      %gather3A_1082 = arith.constant 0 : i32
      %gather3A_1083 = tpu.memref_slice %arg6[%gather3A_1080, %gather3A_1081, %gather3A_1082] : memref<8x64x128xf32, #tpu.memory_space<vmem>> -> memref<1x64x128xf32, #tpu.memory_space<vmem>>
      %gather3A_1084 = tpu.memref_squeeze %gather3A_1083 : memref<1x64x128xf32, #tpu.memory_space<vmem>> -> memref<64x128xf32, #tpu.memory_space<vmem>>
      %gather3A_1085 = tpu.vector_load_idx %gather3A_1084[%add3A_1079, %broadcast_in_dim3A_1067] : memref<64x128xf32, #tpu.memory_space<vmem>>[vector<16xi32>, vector<16xi32>], vector<16xf32>,
      tpu.vector_store_idx %arg7[%add3A_1079, %broadcast_in_dim3A_1064], %gather3A_1085 : memref<64x256xf32, #tpu.memory_space<vmem>>[vector<16xi32>, vector<16xi32>], vector<16xf32>,
      %add3A_1086 = arith.constant 32 : i32
      %add3A_1087 = vector.broadcast %add3A_1086 : i32 to vector<16xi32>
      %add3A_1088 = arith.addi %iota3A, %add3A_1087 : vector<16xi32>
      %gather3A_1089 = arith.constant 0 : i32
      %gather3A_1090 = arith.constant 0 : i32
      %gather3A_1091 = arith.constant 0 : i32
      %gather3A_1092 = tpu.memref_slice %arg6[%gather3A_1089, %gather3A_1090, %gather3A_1091] : memref<8x64x128xf32, #tpu.memory_space<vmem>> -> memref<1x64x128xf32, #tpu.memory_space<vmem>>
      %gather3A_1093 = tpu.memref_squeeze %gather3A_1092 : memref<1x64x128xf32, #tpu.memory_space<vmem>> -> memref<64x128xf32, #tpu.memory_space<vmem>>
      %gather3A_1094 = tpu.vector_load_idx %gather3A_1093[%add3A_1088, %broadcast_in_dim3A_1067] : memref<64x128xf32, #tpu.memory_space<vmem>>[vector<16xi32>, vector<16xi32>], vector<16xf32>,
      tpu.vector_store_idx %arg7[%add3A_1088, %broadcast_in_dim3A_1064], %gather3A_1094 : memref<64x256xf32, #tpu.memory_space<vmem>>[vector<16xi32>, vector<16xi32>], vector<16xf32>,
      %add3A_1095 = arith.constant 48 : i32
      %add3A_1096 = vector.broadcast %add3A_1095 : i32 to vector<16xi32>
      %add3A_1097 = arith.addi %iota3A, %add3A_1096 : vector<16xi32>
      %gather3A_1098 = arith.constant 0 : i32
      %gather3A_1099 = arith.constant 0 : i32
      %gather3A_1100 = arith.constant 0 : i32
      %gather3A_1101 = tpu.memref_slice %arg6[%gather3A_1098, %gather3A_1099, %gather3A_1100] : memref<8x64x128xf32, #tpu.memory_space<vmem>> -> memref<1x64x128xf32, #tpu.memory_space<vmem>>
      %gather3A_1102 = tpu.memref_squeeze %gather3A_1101 : memref<1x64x128xf32, #tpu.memory_space<vmem>> -> memref<64x128xf32, #tpu.memory_space<vmem>>
      %gather3A_1103 = tpu.vector_load_idx %gather3A_1102[%add3A_1097, %broadcast_in_dim3A_1067] : memref<64x128xf32, #tpu.memory_space<vmem>>[vector<16xi32>, vector<16xi32>], vector<16xf32>,
      tpu.vector_store_idx %arg7[%add3A_1097, %broadcast_in_dim3A_1064], %gather3A_1103 : memref<64x256xf32, #tpu.memory_space<vmem>>[vector<16xi32>, vector<16xi32>], vector<16xf32>,
      %mul3A_1104 = arith.constant 16 : i32
      %mul3A_1105 = arith.muli %scan3A_307, %mul3A_1104 : i32
      %add3A_1106 = arith.constant 8 : i32
      %add3A_1107 = arith.addi %mul3A_1105, %add3A_1106 : i32
      %add3A_1108 = arith.constant 8 : i32
      %add3A_1109 = arith.addi %add3A_1107, %add3A_1108 : i32
      %lt3A_1110 = arith.constant 256 : i32
      %lt3A_1111 = arith.cmpi slt, %add3A_1109, %lt3A_1110 : i32
      %convert_element_type3A_1112 = arith.extui %lt3A_1111 : i1 to i32
      %cond3A_1113 = arith.constant 0 : i32
      %cond3A_1114 = arith.cmpi ne, %convert_element_type3A_1112, %cond3A_1113 : i32
      scf.if %cond3A_1114 {
        %shift_right_arithmetic3A_1605 = arith.constant 7 : i32
        %shift_right_arithmetic3A_1606 = arith.shrsi %reduce_sum3A_340, %shift_right_arithmetic3A_1605 : i32
        %mul3A_1607 = arith.constant 128 : i32
        %mul3A_1608 = arith.muli %shift_right_arithmetic3A_1606, %mul3A_1607 : i32
        %multiple_of3A_1609 = tpu.assume_multiple %mul3A_1608, 128 : i32
        %dma_start3A_1610 = arith.constant 0 : i32
        %dma_start3A_1611 = arith.constant 0 : i32
        %dma_start3A_1612 = arith.constant 0 : i32
        %dma_start3A_1613 = tpu.memref_slice %arg6[%dma_start3A_1610, %dma_start3A_1611, %dma_start3A_1612] : memref<8x64x128xf32, #tpu.memory_space<vmem>> -> memref<1x64x128xf32, #tpu.memory_space<vmem>>
        %dma_start3A_1614 = tpu.memref_squeeze %dma_start3A_1613 : memref<1x64x128xf32, #tpu.memory_space<vmem>> -> memref<64x128xf32, #tpu.memory_space<vmem>>
        %dma_start3A_1615 = arith.constant 0 : i32
        %dma_start3A_1616 = tpu.memref_slice %arg3[%dma_start3A_1615, %multiple_of3A_1609] : memref<64x1000000xf32, #tpu.memory_space<hbm>> -> memref<64x128xf32, #tpu.memory_space<hbm>>
        %dma_start3A_1617 = arith.constant 0 : i32
        %dma_start3A_1618 = arith.constant 0 : i32
        %dma_start3A_1619 = tpu.memref_slice %arg6[%dma_start3A_1610, %dma_start3A_1617, %dma_start3A_1618] : memref<8x64x128xf32, #tpu.memory_space<vmem>> -> memref<1x64x128xf32, #tpu.memory_space<vmem>>
        %dma_start3A_1620 = tpu.memref_squeeze %dma_start3A_1619 : memref<1x64x128xf32, #tpu.memory_space<vmem>> -> memref<64x128xf32, #tpu.memory_space<vmem>>
        %dma_start3A_1621 = arith.constant 0 : i32
        %dma_start3A_1622 = tpu.memref_slice %arg3[%dma_start3A_1621, %multiple_of3A_1609] : memref<64x1000000xf32, #tpu.memory_space<hbm>> -> memref<64x128xf32, #tpu.memory_space<hbm>>
        tpu.enqueue_dma source(%dma_start3A_1622 : memref<64x128xf32, #tpu.memory_space<hbm>>) target(%dma_start3A_1620 : memref<64x128xf32, #tpu.memory_space<vmem>>) target_semaphore(%arg8 : memref<!tpu.dma_semaphore, #tpu.memory_space<semaphore_mem>>)
      } else {
      }
      %dma_wait3A_1115 = arith.constant 1 : i32
      %dma_wait3A_1116 = arith.constant 0 : i32
      %dma_wait3A_1117 = arith.constant 0 : i32
      %dma_wait3A_1118 = tpu.memref_slice %arg6[%dma_wait3A_1115, %dma_wait3A_1116, %dma_wait3A_1117] : memref<8x64x128xf32, #tpu.memory_space<vmem>> -> memref<1x64x128xf32, #tpu.memory_space<vmem>>
      %dma_wait3A_1119 = tpu.memref_squeeze %dma_wait3A_1118 : memref<1x64x128xf32, #tpu.memory_space<vmem>> -> memref<64x128xf32, #tpu.memory_space<vmem>>
      %dma_wait3A_1120 = arith.constant 0 : i32
      %dma_wait3A_1121 = arith.constant 0 : i32
      %dma_wait3A_1122 = tpu.memref_slice %arg3[%dma_wait3A_1120, %dma_wait3A_1121] : memref<64x1000000xf32, #tpu.memory_space<hbm>> -> memref<64x128xf32, #tpu.memory_space<hbm>>
      %dma_wait3A_1123 = arith.constant 0 : i32
      %dma_wait3A_1124 = arith.constant 0 : i32
      %dma_wait3A_1125 = tpu.memref_slice %arg6[%dma_wait3A_1115, %dma_wait3A_1123, %dma_wait3A_1124] : memref<8x64x128xf32, #tpu.memory_space<vmem>> -> memref<1x64x128xf32, #tpu.memory_space<vmem>>
      %dma_wait3A_1126 = tpu.memref_squeeze %dma_wait3A_1125 : memref<1x64x128xf32, #tpu.memory_space<vmem>> -> memref<64x128xf32, #tpu.memory_space<vmem>>
      %dma_wait3A_1127 = arith.constant 0 : i32
      %dma_wait3A_1128 = arith.constant 0 : i32
      %dma_wait3A_1129 = tpu.memref_slice %arg3[%dma_wait3A_1127, %dma_wait3A_1128] : memref<64x1000000xf32, #tpu.memory_space<hbm>> -> memref<64x128xf32, #tpu.memory_space<hbm>>
      tpu.wait_dma2 semaphore(%arg9 : memref<!tpu.dma_semaphore, #tpu.memory_space<semaphore_mem>>) src(%dma_wait3A_1129 : memref<64x128xf32, #tpu.memory_space<hbm>>) dst(%dma_wait3A_1126 : memref<64x128xf32, #tpu.memory_space<vmem>>)
      %mul3A_1130 = arith.constant 16 : i32
      %mul3A_1131 = arith.muli %scan3A_307, %mul3A_1130 : i32
      %add3A_1132 = arith.constant 9 : i32
      %add3A_1133 = arith.addi %mul3A_1131, %add3A_1132 : i32
      %broadcast_in_dim3A_1134 = vector.broadcast %add3A_1133 : i32 to vector<16xi32>
      %and3A_1135 = arith.constant 127 : i32
      %and3A_1136 = arith.andi %scan3A_317, %and3A_1135 : i32
      %broadcast_in_dim3A_1137 = vector.broadcast %and3A_1136 : i32 to vector<16xi32>
      %add3A_1138 = arith.constant 0 : i32
      %add3A_1139 = vector.broadcast %add3A_1138 : i32 to vector<16xi32>
      %add3A_1140 = arith.addi %iota3A, %add3A_1139 : vector<16xi32>
      %gather3A_1141 = arith.constant 1 : i32
      %gather3A_1142 = arith.constant 0 : i32
      %gather3A_1143 = arith.constant 0 : i32
      %gather3A_1144 = tpu.memref_slice %arg6[%gather3A_1141, %gather3A_1142, %gather3A_1143] : memref<8x64x128xf32, #tpu.memory_space<vmem>> -> memref<1x64x128xf32, #tpu.memory_space<vmem>>
      %gather3A_1145 = tpu.memref_squeeze %gather3A_1144 : memref<1x64x128xf32, #tpu.memory_space<vmem>> -> memref<64x128xf32, #tpu.memory_space<vmem>>
      %gather3A_1146 = tpu.vector_load_idx %gather3A_1145[%add3A_1140, %broadcast_in_dim3A_1137] : memref<64x128xf32, #tpu.memory_space<vmem>>[vector<16xi32>, vector<16xi32>], vector<16xf32>,
      tpu.vector_store_idx %arg7[%add3A_1140, %broadcast_in_dim3A_1134], %gather3A_1146 : memref<64x256xf32, #tpu.memory_space<vmem>>[vector<16xi32>, vector<16xi32>], vector<16xf32>,
      %add3A_1147 = arith.constant 16 : i32
      %add3A_1148 = vector.broadcast %add3A_1147 : i32 to vector<16xi32>
      %add3A_1149 = arith.addi %iota3A, %add3A_1148 : vector<16xi32>
      %gather3A_1150 = arith.constant 1 : i32
      %gather3A_1151 = arith.constant 0 : i32
      %gather3A_1152 = arith.constant 0 : i32
      %gather3A_1153 = tpu.memref_slice %arg6[%gather3A_1150, %gather3A_1151, %gather3A_1152] : memref<8x64x128xf32, #tpu.memory_space<vmem>> -> memref<1x64x128xf32, #tpu.memory_space<vmem>>
      %gather3A_1154 = tpu.memref_squeeze %gather3A_1153 : memref<1x64x128xf32, #tpu.memory_space<vmem>> -> memref<64x128xf32, #tpu.memory_space<vmem>>
      %gather3A_1155 = tpu.vector_load_idx %gather3A_1154[%add3A_1149, %broadcast_in_dim3A_1137] : memref<64x128xf32, #tpu.memory_space<vmem>>[vector<16xi32>, vector<16xi32>], vector<16xf32>,
      tpu.vector_store_idx %arg7[%add3A_1149, %broadcast_in_dim3A_1134], %gather3A_1155 : memref<64x256xf32, #tpu.memory_space<vmem>>[vector<16xi32>, vector<16xi32>], vector<16xf32>,
      %add3A_1156 = arith.constant 32 : i32
      %add3A_1157 = vector.broadcast %add3A_1156 : i32 to vector<16xi32>
      %add3A_1158 = arith.addi %iota3A, %add3A_1157 : vector<16xi32>
      %gather3A_1159 = arith.constant 1 : i32
      %gather3A_1160 = arith.constant 0 : i32
      %gather3A_1161 = arith.constant 0 : i32
      %gather3A_1162 = tpu.memref_slice %arg6[%gather3A_1159, %gather3A_1160, %gather3A_1161] : memref<8x64x128xf32, #tpu.memory_space<vmem>> -> memref<1x64x128xf32, #tpu.memory_space<vmem>>
      %gather3A_1163 = tpu.memref_squeeze %gather3A_1162 : memref<1x64x128xf32, #tpu.memory_space<vmem>> -> memref<64x128xf32, #tpu.memory_space<vmem>>
      %gather3A_1164 = tpu.vector_load_idx %gather3A_1163[%add3A_1158, %broadcast_in_dim3A_1137] : memref<64x128xf32, #tpu.memory_space<vmem>>[vector<16xi32>, vector<16xi32>], vector<16xf32>,
      tpu.vector_store_idx %arg7[%add3A_1158, %broadcast_in_dim3A_1134], %gather3A_1164 : memref<64x256xf32, #tpu.memory_space<vmem>>[vector<16xi32>, vector<16xi32>], vector<16xf32>,
      %add3A_1165 = arith.constant 48 : i32
      %add3A_1166 = vector.broadcast %add3A_1165 : i32 to vector<16xi32>
      %add3A_1167 = arith.addi %iota3A, %add3A_1166 : vector<16xi32>
      %gather3A_1168 = arith.constant 1 : i32
      %gather3A_1169 = arith.constant 0 : i32
      %gather3A_1170 = arith.constant 0 : i32
      %gather3A_1171 = tpu.memref_slice %arg6[%gather3A_1168, %gather3A_1169, %gather3A_1170] : memref<8x64x128xf32, #tpu.memory_space<vmem>> -> memref<1x64x128xf32, #tpu.memory_space<vmem>>
      %gather3A_1172 = tpu.memref_squeeze %gather3A_1171 : memref<1x64x128xf32, #tpu.memory_space<vmem>> -> memref<64x128xf32, #tpu.memory_space<vmem>>
      %gather3A_1173 = tpu.vector_load_idx %gather3A_1172[%add3A_1167, %broadcast_in_dim3A_1137] : memref<64x128xf32, #tpu.memory_space<vmem>>[vector<16xi32>, vector<16xi32>], vector<16xf32>,
      tpu.vector_store_idx %arg7[%add3A_1167, %broadcast_in_dim3A_1134], %gather3A_1173 : memref<64x256xf32, #tpu.memory_space<vmem>>[vector<16xi32>, vector<16xi32>], vector<16xf32>,
      %mul3A_1174 = arith.constant 16 : i32
      %mul3A_1175 = arith.muli %scan3A_307, %mul3A_1174 : i32
      %add3A_1176 = arith.constant 9 : i32
      %add3A_1177 = arith.addi %mul3A_1175, %add3A_1176 : i32
      %add3A_1178 = arith.constant 8 : i32
      %add3A_1179 = arith.addi %add3A_1177, %add3A_1178 : i32
      %lt3A_1180 = arith.constant 256 : i32
      %lt3A_1181 = arith.cmpi slt, %add3A_1179, %lt3A_1180 : i32
      %convert_element_type3A_1182 = arith.extui %lt3A_1181 : i1 to i32
      %cond3A_1183 = arith.constant 0 : i32
      %cond3A_1184 = arith.cmpi ne, %convert_element_type3A_1182, %cond3A_1183 : i32
      scf.if %cond3A_1184 {
        %shift_right_arithmetic3A_1605 = arith.constant 7 : i32
        %shift_right_arithmetic3A_1606 = arith.shrsi %reduce_sum3A_350, %shift_right_arithmetic3A_1605 : i32
        %mul3A_1607 = arith.constant 128 : i32
        %mul3A_1608 = arith.muli %shift_right_arithmetic3A_1606, %mul3A_1607 : i32
        %multiple_of3A_1609 = tpu.assume_multiple %mul3A_1608, 128 : i32
        %dma_start3A_1610 = arith.constant 1 : i32
        %dma_start3A_1611 = arith.constant 0 : i32
        %dma_start3A_1612 = arith.constant 0 : i32
        %dma_start3A_1613 = tpu.memref_slice %arg6[%dma_start3A_1610, %dma_start3A_1611, %dma_start3A_1612] : memref<8x64x128xf32, #tpu.memory_space<vmem>> -> memref<1x64x128xf32, #tpu.memory_space<vmem>>
        %dma_start3A_1614 = tpu.memref_squeeze %dma_start3A_1613 : memref<1x64x128xf32, #tpu.memory_space<vmem>> -> memref<64x128xf32, #tpu.memory_space<vmem>>
        %dma_start3A_1615 = arith.constant 0 : i32
        %dma_start3A_1616 = tpu.memref_slice %arg3[%dma_start3A_1615, %multiple_of3A_1609] : memref<64x1000000xf32, #tpu.memory_space<hbm>> -> memref<64x128xf32, #tpu.memory_space<hbm>>
        %dma_start3A_1617 = arith.constant 0 : i32
        %dma_start3A_1618 = arith.constant 0 : i32
        %dma_start3A_1619 = tpu.memref_slice %arg6[%dma_start3A_1610, %dma_start3A_1617, %dma_start3A_1618] : memref<8x64x128xf32, #tpu.memory_space<vmem>> -> memref<1x64x128xf32, #tpu.memory_space<vmem>>
        %dma_start3A_1620 = tpu.memref_squeeze %dma_start3A_1619 : memref<1x64x128xf32, #tpu.memory_space<vmem>> -> memref<64x128xf32, #tpu.memory_space<vmem>>
        %dma_start3A_1621 = arith.constant 0 : i32
        %dma_start3A_1622 = tpu.memref_slice %arg3[%dma_start3A_1621, %multiple_of3A_1609] : memref<64x1000000xf32, #tpu.memory_space<hbm>> -> memref<64x128xf32, #tpu.memory_space<hbm>>
        tpu.enqueue_dma source(%dma_start3A_1622 : memref<64x128xf32, #tpu.memory_space<hbm>>) target(%dma_start3A_1620 : memref<64x128xf32, #tpu.memory_space<vmem>>) target_semaphore(%arg9 : memref<!tpu.dma_semaphore, #tpu.memory_space<semaphore_mem>>)
      } else {
      }
      %dma_wait3A_1185 = arith.constant 2 : i32
      %dma_wait3A_1186 = arith.constant 0 : i32
      %dma_wait3A_1187 = arith.constant 0 : i32
      %dma_wait3A_1188 = tpu.memref_slice %arg6[%dma_wait3A_1185, %dma_wait3A_1186, %dma_wait3A_1187] : memref<8x64x128xf32, #tpu.memory_space<vmem>> -> memref<1x64x128xf32, #tpu.memory_space<vmem>>
      %dma_wait3A_1189 = tpu.memref_squeeze %dma_wait3A_1188 : memref<1x64x128xf32, #tpu.memory_space<vmem>> -> memref<64x128xf32, #tpu.memory_space<vmem>>
      %dma_wait3A_1190 = arith.constant 0 : i32
      %dma_wait3A_1191 = arith.constant 0 : i32
      %dma_wait3A_1192 = tpu.memref_slice %arg3[%dma_wait3A_1190, %dma_wait3A_1191] : memref<64x1000000xf32, #tpu.memory_space<hbm>> -> memref<64x128xf32, #tpu.memory_space<hbm>>
      %dma_wait3A_1193 = arith.constant 0 : i32
      %dma_wait3A_1194 = arith.constant 0 : i32
      %dma_wait3A_1195 = tpu.memref_slice %arg6[%dma_wait3A_1185, %dma_wait3A_1193, %dma_wait3A_1194] : memref<8x64x128xf32, #tpu.memory_space<vmem>> -> memref<1x64x128xf32, #tpu.memory_space<vmem>>
      %dma_wait3A_1196 = tpu.memref_squeeze %dma_wait3A_1195 : memref<1x64x128xf32, #tpu.memory_space<vmem>> -> memref<64x128xf32, #tpu.memory_space<vmem>>
      %dma_wait3A_1197 = arith.constant 0 : i32
      %dma_wait3A_1198 = arith.constant 0 : i32
      %dma_wait3A_1199 = tpu.memref_slice %arg3[%dma_wait3A_1197, %dma_wait3A_1198] : memref<64x1000000xf32, #tpu.memory_space<hbm>> -> memref<64x128xf32, #tpu.memory_space<hbm>>
      tpu.wait_dma2 semaphore(%arg10 : memref<!tpu.dma_semaphore, #tpu.memory_space<semaphore_mem>>) src(%dma_wait3A_1199 : memref<64x128xf32, #tpu.memory_space<hbm>>) dst(%dma_wait3A_1196 : memref<64x128xf32, #tpu.memory_space<vmem>>)
      %mul3A_1200 = arith.constant 16 : i32
      %mul3A_1201 = arith.muli %scan3A_307, %mul3A_1200 : i32
      %add3A_1202 = arith.constant 10 : i32
      %add3A_1203 = arith.addi %mul3A_1201, %add3A_1202 : i32
      %broadcast_in_dim3A_1204 = vector.broadcast %add3A_1203 : i32 to vector<16xi32>
      %and3A_1205 = arith.constant 127 : i32
      %and3A_1206 = arith.andi %scan3A_318, %and3A_1205 : i32
      %broadcast_in_dim3A_1207 = vector.broadcast %and3A_1206 : i32 to vector<16xi32>
      %add3A_1208 = arith.constant 0 : i32
      %add3A_1209 = vector.broadcast %add3A_1208 : i32 to vector<16xi32>
      %add3A_1210 = arith.addi %iota3A, %add3A_1209 : vector<16xi32>
      %gather3A_1211 = arith.constant 2 : i32
      %gather3A_1212 = arith.constant 0 : i32
      %gather3A_1213 = arith.constant 0 : i32
      %gather3A_1214 = tpu.memref_slice %arg6[%gather3A_1211, %gather3A_1212, %gather3A_1213] : memref<8x64x128xf32, #tpu.memory_space<vmem>> -> memref<1x64x128xf32, #tpu.memory_space<vmem>>
      %gather3A_1215 = tpu.memref_squeeze %gather3A_1214 : memref<1x64x128xf32, #tpu.memory_space<vmem>> -> memref<64x128xf32, #tpu.memory_space<vmem>>
      %gather3A_1216 = tpu.vector_load_idx %gather3A_1215[%add3A_1210, %broadcast_in_dim3A_1207] : memref<64x128xf32, #tpu.memory_space<vmem>>[vector<16xi32>, vector<16xi32>], vector<16xf32>,
      tpu.vector_store_idx %arg7[%add3A_1210, %broadcast_in_dim3A_1204], %gather3A_1216 : memref<64x256xf32, #tpu.memory_space<vmem>>[vector<16xi32>, vector<16xi32>], vector<16xf32>,
      %add3A_1217 = arith.constant 16 : i32
      %add3A_1218 = vector.broadcast %add3A_1217 : i32 to vector<16xi32>
      %add3A_1219 = arith.addi %iota3A, %add3A_1218 : vector<16xi32>
      %gather3A_1220 = arith.constant 2 : i32
      %gather3A_1221 = arith.constant 0 : i32
      %gather3A_1222 = arith.constant 0 : i32
      %gather3A_1223 = tpu.memref_slice %arg6[%gather3A_1220, %gather3A_1221, %gather3A_1222] : memref<8x64x128xf32, #tpu.memory_space<vmem>> -> memref<1x64x128xf32, #tpu.memory_space<vmem>>
      %gather3A_1224 = tpu.memref_squeeze %gather3A_1223 : memref<1x64x128xf32, #tpu.memory_space<vmem>> -> memref<64x128xf32, #tpu.memory_space<vmem>>
      %gather3A_1225 = tpu.vector_load_idx %gather3A_1224[%add3A_1219, %broadcast_in_dim3A_1207] : memref<64x128xf32, #tpu.memory_space<vmem>>[vector<16xi32>, vector<16xi32>], vector<16xf32>,
      tpu.vector_store_idx %arg7[%add3A_1219, %broadcast_in_dim3A_1204], %gather3A_1225 : memref<64x256xf32, #tpu.memory_space<vmem>>[vector<16xi32>, vector<16xi32>], vector<16xf32>,
      %add3A_1226 = arith.constant 32 : i32
      %add3A_1227 = vector.broadcast %add3A_1226 : i32 to vector<16xi32>
      %add3A_1228 = arith.addi %iota3A, %add3A_1227 : vector<16xi32>
      %gather3A_1229 = arith.constant 2 : i32
      %gather3A_1230 = arith.constant 0 : i32
      %gather3A_1231 = arith.constant 0 : i32
      %gather3A_1232 = tpu.memref_slice %arg6[%gather3A_1229, %gather3A_1230, %gather3A_1231] : memref<8x64x128xf32, #tpu.memory_space<vmem>> -> memref<1x64x128xf32, #tpu.memory_space<vmem>>
      %gather3A_1233 = tpu.memref_squeeze %gather3A_1232 : memref<1x64x128xf32, #tpu.memory_space<vmem>> -> memref<64x128xf32, #tpu.memory_space<vmem>>
      %gather3A_1234 = tpu.vector_load_idx %gather3A_1233[%add3A_1228, %broadcast_in_dim3A_1207] : memref<64x128xf32, #tpu.memory_space<vmem>>[vector<16xi32>, vector<16xi32>], vector<16xf32>,
      tpu.vector_store_idx %arg7[%add3A_1228, %broadcast_in_dim3A_1204], %gather3A_1234 : memref<64x256xf32, #tpu.memory_space<vmem>>[vector<16xi32>, vector<16xi32>], vector<16xf32>,
      %add3A_1235 = arith.constant 48 : i32
      %add3A_1236 = vector.broadcast %add3A_1235 : i32 to vector<16xi32>
      %add3A_1237 = arith.addi %iota3A, %add3A_1236 : vector<16xi32>
      %gather3A_1238 = arith.constant 2 : i32
      %gather3A_1239 = arith.constant 0 : i32
      %gather3A_1240 = arith.constant 0 : i32
      %gather3A_1241 = tpu.memref_slice %arg6[%gather3A_1238, %gather3A_1239, %gather3A_1240] : memref<8x64x128xf32, #tpu.memory_space<vmem>> -> memref<1x64x128xf32, #tpu.memory_space<vmem>>
      %gather3A_1242 = tpu.memref_squeeze %gather3A_1241 : memref<1x64x128xf32, #tpu.memory_space<vmem>> -> memref<64x128xf32, #tpu.memory_space<vmem>>
      %gather3A_1243 = tpu.vector_load_idx %gather3A_1242[%add3A_1237, %broadcast_in_dim3A_1207] : memref<64x128xf32, #tpu.memory_space<vmem>>[vector<16xi32>, vector<16xi32>], vector<16xf32>,
      tpu.vector_store_idx %arg7[%add3A_1237, %broadcast_in_dim3A_1204], %gather3A_1243 : memref<64x256xf32, #tpu.memory_space<vmem>>[vector<16xi32>, vector<16xi32>], vector<16xf32>,
      %mul3A_1244 = arith.constant 16 : i32
      %mul3A_1245 = arith.muli %scan3A_307, %mul3A_1244 : i32
      %add3A_1246 = arith.constant 10 : i32
      %add3A_1247 = arith.addi %mul3A_1245, %add3A_1246 : i32
      %add3A_1248 = arith.constant 8 : i32
      %add3A_1249 = arith.addi %add3A_1247, %add3A_1248 : i32
      %lt3A_1250 = arith.constant 256 : i32
      %lt3A_1251 = arith.cmpi slt, %add3A_1249, %lt3A_1250 : i32
      %convert_element_type3A_1252 = arith.extui %lt3A_1251 : i1 to i32
      %cond3A_1253 = arith.constant 0 : i32
      %cond3A_1254 = arith.cmpi ne, %convert_element_type3A_1252, %cond3A_1253 : i32
      scf.if %cond3A_1254 {
        %shift_right_arithmetic3A_1605 = arith.constant 7 : i32
        %shift_right_arithmetic3A_1606 = arith.shrsi %reduce_sum3A_360, %shift_right_arithmetic3A_1605 : i32
        %mul3A_1607 = arith.constant 128 : i32
        %mul3A_1608 = arith.muli %shift_right_arithmetic3A_1606, %mul3A_1607 : i32
        %multiple_of3A_1609 = tpu.assume_multiple %mul3A_1608, 128 : i32
        %dma_start3A_1610 = arith.constant 2 : i32
        %dma_start3A_1611 = arith.constant 0 : i32
        %dma_start3A_1612 = arith.constant 0 : i32
        %dma_start3A_1613 = tpu.memref_slice %arg6[%dma_start3A_1610, %dma_start3A_1611, %dma_start3A_1612] : memref<8x64x128xf32, #tpu.memory_space<vmem>> -> memref<1x64x128xf32, #tpu.memory_space<vmem>>
        %dma_start3A_1614 = tpu.memref_squeeze %dma_start3A_1613 : memref<1x64x128xf32, #tpu.memory_space<vmem>> -> memref<64x128xf32, #tpu.memory_space<vmem>>
        %dma_start3A_1615 = arith.constant 0 : i32
        %dma_start3A_1616 = tpu.memref_slice %arg3[%dma_start3A_1615, %multiple_of3A_1609] : memref<64x1000000xf32, #tpu.memory_space<hbm>> -> memref<64x128xf32, #tpu.memory_space<hbm>>
        %dma_start3A_1617 = arith.constant 0 : i32
        %dma_start3A_1618 = arith.constant 0 : i32
        %dma_start3A_1619 = tpu.memref_slice %arg6[%dma_start3A_1610, %dma_start3A_1617, %dma_start3A_1618] : memref<8x64x128xf32, #tpu.memory_space<vmem>> -> memref<1x64x128xf32, #tpu.memory_space<vmem>>
        %dma_start3A_1620 = tpu.memref_squeeze %dma_start3A_1619 : memref<1x64x128xf32, #tpu.memory_space<vmem>> -> memref<64x128xf32, #tpu.memory_space<vmem>>
        %dma_start3A_1621 = arith.constant 0 : i32
        %dma_start3A_1622 = tpu.memref_slice %arg3[%dma_start3A_1621, %multiple_of3A_1609] : memref<64x1000000xf32, #tpu.memory_space<hbm>> -> memref<64x128xf32, #tpu.memory_space<hbm>>
        tpu.enqueue_dma source(%dma_start3A_1622 : memref<64x128xf32, #tpu.memory_space<hbm>>) target(%dma_start3A_1620 : memref<64x128xf32, #tpu.memory_space<vmem>>) target_semaphore(%arg10 : memref<!tpu.dma_semaphore, #tpu.memory_space<semaphore_mem>>)
      } else {
      }
      %dma_wait3A_1255 = arith.constant 3 : i32
      %dma_wait3A_1256 = arith.constant 0 : i32
      %dma_wait3A_1257 = arith.constant 0 : i32
      %dma_wait3A_1258 = tpu.memref_slice %arg6[%dma_wait3A_1255, %dma_wait3A_1256, %dma_wait3A_1257] : memref<8x64x128xf32, #tpu.memory_space<vmem>> -> memref<1x64x128xf32, #tpu.memory_space<vmem>>
      %dma_wait3A_1259 = tpu.memref_squeeze %dma_wait3A_1258 : memref<1x64x128xf32, #tpu.memory_space<vmem>> -> memref<64x128xf32, #tpu.memory_space<vmem>>
      %dma_wait3A_1260 = arith.constant 0 : i32
      %dma_wait3A_1261 = arith.constant 0 : i32
      %dma_wait3A_1262 = tpu.memref_slice %arg3[%dma_wait3A_1260, %dma_wait3A_1261] : memref<64x1000000xf32, #tpu.memory_space<hbm>> -> memref<64x128xf32, #tpu.memory_space<hbm>>
      %dma_wait3A_1263 = arith.constant 0 : i32
      %dma_wait3A_1264 = arith.constant 0 : i32
      %dma_wait3A_1265 = tpu.memref_slice %arg6[%dma_wait3A_1255, %dma_wait3A_1263, %dma_wait3A_1264] : memref<8x64x128xf32, #tpu.memory_space<vmem>> -> memref<1x64x128xf32, #tpu.memory_space<vmem>>
      %dma_wait3A_1266 = tpu.memref_squeeze %dma_wait3A_1265 : memref<1x64x128xf32, #tpu.memory_space<vmem>> -> memref<64x128xf32, #tpu.memory_space<vmem>>
      %dma_wait3A_1267 = arith.constant 0 : i32
      %dma_wait3A_1268 = arith.constant 0 : i32
      %dma_wait3A_1269 = tpu.memref_slice %arg3[%dma_wait3A_1267, %dma_wait3A_1268] : memref<64x1000000xf32, #tpu.memory_space<hbm>> -> memref<64x128xf32, #tpu.memory_space<hbm>>
      tpu.wait_dma2 semaphore(%arg11 : memref<!tpu.dma_semaphore, #tpu.memory_space<semaphore_mem>>) src(%dma_wait3A_1269 : memref<64x128xf32, #tpu.memory_space<hbm>>) dst(%dma_wait3A_1266 : memref<64x128xf32, #tpu.memory_space<vmem>>)
      %mul3A_1270 = arith.constant 16 : i32
      %mul3A_1271 = arith.muli %scan3A_307, %mul3A_1270 : i32
      %add3A_1272 = arith.constant 11 : i32
      %add3A_1273 = arith.addi %mul3A_1271, %add3A_1272 : i32
      %broadcast_in_dim3A_1274 = vector.broadcast %add3A_1273 : i32 to vector<16xi32>
      %and3A_1275 = arith.constant 127 : i32
      %and3A_1276 = arith.andi %scan3A_319, %and3A_1275 : i32
      %broadcast_in_dim3A_1277 = vector.broadcast %and3A_1276 : i32 to vector<16xi32>
      %add3A_1278 = arith.constant 0 : i32
      %add3A_1279 = vector.broadcast %add3A_1278 : i32 to vector<16xi32>
      %add3A_1280 = arith.addi %iota3A, %add3A_1279 : vector<16xi32>
      %gather3A_1281 = arith.constant 3 : i32
      %gather3A_1282 = arith.constant 0 : i32
      %gather3A_1283 = arith.constant 0 : i32
      %gather3A_1284 = tpu.memref_slice %arg6[%gather3A_1281, %gather3A_1282, %gather3A_1283] : memref<8x64x128xf32, #tpu.memory_space<vmem>> -> memref<1x64x128xf32, #tpu.memory_space<vmem>>
      %gather3A_1285 = tpu.memref_squeeze %gather3A_1284 : memref<1x64x128xf32, #tpu.memory_space<vmem>> -> memref<64x128xf32, #tpu.memory_space<vmem>>
      %gather3A_1286 = tpu.vector_load_idx %gather3A_1285[%add3A_1280, %broadcast_in_dim3A_1277] : memref<64x128xf32, #tpu.memory_space<vmem>>[vector<16xi32>, vector<16xi32>], vector<16xf32>,
      tpu.vector_store_idx %arg7[%add3A_1280, %broadcast_in_dim3A_1274], %gather3A_1286 : memref<64x256xf32, #tpu.memory_space<vmem>>[vector<16xi32>, vector<16xi32>], vector<16xf32>,
      %add3A_1287 = arith.constant 16 : i32
      %add3A_1288 = vector.broadcast %add3A_1287 : i32 to vector<16xi32>
      %add3A_1289 = arith.addi %iota3A, %add3A_1288 : vector<16xi32>
      %gather3A_1290 = arith.constant 3 : i32
      %gather3A_1291 = arith.constant 0 : i32
      %gather3A_1292 = arith.constant 0 : i32
      %gather3A_1293 = tpu.memref_slice %arg6[%gather3A_1290, %gather3A_1291, %gather3A_1292] : memref<8x64x128xf32, #tpu.memory_space<vmem>> -> memref<1x64x128xf32, #tpu.memory_space<vmem>>
      %gather3A_1294 = tpu.memref_squeeze %gather3A_1293 : memref<1x64x128xf32, #tpu.memory_space<vmem>> -> memref<64x128xf32, #tpu.memory_space<vmem>>
      %gather3A_1295 = tpu.vector_load_idx %gather3A_1294[%add3A_1289, %broadcast_in_dim3A_1277] : memref<64x128xf32, #tpu.memory_space<vmem>>[vector<16xi32>, vector<16xi32>], vector<16xf32>,
      tpu.vector_store_idx %arg7[%add3A_1289, %broadcast_in_dim3A_1274], %gather3A_1295 : memref<64x256xf32, #tpu.memory_space<vmem>>[vector<16xi32>, vector<16xi32>], vector<16xf32>,
      %add3A_1296 = arith.constant 32 : i32
      %add3A_1297 = vector.broadcast %add3A_1296 : i32 to vector<16xi32>
      %add3A_1298 = arith.addi %iota3A, %add3A_1297 : vector<16xi32>
      %gather3A_1299 = arith.constant 3 : i32
      %gather3A_1300 = arith.constant 0 : i32
      %gather3A_1301 = arith.constant 0 : i32
      %gather3A_1302 = tpu.memref_slice %arg6[%gather3A_1299, %gather3A_1300, %gather3A_1301] : memref<8x64x128xf32, #tpu.memory_space<vmem>> -> memref<1x64x128xf32, #tpu.memory_space<vmem>>
      %gather3A_1303 = tpu.memref_squeeze %gather3A_1302 : memref<1x64x128xf32, #tpu.memory_space<vmem>> -> memref<64x128xf32, #tpu.memory_space<vmem>>
      %gather3A_1304 = tpu.vector_load_idx %gather3A_1303[%add3A_1298, %broadcast_in_dim3A_1277] : memref<64x128xf32, #tpu.memory_space<vmem>>[vector<16xi32>, vector<16xi32>], vector<16xf32>,
      tpu.vector_store_idx %arg7[%add3A_1298, %broadcast_in_dim3A_1274], %gather3A_1304 : memref<64x256xf32, #tpu.memory_space<vmem>>[vector<16xi32>, vector<16xi32>], vector<16xf32>,
      %add3A_1305 = arith.constant 48 : i32
      %add3A_1306 = vector.broadcast %add3A_1305 : i32 to vector<16xi32>
      %add3A_1307 = arith.addi %iota3A, %add3A_1306 : vector<16xi32>
      %gather3A_1308 = arith.constant 3 : i32
      %gather3A_1309 = arith.constant 0 : i32
      %gather3A_1310 = arith.constant 0 : i32
      %gather3A_1311 = tpu.memref_slice %arg6[%gather3A_1308, %gather3A_1309, %gather3A_1310] : memref<8x64x128xf32, #tpu.memory_space<vmem>> -> memref<1x64x128xf32, #tpu.memory_space<vmem>>
      %gather3A_1312 = tpu.memref_squeeze %gather3A_1311 : memref<1x64x128xf32, #tpu.memory_space<vmem>> -> memref<64x128xf32, #tpu.memory_space<vmem>>
      %gather3A_1313 = tpu.vector_load_idx %gather3A_1312[%add3A_1307, %broadcast_in_dim3A_1277] : memref<64x128xf32, #tpu.memory_space<vmem>>[vector<16xi32>, vector<16xi32>], vector<16xf32>,
      tpu.vector_store_idx %arg7[%add3A_1307, %broadcast_in_dim3A_1274], %gather3A_1313 : memref<64x256xf32, #tpu.memory_space<vmem>>[vector<16xi32>, vector<16xi32>], vector<16xf32>,
      %mul3A_1314 = arith.constant 16 : i32
      %mul3A_1315 = arith.muli %scan3A_307, %mul3A_1314 : i32
      %add3A_1316 = arith.constant 11 : i32
      %add3A_1317 = arith.addi %mul3A_1315, %add3A_1316 : i32
      %add3A_1318 = arith.constant 8 : i32
      %add3A_1319 = arith.addi %add3A_1317, %add3A_1318 : i32
      %lt3A_1320 = arith.constant 256 : i32
      %lt3A_1321 = arith.cmpi slt, %add3A_1319, %lt3A_1320 : i32
      %convert_element_type3A_1322 = arith.extui %lt3A_1321 : i1 to i32
      %cond3A_1323 = arith.constant 0 : i32
      %cond3A_1324 = arith.cmpi ne, %convert_element_type3A_1322, %cond3A_1323 : i32
      scf.if %cond3A_1324 {
        %shift_right_arithmetic3A_1605 = arith.constant 7 : i32
        %shift_right_arithmetic3A_1606 = arith.shrsi %reduce_sum3A_370, %shift_right_arithmetic3A_1605 : i32
        %mul3A_1607 = arith.constant 128 : i32
        %mul3A_1608 = arith.muli %shift_right_arithmetic3A_1606, %mul3A_1607 : i32
        %multiple_of3A_1609 = tpu.assume_multiple %mul3A_1608, 128 : i32
        %dma_start3A_1610 = arith.constant 3 : i32
        %dma_start3A_1611 = arith.constant 0 : i32
        %dma_start3A_1612 = arith.constant 0 : i32
        %dma_start3A_1613 = tpu.memref_slice %arg6[%dma_start3A_1610, %dma_start3A_1611, %dma_start3A_1612] : memref<8x64x128xf32, #tpu.memory_space<vmem>> -> memref<1x64x128xf32, #tpu.memory_space<vmem>>
        %dma_start3A_1614 = tpu.memref_squeeze %dma_start3A_1613 : memref<1x64x128xf32, #tpu.memory_space<vmem>> -> memref<64x128xf32, #tpu.memory_space<vmem>>
        %dma_start3A_1615 = arith.constant 0 : i32
        %dma_start3A_1616 = tpu.memref_slice %arg3[%dma_start3A_1615, %multiple_of3A_1609] : memref<64x1000000xf32, #tpu.memory_space<hbm>> -> memref<64x128xf32, #tpu.memory_space<hbm>>
        %dma_start3A_1617 = arith.constant 0 : i32
        %dma_start3A_1618 = arith.constant 0 : i32
        %dma_start3A_1619 = tpu.memref_slice %arg6[%dma_start3A_1610, %dma_start3A_1617, %dma_start3A_1618] : memref<8x64x128xf32, #tpu.memory_space<vmem>> -> memref<1x64x128xf32, #tpu.memory_space<vmem>>
        %dma_start3A_1620 = tpu.memref_squeeze %dma_start3A_1619 : memref<1x64x128xf32, #tpu.memory_space<vmem>> -> memref<64x128xf32, #tpu.memory_space<vmem>>
        %dma_start3A_1621 = arith.constant 0 : i32
        %dma_start3A_1622 = tpu.memref_slice %arg3[%dma_start3A_1621, %multiple_of3A_1609] : memref<64x1000000xf32, #tpu.memory_space<hbm>> -> memref<64x128xf32, #tpu.memory_space<hbm>>
        tpu.enqueue_dma source(%dma_start3A_1622 : memref<64x128xf32, #tpu.memory_space<hbm>>) target(%dma_start3A_1620 : memref<64x128xf32, #tpu.memory_space<vmem>>) target_semaphore(%arg11 : memref<!tpu.dma_semaphore, #tpu.memory_space<semaphore_mem>>)
      } else {
      }
      %dma_wait3A_1325 = arith.constant 4 : i32
      %dma_wait3A_1326 = arith.constant 0 : i32
      %dma_wait3A_1327 = arith.constant 0 : i32
      %dma_wait3A_1328 = tpu.memref_slice %arg6[%dma_wait3A_1325, %dma_wait3A_1326, %dma_wait3A_1327] : memref<8x64x128xf32, #tpu.memory_space<vmem>> -> memref<1x64x128xf32, #tpu.memory_space<vmem>>
      %dma_wait3A_1329 = tpu.memref_squeeze %dma_wait3A_1328 : memref<1x64x128xf32, #tpu.memory_space<vmem>> -> memref<64x128xf32, #tpu.memory_space<vmem>>
      %dma_wait3A_1330 = arith.constant 0 : i32
      %dma_wait3A_1331 = arith.constant 0 : i32
      %dma_wait3A_1332 = tpu.memref_slice %arg3[%dma_wait3A_1330, %dma_wait3A_1331] : memref<64x1000000xf32, #tpu.memory_space<hbm>> -> memref<64x128xf32, #tpu.memory_space<hbm>>
      %dma_wait3A_1333 = arith.constant 0 : i32
      %dma_wait3A_1334 = arith.constant 0 : i32
      %dma_wait3A_1335 = tpu.memref_slice %arg6[%dma_wait3A_1325, %dma_wait3A_1333, %dma_wait3A_1334] : memref<8x64x128xf32, #tpu.memory_space<vmem>> -> memref<1x64x128xf32, #tpu.memory_space<vmem>>
      %dma_wait3A_1336 = tpu.memref_squeeze %dma_wait3A_1335 : memref<1x64x128xf32, #tpu.memory_space<vmem>> -> memref<64x128xf32, #tpu.memory_space<vmem>>
      %dma_wait3A_1337 = arith.constant 0 : i32
      %dma_wait3A_1338 = arith.constant 0 : i32
      %dma_wait3A_1339 = tpu.memref_slice %arg3[%dma_wait3A_1337, %dma_wait3A_1338] : memref<64x1000000xf32, #tpu.memory_space<hbm>> -> memref<64x128xf32, #tpu.memory_space<hbm>>
      tpu.wait_dma2 semaphore(%arg12 : memref<!tpu.dma_semaphore, #tpu.memory_space<semaphore_mem>>) src(%dma_wait3A_1339 : memref<64x128xf32, #tpu.memory_space<hbm>>) dst(%dma_wait3A_1336 : memref<64x128xf32, #tpu.memory_space<vmem>>)
      %mul3A_1340 = arith.constant 16 : i32
      %mul3A_1341 = arith.muli %scan3A_307, %mul3A_1340 : i32
      %add3A_1342 = arith.constant 12 : i32
      %add3A_1343 = arith.addi %mul3A_1341, %add3A_1342 : i32
      %broadcast_in_dim3A_1344 = vector.broadcast %add3A_1343 : i32 to vector<16xi32>
      %and3A_1345 = arith.constant 127 : i32
      %and3A_1346 = arith.andi %scan3A_320, %and3A_1345 : i32
      %broadcast_in_dim3A_1347 = vector.broadcast %and3A_1346 : i32 to vector<16xi32>
      %add3A_1348 = arith.constant 0 : i32
      %add3A_1349 = vector.broadcast %add3A_1348 : i32 to vector<16xi32>
      %add3A_1350 = arith.addi %iota3A, %add3A_1349 : vector<16xi32>
      %gather3A_1351 = arith.constant 4 : i32
      %gather3A_1352 = arith.constant 0 : i32
      %gather3A_1353 = arith.constant 0 : i32
      %gather3A_1354 = tpu.memref_slice %arg6[%gather3A_1351, %gather3A_1352, %gather3A_1353] : memref<8x64x128xf32, #tpu.memory_space<vmem>> -> memref<1x64x128xf32, #tpu.memory_space<vmem>>
      %gather3A_1355 = tpu.memref_squeeze %gather3A_1354 : memref<1x64x128xf32, #tpu.memory_space<vmem>> -> memref<64x128xf32, #tpu.memory_space<vmem>>
      %gather3A_1356 = tpu.vector_load_idx %gather3A_1355[%add3A_1350, %broadcast_in_dim3A_1347] : memref<64x128xf32, #tpu.memory_space<vmem>>[vector<16xi32>, vector<16xi32>], vector<16xf32>,
      tpu.vector_store_idx %arg7[%add3A_1350, %broadcast_in_dim3A_1344], %gather3A_1356 : memref<64x256xf32, #tpu.memory_space<vmem>>[vector<16xi32>, vector<16xi32>], vector<16xf32>,
      %add3A_1357 = arith.constant 16 : i32
      %add3A_1358 = vector.broadcast %add3A_1357 : i32 to vector<16xi32>
      %add3A_1359 = arith.addi %iota3A, %add3A_1358 : vector<16xi32>
      %gather3A_1360 = arith.constant 4 : i32
      %gather3A_1361 = arith.constant 0 : i32
      %gather3A_1362 = arith.constant 0 : i32
      %gather3A_1363 = tpu.memref_slice %arg6[%gather3A_1360, %gather3A_1361, %gather3A_1362] : memref<8x64x128xf32, #tpu.memory_space<vmem>> -> memref<1x64x128xf32, #tpu.memory_space<vmem>>
      %gather3A_1364 = tpu.memref_squeeze %gather3A_1363 : memref<1x64x128xf32, #tpu.memory_space<vmem>> -> memref<64x128xf32, #tpu.memory_space<vmem>>
      %gather3A_1365 = tpu.vector_load_idx %gather3A_1364[%add3A_1359, %broadcast_in_dim3A_1347] : memref<64x128xf32, #tpu.memory_space<vmem>>[vector<16xi32>, vector<16xi32>], vector<16xf32>,
      tpu.vector_store_idx %arg7[%add3A_1359, %broadcast_in_dim3A_1344], %gather3A_1365 : memref<64x256xf32, #tpu.memory_space<vmem>>[vector<16xi32>, vector<16xi32>], vector<16xf32>,
      %add3A_1366 = arith.constant 32 : i32
      %add3A_1367 = vector.broadcast %add3A_1366 : i32 to vector<16xi32>
      %add3A_1368 = arith.addi %iota3A, %add3A_1367 : vector<16xi32>
      %gather3A_1369 = arith.constant 4 : i32
      %gather3A_1370 = arith.constant 0 : i32
      %gather3A_1371 = arith.constant 0 : i32
      %gather3A_1372 = tpu.memref_slice %arg6[%gather3A_1369, %gather3A_1370, %gather3A_1371] : memref<8x64x128xf32, #tpu.memory_space<vmem>> -> memref<1x64x128xf32, #tpu.memory_space<vmem>>
      %gather3A_1373 = tpu.memref_squeeze %gather3A_1372 : memref<1x64x128xf32, #tpu.memory_space<vmem>> -> memref<64x128xf32, #tpu.memory_space<vmem>>
      %gather3A_1374 = tpu.vector_load_idx %gather3A_1373[%add3A_1368, %broadcast_in_dim3A_1347] : memref<64x128xf32, #tpu.memory_space<vmem>>[vector<16xi32>, vector<16xi32>], vector<16xf32>,
      tpu.vector_store_idx %arg7[%add3A_1368, %broadcast_in_dim3A_1344], %gather3A_1374 : memref<64x256xf32, #tpu.memory_space<vmem>>[vector<16xi32>, vector<16xi32>], vector<16xf32>,
      %add3A_1375 = arith.constant 48 : i32
      %add3A_1376 = vector.broadcast %add3A_1375 : i32 to vector<16xi32>
      %add3A_1377 = arith.addi %iota3A, %add3A_1376 : vector<16xi32>
      %gather3A_1378 = arith.constant 4 : i32
      %gather3A_1379 = arith.constant 0 : i32
      %gather3A_1380 = arith.constant 0 : i32
      %gather3A_1381 = tpu.memref_slice %arg6[%gather3A_1378, %gather3A_1379, %gather3A_1380] : memref<8x64x128xf32, #tpu.memory_space<vmem>> -> memref<1x64x128xf32, #tpu.memory_space<vmem>>
      %gather3A_1382 = tpu.memref_squeeze %gather3A_1381 : memref<1x64x128xf32, #tpu.memory_space<vmem>> -> memref<64x128xf32, #tpu.memory_space<vmem>>
      %gather3A_1383 = tpu.vector_load_idx %gather3A_1382[%add3A_1377, %broadcast_in_dim3A_1347] : memref<64x128xf32, #tpu.memory_space<vmem>>[vector<16xi32>, vector<16xi32>], vector<16xf32>,
      tpu.vector_store_idx %arg7[%add3A_1377, %broadcast_in_dim3A_1344], %gather3A_1383 : memref<64x256xf32, #tpu.memory_space<vmem>>[vector<16xi32>, vector<16xi32>], vector<16xf32>,
      %mul3A_1384 = arith.constant 16 : i32
      %mul3A_1385 = arith.muli %scan3A_307, %mul3A_1384 : i32
      %add3A_1386 = arith.constant 12 : i32
      %add3A_1387 = arith.addi %mul3A_1385, %add3A_1386 : i32
      %add3A_1388 = arith.constant 8 : i32
      %add3A_1389 = arith.addi %add3A_1387, %add3A_1388 : i32
      %lt3A_1390 = arith.constant 256 : i32
      %lt3A_1391 = arith.cmpi slt, %add3A_1389, %lt3A_1390 : i32
      %convert_element_type3A_1392 = arith.extui %lt3A_1391 : i1 to i32
      %cond3A_1393 = arith.constant 0 : i32
      %cond3A_1394 = arith.cmpi ne, %convert_element_type3A_1392, %cond3A_1393 : i32
      scf.if %cond3A_1394 {
        %shift_right_arithmetic3A_1605 = arith.constant 7 : i32
        %shift_right_arithmetic3A_1606 = arith.shrsi %reduce_sum3A_380, %shift_right_arithmetic3A_1605 : i32
        %mul3A_1607 = arith.constant 128 : i32
        %mul3A_1608 = arith.muli %shift_right_arithmetic3A_1606, %mul3A_1607 : i32
        %multiple_of3A_1609 = tpu.assume_multiple %mul3A_1608, 128 : i32
        %dma_start3A_1610 = arith.constant 4 : i32
        %dma_start3A_1611 = arith.constant 0 : i32
        %dma_start3A_1612 = arith.constant 0 : i32
        %dma_start3A_1613 = tpu.memref_slice %arg6[%dma_start3A_1610, %dma_start3A_1611, %dma_start3A_1612] : memref<8x64x128xf32, #tpu.memory_space<vmem>> -> memref<1x64x128xf32, #tpu.memory_space<vmem>>
        %dma_start3A_1614 = tpu.memref_squeeze %dma_start3A_1613 : memref<1x64x128xf32, #tpu.memory_space<vmem>> -> memref<64x128xf32, #tpu.memory_space<vmem>>
        %dma_start3A_1615 = arith.constant 0 : i32
        %dma_start3A_1616 = tpu.memref_slice %arg3[%dma_start3A_1615, %multiple_of3A_1609] : memref<64x1000000xf32, #tpu.memory_space<hbm>> -> memref<64x128xf32, #tpu.memory_space<hbm>>
        %dma_start3A_1617 = arith.constant 0 : i32
        %dma_start3A_1618 = arith.constant 0 : i32
        %dma_start3A_1619 = tpu.memref_slice %arg6[%dma_start3A_1610, %dma_start3A_1617, %dma_start3A_1618] : memref<8x64x128xf32, #tpu.memory_space<vmem>> -> memref<1x64x128xf32, #tpu.memory_space<vmem>>
        %dma_start3A_1620 = tpu.memref_squeeze %dma_start3A_1619 : memref<1x64x128xf32, #tpu.memory_space<vmem>> -> memref<64x128xf32, #tpu.memory_space<vmem>>
        %dma_start3A_1621 = arith.constant 0 : i32
        %dma_start3A_1622 = tpu.memref_slice %arg3[%dma_start3A_1621, %multiple_of3A_1609] : memref<64x1000000xf32, #tpu.memory_space<hbm>> -> memref<64x128xf32, #tpu.memory_space<hbm>>
        tpu.enqueue_dma source(%dma_start3A_1622 : memref<64x128xf32, #tpu.memory_space<hbm>>) target(%dma_start3A_1620 : memref<64x128xf32, #tpu.memory_space<vmem>>) target_semaphore(%arg12 : memref<!tpu.dma_semaphore, #tpu.memory_space<semaphore_mem>>)
      } else {
      }
      %dma_wait3A_1395 = arith.constant 5 : i32
      %dma_wait3A_1396 = arith.constant 0 : i32
      %dma_wait3A_1397 = arith.constant 0 : i32
      %dma_wait3A_1398 = tpu.memref_slice %arg6[%dma_wait3A_1395, %dma_wait3A_1396, %dma_wait3A_1397] : memref<8x64x128xf32, #tpu.memory_space<vmem>> -> memref<1x64x128xf32, #tpu.memory_space<vmem>>
      %dma_wait3A_1399 = tpu.memref_squeeze %dma_wait3A_1398 : memref<1x64x128xf32, #tpu.memory_space<vmem>> -> memref<64x128xf32, #tpu.memory_space<vmem>>
      %dma_wait3A_1400 = arith.constant 0 : i32
      %dma_wait3A_1401 = arith.constant 0 : i32
      %dma_wait3A_1402 = tpu.memref_slice %arg3[%dma_wait3A_1400, %dma_wait3A_1401] : memref<64x1000000xf32, #tpu.memory_space<hbm>> -> memref<64x128xf32, #tpu.memory_space<hbm>>
      %dma_wait3A_1403 = arith.constant 0 : i32
      %dma_wait3A_1404 = arith.constant 0 : i32
      %dma_wait3A_1405 = tpu.memref_slice %arg6[%dma_wait3A_1395, %dma_wait3A_1403, %dma_wait3A_1404] : memref<8x64x128xf32, #tpu.memory_space<vmem>> -> memref<1x64x128xf32, #tpu.memory_space<vmem>>
      %dma_wait3A_1406 = tpu.memref_squeeze %dma_wait3A_1405 : memref<1x64x128xf32, #tpu.memory_space<vmem>> -> memref<64x128xf32, #tpu.memory_space<vmem>>
      %dma_wait3A_1407 = arith.constant 0 : i32
      %dma_wait3A_1408 = arith.constant 0 : i32
      %dma_wait3A_1409 = tpu.memref_slice %arg3[%dma_wait3A_1407, %dma_wait3A_1408] : memref<64x1000000xf32, #tpu.memory_space<hbm>> -> memref<64x128xf32, #tpu.memory_space<hbm>>
      tpu.wait_dma2 semaphore(%arg13 : memref<!tpu.dma_semaphore, #tpu.memory_space<semaphore_mem>>) src(%dma_wait3A_1409 : memref<64x128xf32, #tpu.memory_space<hbm>>) dst(%dma_wait3A_1406 : memref<64x128xf32, #tpu.memory_space<vmem>>)
      %mul3A_1410 = arith.constant 16 : i32
      %mul3A_1411 = arith.muli %scan3A_307, %mul3A_1410 : i32
      %add3A_1412 = arith.constant 13 : i32
      %add3A_1413 = arith.addi %mul3A_1411, %add3A_1412 : i32
      %broadcast_in_dim3A_1414 = vector.broadcast %add3A_1413 : i32 to vector<16xi32>
      %and3A_1415 = arith.constant 127 : i32
      %and3A_1416 = arith.andi %scan3A_321, %and3A_1415 : i32
      %broadcast_in_dim3A_1417 = vector.broadcast %and3A_1416 : i32 to vector<16xi32>
      %add3A_1418 = arith.constant 0 : i32
      %add3A_1419 = vector.broadcast %add3A_1418 : i32 to vector<16xi32>
      %add3A_1420 = arith.addi %iota3A, %add3A_1419 : vector<16xi32>
      %gather3A_1421 = arith.constant 5 : i32
      %gather3A_1422 = arith.constant 0 : i32
      %gather3A_1423 = arith.constant 0 : i32
      %gather3A_1424 = tpu.memref_slice %arg6[%gather3A_1421, %gather3A_1422, %gather3A_1423] : memref<8x64x128xf32, #tpu.memory_space<vmem>> -> memref<1x64x128xf32, #tpu.memory_space<vmem>>
      %gather3A_1425 = tpu.memref_squeeze %gather3A_1424 : memref<1x64x128xf32, #tpu.memory_space<vmem>> -> memref<64x128xf32, #tpu.memory_space<vmem>>
      %gather3A_1426 = tpu.vector_load_idx %gather3A_1425[%add3A_1420, %broadcast_in_dim3A_1417] : memref<64x128xf32, #tpu.memory_space<vmem>>[vector<16xi32>, vector<16xi32>], vector<16xf32>,
      tpu.vector_store_idx %arg7[%add3A_1420, %broadcast_in_dim3A_1414], %gather3A_1426 : memref<64x256xf32, #tpu.memory_space<vmem>>[vector<16xi32>, vector<16xi32>], vector<16xf32>,
      %add3A_1427 = arith.constant 16 : i32
      %add3A_1428 = vector.broadcast %add3A_1427 : i32 to vector<16xi32>
      %add3A_1429 = arith.addi %iota3A, %add3A_1428 : vector<16xi32>
      %gather3A_1430 = arith.constant 5 : i32
      %gather3A_1431 = arith.constant 0 : i32
      %gather3A_1432 = arith.constant 0 : i32
      %gather3A_1433 = tpu.memref_slice %arg6[%gather3A_1430, %gather3A_1431, %gather3A_1432] : memref<8x64x128xf32, #tpu.memory_space<vmem>> -> memref<1x64x128xf32, #tpu.memory_space<vmem>>
      %gather3A_1434 = tpu.memref_squeeze %gather3A_1433 : memref<1x64x128xf32, #tpu.memory_space<vmem>> -> memref<64x128xf32, #tpu.memory_space<vmem>>
      %gather3A_1435 = tpu.vector_load_idx %gather3A_1434[%add3A_1429, %broadcast_in_dim3A_1417] : memref<64x128xf32, #tpu.memory_space<vmem>>[vector<16xi32>, vector<16xi32>], vector<16xf32>,
      tpu.vector_store_idx %arg7[%add3A_1429, %broadcast_in_dim3A_1414], %gather3A_1435 : memref<64x256xf32, #tpu.memory_space<vmem>>[vector<16xi32>, vector<16xi32>], vector<16xf32>,
      %add3A_1436 = arith.constant 32 : i32
      %add3A_1437 = vector.broadcast %add3A_1436 : i32 to vector<16xi32>
      %add3A_1438 = arith.addi %iota3A, %add3A_1437 : vector<16xi32>
      %gather3A_1439 = arith.constant 5 : i32
      %gather3A_1440 = arith.constant 0 : i32
      %gather3A_1441 = arith.constant 0 : i32
      %gather3A_1442 = tpu.memref_slice %arg6[%gather3A_1439, %gather3A_1440, %gather3A_1441] : memref<8x64x128xf32, #tpu.memory_space<vmem>> -> memref<1x64x128xf32, #tpu.memory_space<vmem>>
      %gather3A_1443 = tpu.memref_squeeze %gather3A_1442 : memref<1x64x128xf32, #tpu.memory_space<vmem>> -> memref<64x128xf32, #tpu.memory_space<vmem>>
      %gather3A_1444 = tpu.vector_load_idx %gather3A_1443[%add3A_1438, %broadcast_in_dim3A_1417] : memref<64x128xf32, #tpu.memory_space<vmem>>[vector<16xi32>, vector<16xi32>], vector<16xf32>,
      tpu.vector_store_idx %arg7[%add3A_1438, %broadcast_in_dim3A_1414], %gather3A_1444 : memref<64x256xf32, #tpu.memory_space<vmem>>[vector<16xi32>, vector<16xi32>], vector<16xf32>,
      %add3A_1445 = arith.constant 48 : i32
      %add3A_1446 = vector.broadcast %add3A_1445 : i32 to vector<16xi32>
      %add3A_1447 = arith.addi %iota3A, %add3A_1446 : vector<16xi32>
      %gather3A_1448 = arith.constant 5 : i32
      %gather3A_1449 = arith.constant 0 : i32
      %gather3A_1450 = arith.constant 0 : i32
      %gather3A_1451 = tpu.memref_slice %arg6[%gather3A_1448, %gather3A_1449, %gather3A_1450] : memref<8x64x128xf32, #tpu.memory_space<vmem>> -> memref<1x64x128xf32, #tpu.memory_space<vmem>>
      %gather3A_1452 = tpu.memref_squeeze %gather3A_1451 : memref<1x64x128xf32, #tpu.memory_space<vmem>> -> memref<64x128xf32, #tpu.memory_space<vmem>>
      %gather3A_1453 = tpu.vector_load_idx %gather3A_1452[%add3A_1447, %broadcast_in_dim3A_1417] : memref<64x128xf32, #tpu.memory_space<vmem>>[vector<16xi32>, vector<16xi32>], vector<16xf32>,
      tpu.vector_store_idx %arg7[%add3A_1447, %broadcast_in_dim3A_1414], %gather3A_1453 : memref<64x256xf32, #tpu.memory_space<vmem>>[vector<16xi32>, vector<16xi32>], vector<16xf32>,
      %mul3A_1454 = arith.constant 16 : i32
      %mul3A_1455 = arith.muli %scan3A_307, %mul3A_1454 : i32
      %add3A_1456 = arith.constant 13 : i32
      %add3A_1457 = arith.addi %mul3A_1455, %add3A_1456 : i32
      %add3A_1458 = arith.constant 8 : i32
      %add3A_1459 = arith.addi %add3A_1457, %add3A_1458 : i32
      %lt3A_1460 = arith.constant 256 : i32
      %lt3A_1461 = arith.cmpi slt, %add3A_1459, %lt3A_1460 : i32
      %convert_element_type3A_1462 = arith.extui %lt3A_1461 : i1 to i32
      %cond3A_1463 = arith.constant 0 : i32
      %cond3A_1464 = arith.cmpi ne, %convert_element_type3A_1462, %cond3A_1463 : i32
      scf.if %cond3A_1464 {
        %shift_right_arithmetic3A_1605 = arith.constant 7 : i32
        %shift_right_arithmetic3A_1606 = arith.shrsi %reduce_sum3A_390, %shift_right_arithmetic3A_1605 : i32
        %mul3A_1607 = arith.constant 128 : i32
        %mul3A_1608 = arith.muli %shift_right_arithmetic3A_1606, %mul3A_1607 : i32
        %multiple_of3A_1609 = tpu.assume_multiple %mul3A_1608, 128 : i32
        %dma_start3A_1610 = arith.constant 5 : i32
        %dma_start3A_1611 = arith.constant 0 : i32
        %dma_start3A_1612 = arith.constant 0 : i32
        %dma_start3A_1613 = tpu.memref_slice %arg6[%dma_start3A_1610, %dma_start3A_1611, %dma_start3A_1612] : memref<8x64x128xf32, #tpu.memory_space<vmem>> -> memref<1x64x128xf32, #tpu.memory_space<vmem>>
        %dma_start3A_1614 = tpu.memref_squeeze %dma_start3A_1613 : memref<1x64x128xf32, #tpu.memory_space<vmem>> -> memref<64x128xf32, #tpu.memory_space<vmem>>
        %dma_start3A_1615 = arith.constant 0 : i32
        %dma_start3A_1616 = tpu.memref_slice %arg3[%dma_start3A_1615, %multiple_of3A_1609] : memref<64x1000000xf32, #tpu.memory_space<hbm>> -> memref<64x128xf32, #tpu.memory_space<hbm>>
        %dma_start3A_1617 = arith.constant 0 : i32
        %dma_start3A_1618 = arith.constant 0 : i32
        %dma_start3A_1619 = tpu.memref_slice %arg6[%dma_start3A_1610, %dma_start3A_1617, %dma_start3A_1618] : memref<8x64x128xf32, #tpu.memory_space<vmem>> -> memref<1x64x128xf32, #tpu.memory_space<vmem>>
        %dma_start3A_1620 = tpu.memref_squeeze %dma_start3A_1619 : memref<1x64x128xf32, #tpu.memory_space<vmem>> -> memref<64x128xf32, #tpu.memory_space<vmem>>
        %dma_start3A_1621 = arith.constant 0 : i32
        %dma_start3A_1622 = tpu.memref_slice %arg3[%dma_start3A_1621, %multiple_of3A_1609] : memref<64x1000000xf32, #tpu.memory_space<hbm>> -> memref<64x128xf32, #tpu.memory_space<hbm>>
        tpu.enqueue_dma source(%dma_start3A_1622 : memref<64x128xf32, #tpu.memory_space<hbm>>) target(%dma_start3A_1620 : memref<64x128xf32, #tpu.memory_space<vmem>>) target_semaphore(%arg13 : memref<!tpu.dma_semaphore, #tpu.memory_space<semaphore_mem>>)
      } else {
      }
      %dma_wait3A_1465 = arith.constant 6 : i32
      %dma_wait3A_1466 = arith.constant 0 : i32
      %dma_wait3A_1467 = arith.constant 0 : i32
      %dma_wait3A_1468 = tpu.memref_slice %arg6[%dma_wait3A_1465, %dma_wait3A_1466, %dma_wait3A_1467] : memref<8x64x128xf32, #tpu.memory_space<vmem>> -> memref<1x64x128xf32, #tpu.memory_space<vmem>>
      %dma_wait3A_1469 = tpu.memref_squeeze %dma_wait3A_1468 : memref<1x64x128xf32, #tpu.memory_space<vmem>> -> memref<64x128xf32, #tpu.memory_space<vmem>>
      %dma_wait3A_1470 = arith.constant 0 : i32
      %dma_wait3A_1471 = arith.constant 0 : i32
      %dma_wait3A_1472 = tpu.memref_slice %arg3[%dma_wait3A_1470, %dma_wait3A_1471] : memref<64x1000000xf32, #tpu.memory_space<hbm>> -> memref<64x128xf32, #tpu.memory_space<hbm>>
      %dma_wait3A_1473 = arith.constant 0 : i32
      %dma_wait3A_1474 = arith.constant 0 : i32
      %dma_wait3A_1475 = tpu.memref_slice %arg6[%dma_wait3A_1465, %dma_wait3A_1473, %dma_wait3A_1474] : memref<8x64x128xf32, #tpu.memory_space<vmem>> -> memref<1x64x128xf32, #tpu.memory_space<vmem>>
      %dma_wait3A_1476 = tpu.memref_squeeze %dma_wait3A_1475 : memref<1x64x128xf32, #tpu.memory_space<vmem>> -> memref<64x128xf32, #tpu.memory_space<vmem>>
      %dma_wait3A_1477 = arith.constant 0 : i32
      %dma_wait3A_1478 = arith.constant 0 : i32
      %dma_wait3A_1479 = tpu.memref_slice %arg3[%dma_wait3A_1477, %dma_wait3A_1478] : memref<64x1000000xf32, #tpu.memory_space<hbm>> -> memref<64x128xf32, #tpu.memory_space<hbm>>
      tpu.wait_dma2 semaphore(%arg14 : memref<!tpu.dma_semaphore, #tpu.memory_space<semaphore_mem>>) src(%dma_wait3A_1479 : memref<64x128xf32, #tpu.memory_space<hbm>>) dst(%dma_wait3A_1476 : memref<64x128xf32, #tpu.memory_space<vmem>>)
      %mul3A_1480 = arith.constant 16 : i32
      %mul3A_1481 = arith.muli %scan3A_307, %mul3A_1480 : i32
      %add3A_1482 = arith.constant 14 : i32
      %add3A_1483 = arith.addi %mul3A_1481, %add3A_1482 : i32
      %broadcast_in_dim3A_1484 = vector.broadcast %add3A_1483 : i32 to vector<16xi32>
      %and3A_1485 = arith.constant 127 : i32
      %and3A_1486 = arith.andi %scan3A_322, %and3A_1485 : i32
      %broadcast_in_dim3A_1487 = vector.broadcast %and3A_1486 : i32 to vector<16xi32>
      %add3A_1488 = arith.constant 0 : i32
      %add3A_1489 = vector.broadcast %add3A_1488 : i32 to vector<16xi32>
      %add3A_1490 = arith.addi %iota3A, %add3A_1489 : vector<16xi32>
      %gather3A_1491 = arith.constant 6 : i32
      %gather3A_1492 = arith.constant 0 : i32
      %gather3A_1493 = arith.constant 0 : i32
      %gather3A_1494 = tpu.memref_slice %arg6[%gather3A_1491, %gather3A_1492, %gather3A_1493] : memref<8x64x128xf32, #tpu.memory_space<vmem>> -> memref<1x64x128xf32, #tpu.memory_space<vmem>>
      %gather3A_1495 = tpu.memref_squeeze %gather3A_1494 : memref<1x64x128xf32, #tpu.memory_space<vmem>> -> memref<64x128xf32, #tpu.memory_space<vmem>>
      %gather3A_1496 = tpu.vector_load_idx %gather3A_1495[%add3A_1490, %broadcast_in_dim3A_1487] : memref<64x128xf32, #tpu.memory_space<vmem>>[vector<16xi32>, vector<16xi32>], vector<16xf32>,
      tpu.vector_store_idx %arg7[%add3A_1490, %broadcast_in_dim3A_1484], %gather3A_1496 : memref<64x256xf32, #tpu.memory_space<vmem>>[vector<16xi32>, vector<16xi32>], vector<16xf32>,
      %add3A_1497 = arith.constant 16 : i32
      %add3A_1498 = vector.broadcast %add3A_1497 : i32 to vector<16xi32>
      %add3A_1499 = arith.addi %iota3A, %add3A_1498 : vector<16xi32>
      %gather3A_1500 = arith.constant 6 : i32
      %gather3A_1501 = arith.constant 0 : i32
      %gather3A_1502 = arith.constant 0 : i32
      %gather3A_1503 = tpu.memref_slice %arg6[%gather3A_1500, %gather3A_1501, %gather3A_1502] : memref<8x64x128xf32, #tpu.memory_space<vmem>> -> memref<1x64x128xf32, #tpu.memory_space<vmem>>
      %gather3A_1504 = tpu.memref_squeeze %gather3A_1503 : memref<1x64x128xf32, #tpu.memory_space<vmem>> -> memref<64x128xf32, #tpu.memory_space<vmem>>
      %gather3A_1505 = tpu.vector_load_idx %gather3A_1504[%add3A_1499, %broadcast_in_dim3A_1487] : memref<64x128xf32, #tpu.memory_space<vmem>>[vector<16xi32>, vector<16xi32>], vector<16xf32>,
      tpu.vector_store_idx %arg7[%add3A_1499, %broadcast_in_dim3A_1484], %gather3A_1505 : memref<64x256xf32, #tpu.memory_space<vmem>>[vector<16xi32>, vector<16xi32>], vector<16xf32>,
      %add3A_1506 = arith.constant 32 : i32
      %add3A_1507 = vector.broadcast %add3A_1506 : i32 to vector<16xi32>
      %add3A_1508 = arith.addi %iota3A, %add3A_1507 : vector<16xi32>
      %gather3A_1509 = arith.constant 6 : i32
      %gather3A_1510 = arith.constant 0 : i32
      %gather3A_1511 = arith.constant 0 : i32
      %gather3A_1512 = tpu.memref_slice %arg6[%gather3A_1509, %gather3A_1510, %gather3A_1511] : memref<8x64x128xf32, #tpu.memory_space<vmem>> -> memref<1x64x128xf32, #tpu.memory_space<vmem>>
      %gather3A_1513 = tpu.memref_squeeze %gather3A_1512 : memref<1x64x128xf32, #tpu.memory_space<vmem>> -> memref<64x128xf32, #tpu.memory_space<vmem>>
      %gather3A_1514 = tpu.vector_load_idx %gather3A_1513[%add3A_1508, %broadcast_in_dim3A_1487] : memref<64x128xf32, #tpu.memory_space<vmem>>[vector<16xi32>, vector<16xi32>], vector<16xf32>,
      tpu.vector_store_idx %arg7[%add3A_1508, %broadcast_in_dim3A_1484], %gather3A_1514 : memref<64x256xf32, #tpu.memory_space<vmem>>[vector<16xi32>, vector<16xi32>], vector<16xf32>,
      %add3A_1515 = arith.constant 48 : i32
      %add3A_1516 = vector.broadcast %add3A_1515 : i32 to vector<16xi32>
      %add3A_1517 = arith.addi %iota3A, %add3A_1516 : vector<16xi32>
      %gather3A_1518 = arith.constant 6 : i32
      %gather3A_1519 = arith.constant 0 : i32
      %gather3A_1520 = arith.constant 0 : i32
      %gather3A_1521 = tpu.memref_slice %arg6[%gather3A_1518, %gather3A_1519, %gather3A_1520] : memref<8x64x128xf32, #tpu.memory_space<vmem>> -> memref<1x64x128xf32, #tpu.memory_space<vmem>>
      %gather3A_1522 = tpu.memref_squeeze %gather3A_1521 : memref<1x64x128xf32, #tpu.memory_space<vmem>> -> memref<64x128xf32, #tpu.memory_space<vmem>>
      %gather3A_1523 = tpu.vector_load_idx %gather3A_1522[%add3A_1517, %broadcast_in_dim3A_1487] : memref<64x128xf32, #tpu.memory_space<vmem>>[vector<16xi32>, vector<16xi32>], vector<16xf32>,
      tpu.vector_store_idx %arg7[%add3A_1517, %broadcast_in_dim3A_1484], %gather3A_1523 : memref<64x256xf32, #tpu.memory_space<vmem>>[vector<16xi32>, vector<16xi32>], vector<16xf32>,
      %mul3A_1524 = arith.constant 16 : i32
      %mul3A_1525 = arith.muli %scan3A_307, %mul3A_1524 : i32
      %add3A_1526 = arith.constant 14 : i32
      %add3A_1527 = arith.addi %mul3A_1525, %add3A_1526 : i32
      %add3A_1528 = arith.constant 8 : i32
      %add3A_1529 = arith.addi %add3A_1527, %add3A_1528 : i32
      %lt3A_1530 = arith.constant 256 : i32
      %lt3A_1531 = arith.cmpi slt, %add3A_1529, %lt3A_1530 : i32
      %convert_element_type3A_1532 = arith.extui %lt3A_1531 : i1 to i32
      %cond3A_1533 = arith.constant 0 : i32
      %cond3A_1534 = arith.cmpi ne, %convert_element_type3A_1532, %cond3A_1533 : i32
      scf.if %cond3A_1534 {
        %shift_right_arithmetic3A_1605 = arith.constant 7 : i32
        %shift_right_arithmetic3A_1606 = arith.shrsi %reduce_sum3A_400, %shift_right_arithmetic3A_1605 : i32
        %mul3A_1607 = arith.constant 128 : i32
        %mul3A_1608 = arith.muli %shift_right_arithmetic3A_1606, %mul3A_1607 : i32
        %multiple_of3A_1609 = tpu.assume_multiple %mul3A_1608, 128 : i32
        %dma_start3A_1610 = arith.constant 6 : i32
        %dma_start3A_1611 = arith.constant 0 : i32
        %dma_start3A_1612 = arith.constant 0 : i32
        %dma_start3A_1613 = tpu.memref_slice %arg6[%dma_start3A_1610, %dma_start3A_1611, %dma_start3A_1612] : memref<8x64x128xf32, #tpu.memory_space<vmem>> -> memref<1x64x128xf32, #tpu.memory_space<vmem>>
        %dma_start3A_1614 = tpu.memref_squeeze %dma_start3A_1613 : memref<1x64x128xf32, #tpu.memory_space<vmem>> -> memref<64x128xf32, #tpu.memory_space<vmem>>
        %dma_start3A_1615 = arith.constant 0 : i32
        %dma_start3A_1616 = tpu.memref_slice %arg3[%dma_start3A_1615, %multiple_of3A_1609] : memref<64x1000000xf32, #tpu.memory_space<hbm>> -> memref<64x128xf32, #tpu.memory_space<hbm>>
        %dma_start3A_1617 = arith.constant 0 : i32
        %dma_start3A_1618 = arith.constant 0 : i32
        %dma_start3A_1619 = tpu.memref_slice %arg6[%dma_start3A_1610, %dma_start3A_1617, %dma_start3A_1618] : memref<8x64x128xf32, #tpu.memory_space<vmem>> -> memref<1x64x128xf32, #tpu.memory_space<vmem>>
        %dma_start3A_1620 = tpu.memref_squeeze %dma_start3A_1619 : memref<1x64x128xf32, #tpu.memory_space<vmem>> -> memref<64x128xf32, #tpu.memory_space<vmem>>
        %dma_start3A_1621 = arith.constant 0 : i32
        %dma_start3A_1622 = tpu.memref_slice %arg3[%dma_start3A_1621, %multiple_of3A_1609] : memref<64x1000000xf32, #tpu.memory_space<hbm>> -> memref<64x128xf32, #tpu.memory_space<hbm>>
        tpu.enqueue_dma source(%dma_start3A_1622 : memref<64x128xf32, #tpu.memory_space<hbm>>) target(%dma_start3A_1620 : memref<64x128xf32, #tpu.memory_space<vmem>>) target_semaphore(%arg14 : memref<!tpu.dma_semaphore, #tpu.memory_space<semaphore_mem>>)
      } else {
      }
      %dma_wait3A_1535 = arith.constant 7 : i32
      %dma_wait3A_1536 = arith.constant 0 : i32
      %dma_wait3A_1537 = arith.constant 0 : i32
      %dma_wait3A_1538 = tpu.memref_slice %arg6[%dma_wait3A_1535, %dma_wait3A_1536, %dma_wait3A_1537] : memref<8x64x128xf32, #tpu.memory_space<vmem>> -> memref<1x64x128xf32, #tpu.memory_space<vmem>>
      %dma_wait3A_1539 = tpu.memref_squeeze %dma_wait3A_1538 : memref<1x64x128xf32, #tpu.memory_space<vmem>> -> memref<64x128xf32, #tpu.memory_space<vmem>>
      %dma_wait3A_1540 = arith.constant 0 : i32
      %dma_wait3A_1541 = arith.constant 0 : i32
      %dma_wait3A_1542 = tpu.memref_slice %arg3[%dma_wait3A_1540, %dma_wait3A_1541] : memref<64x1000000xf32, #tpu.memory_space<hbm>> -> memref<64x128xf32, #tpu.memory_space<hbm>>
      %dma_wait3A_1543 = arith.constant 0 : i32
      %dma_wait3A_1544 = arith.constant 0 : i32
      %dma_wait3A_1545 = tpu.memref_slice %arg6[%dma_wait3A_1535, %dma_wait3A_1543, %dma_wait3A_1544] : memref<8x64x128xf32, #tpu.memory_space<vmem>> -> memref<1x64x128xf32, #tpu.memory_space<vmem>>
      %dma_wait3A_1546 = tpu.memref_squeeze %dma_wait3A_1545 : memref<1x64x128xf32, #tpu.memory_space<vmem>> -> memref<64x128xf32, #tpu.memory_space<vmem>>
      %dma_wait3A_1547 = arith.constant 0 : i32
      %dma_wait3A_1548 = arith.constant 0 : i32
      %dma_wait3A_1549 = tpu.memref_slice %arg3[%dma_wait3A_1547, %dma_wait3A_1548] : memref<64x1000000xf32, #tpu.memory_space<hbm>> -> memref<64x128xf32, #tpu.memory_space<hbm>>
      tpu.wait_dma2 semaphore(%arg15 : memref<!tpu.dma_semaphore, #tpu.memory_space<semaphore_mem>>) src(%dma_wait3A_1549 : memref<64x128xf32, #tpu.memory_space<hbm>>) dst(%dma_wait3A_1546 : memref<64x128xf32, #tpu.memory_space<vmem>>)
      %mul3A_1550 = arith.constant 16 : i32
      %mul3A_1551 = arith.muli %scan3A_307, %mul3A_1550 : i32
      %add3A_1552 = arith.constant 15 : i32
      %add3A_1553 = arith.addi %mul3A_1551, %add3A_1552 : i32
      %broadcast_in_dim3A_1554 = vector.broadcast %add3A_1553 : i32 to vector<16xi32>
      %and3A_1555 = arith.constant 127 : i32
      %and3A_1556 = arith.andi %scan3A_323, %and3A_1555 : i32
      %broadcast_in_dim3A_1557 = vector.broadcast %and3A_1556 : i32 to vector<16xi32>
      %add3A_1558 = arith.constant 0 : i32
      %add3A_1559 = vector.broadcast %add3A_1558 : i32 to vector<16xi32>
      %add3A_1560 = arith.addi %iota3A, %add3A_1559 : vector<16xi32>
      %gather3A_1561 = arith.constant 7 : i32
      %gather3A_1562 = arith.constant 0 : i32
      %gather3A_1563 = arith.constant 0 : i32
      %gather3A_1564 = tpu.memref_slice %arg6[%gather3A_1561, %gather3A_1562, %gather3A_1563] : memref<8x64x128xf32, #tpu.memory_space<vmem>> -> memref<1x64x128xf32, #tpu.memory_space<vmem>>
      %gather3A_1565 = tpu.memref_squeeze %gather3A_1564 : memref<1x64x128xf32, #tpu.memory_space<vmem>> -> memref<64x128xf32, #tpu.memory_space<vmem>>
      %gather3A_1566 = tpu.vector_load_idx %gather3A_1565[%add3A_1560, %broadcast_in_dim3A_1557] : memref<64x128xf32, #tpu.memory_space<vmem>>[vector<16xi32>, vector<16xi32>], vector<16xf32>,
      tpu.vector_store_idx %arg7[%add3A_1560, %broadcast_in_dim3A_1554], %gather3A_1566 : memref<64x256xf32, #tpu.memory_space<vmem>>[vector<16xi32>, vector<16xi32>], vector<16xf32>,
      %add3A_1567 = arith.constant 16 : i32
      %add3A_1568 = vector.broadcast %add3A_1567 : i32 to vector<16xi32>
      %add3A_1569 = arith.addi %iota3A, %add3A_1568 : vector<16xi32>
      %gather3A_1570 = arith.constant 7 : i32
      %gather3A_1571 = arith.constant 0 : i32
      %gather3A_1572 = arith.constant 0 : i32
      %gather3A_1573 = tpu.memref_slice %arg6[%gather3A_1570, %gather3A_1571, %gather3A_1572] : memref<8x64x128xf32, #tpu.memory_space<vmem>> -> memref<1x64x128xf32, #tpu.memory_space<vmem>>
      %gather3A_1574 = tpu.memref_squeeze %gather3A_1573 : memref<1x64x128xf32, #tpu.memory_space<vmem>> -> memref<64x128xf32, #tpu.memory_space<vmem>>
      %gather3A_1575 = tpu.vector_load_idx %gather3A_1574[%add3A_1569, %broadcast_in_dim3A_1557] : memref<64x128xf32, #tpu.memory_space<vmem>>[vector<16xi32>, vector<16xi32>], vector<16xf32>,
      tpu.vector_store_idx %arg7[%add3A_1569, %broadcast_in_dim3A_1554], %gather3A_1575 : memref<64x256xf32, #tpu.memory_space<vmem>>[vector<16xi32>, vector<16xi32>], vector<16xf32>,
      %add3A_1576 = arith.constant 32 : i32
      %add3A_1577 = vector.broadcast %add3A_1576 : i32 to vector<16xi32>
      %add3A_1578 = arith.addi %iota3A, %add3A_1577 : vector<16xi32>
      %gather3A_1579 = arith.constant 7 : i32
      %gather3A_1580 = arith.constant 0 : i32
      %gather3A_1581 = arith.constant 0 : i32
      %gather3A_1582 = tpu.memref_slice %arg6[%gather3A_1579, %gather3A_1580, %gather3A_1581] : memref<8x64x128xf32, #tpu.memory_space<vmem>> -> memref<1x64x128xf32, #tpu.memory_space<vmem>>
      %gather3A_1583 = tpu.memref_squeeze %gather3A_1582 : memref<1x64x128xf32, #tpu.memory_space<vmem>> -> memref<64x128xf32, #tpu.memory_space<vmem>>
      %gather3A_1584 = tpu.vector_load_idx %gather3A_1583[%add3A_1578, %broadcast_in_dim3A_1557] : memref<64x128xf32, #tpu.memory_space<vmem>>[vector<16xi32>, vector<16xi32>], vector<16xf32>,
      tpu.vector_store_idx %arg7[%add3A_1578, %broadcast_in_dim3A_1554], %gather3A_1584 : memref<64x256xf32, #tpu.memory_space<vmem>>[vector<16xi32>, vector<16xi32>], vector<16xf32>,
      %add3A_1585 = arith.constant 48 : i32
      %add3A_1586 = vector.broadcast %add3A_1585 : i32 to vector<16xi32>
      %add3A_1587 = arith.addi %iota3A, %add3A_1586 : vector<16xi32>
      %gather3A_1588 = arith.constant 7 : i32
      %gather3A_1589 = arith.constant 0 : i32
      %gather3A_1590 = arith.constant 0 : i32
      %gather3A_1591 = tpu.memref_slice %arg6[%gather3A_1588, %gather3A_1589, %gather3A_1590] : memref<8x64x128xf32, #tpu.memory_space<vmem>> -> memref<1x64x128xf32, #tpu.memory_space<vmem>>
      %gather3A_1592 = tpu.memref_squeeze %gather3A_1591 : memref<1x64x128xf32, #tpu.memory_space<vmem>> -> memref<64x128xf32, #tpu.memory_space<vmem>>
      %gather3A_1593 = tpu.vector_load_idx %gather3A_1592[%add3A_1587, %broadcast_in_dim3A_1557] : memref<64x128xf32, #tpu.memory_space<vmem>>[vector<16xi32>, vector<16xi32>], vector<16xf32>,
      tpu.vector_store_idx %arg7[%add3A_1587, %broadcast_in_dim3A_1554], %gather3A_1593 : memref<64x256xf32, #tpu.memory_space<vmem>>[vector<16xi32>, vector<16xi32>], vector<16xf32>,
      %mul3A_1594 = arith.constant 16 : i32
      %mul3A_1595 = arith.muli %scan3A_307, %mul3A_1594 : i32
      %add3A_1596 = arith.constant 15 : i32
      %add3A_1597 = arith.addi %mul3A_1595, %add3A_1596 : i32
      %add3A_1598 = arith.constant 8 : i32
      %add3A_1599 = arith.addi %add3A_1597, %add3A_1598 : i32
      %lt3A_1600 = arith.constant 256 : i32
      %lt3A_1601 = arith.cmpi slt, %add3A_1599, %lt3A_1600 : i32
      %convert_element_type3A_1602 = arith.extui %lt3A_1601 : i1 to i32
      %cond3A_1603 = arith.constant 0 : i32
      %cond3A_1604 = arith.cmpi ne, %convert_element_type3A_1602, %cond3A_1603 : i32
      scf.if %cond3A_1604 {
        %shift_right_arithmetic3A_1605 = arith.constant 7 : i32
        %shift_right_arithmetic3A_1606 = arith.shrsi %reduce_sum3A_410, %shift_right_arithmetic3A_1605 : i32
        %mul3A_1607 = arith.constant 128 : i32
        %mul3A_1608 = arith.muli %shift_right_arithmetic3A_1606, %mul3A_1607 : i32
        %multiple_of3A_1609 = tpu.assume_multiple %mul3A_1608, 128 : i32
        %dma_start3A_1610 = arith.constant 7 : i32
        %dma_start3A_1611 = arith.constant 0 : i32
        %dma_start3A_1612 = arith.constant 0 : i32
        %dma_start3A_1613 = tpu.memref_slice %arg6[%dma_start3A_1610, %dma_start3A_1611, %dma_start3A_1612] : memref<8x64x128xf32, #tpu.memory_space<vmem>> -> memref<1x64x128xf32, #tpu.memory_space<vmem>>
        %dma_start3A_1614 = tpu.memref_squeeze %dma_start3A_1613 : memref<1x64x128xf32, #tpu.memory_space<vmem>> -> memref<64x128xf32, #tpu.memory_space<vmem>>
        %dma_start3A_1615 = arith.constant 0 : i32
        %dma_start3A_1616 = tpu.memref_slice %arg3[%dma_start3A_1615, %multiple_of3A_1609] : memref<64x1000000xf32, #tpu.memory_space<hbm>> -> memref<64x128xf32, #tpu.memory_space<hbm>>
        %dma_start3A_1617 = arith.constant 0 : i32
        %dma_start3A_1618 = arith.constant 0 : i32
        %dma_start3A_1619 = tpu.memref_slice %arg6[%dma_start3A_1610, %dma_start3A_1617, %dma_start3A_1618] : memref<8x64x128xf32, #tpu.memory_space<vmem>> -> memref<1x64x128xf32, #tpu.memory_space<vmem>>
        %dma_start3A_1620 = tpu.memref_squeeze %dma_start3A_1619 : memref<1x64x128xf32, #tpu.memory_space<vmem>> -> memref<64x128xf32, #tpu.memory_space<vmem>>
        %dma_start3A_1621 = arith.constant 0 : i32
        %dma_start3A_1622 = tpu.memref_slice %arg3[%dma_start3A_1621, %multiple_of3A_1609] : memref<64x1000000xf32, #tpu.memory_space<hbm>> -> memref<64x128xf32, #tpu.memory_space<hbm>>
        tpu.enqueue_dma source(%dma_start3A_1622 : memref<64x128xf32, #tpu.memory_space<hbm>>) target(%dma_start3A_1620 : memref<64x128xf32, #tpu.memory_space<vmem>>) target_semaphore(%arg15 : memref<!tpu.dma_semaphore, #tpu.memory_space<semaphore_mem>>)
      } else {
      }
      scf.yield %reduce_sum3A_340, %reduce_sum3A_350, %reduce_sum3A_360, %reduce_sum3A_370, %reduce_sum3A_380, %reduce_sum3A_390, %reduce_sum3A_400, %reduce_sum3A_410, %reduce_sum3A_420, %reduce_sum3A_430, %reduce_sum3A_440, %reduce_sum3A_450, %reduce_sum3A_460, %reduce_sum3A_470, %reduce_sum3A_480, %reduce_sum3A_490 : i32, i32, i32, i32, i32, i32, i32, i32, i32, i32, i32, i32, i32, i32, i32, i32
    }
    %scan3A_306 = arith.constant 16 : i32
    "tpu.region"() ({
      %run_scoped3A = tpu.sem_alloc : memref<!tpu.dma_semaphore, #tpu.memory_space<semaphore_mem>>
      %dma_start3A_307 = arith.constant 0 : i32
      %dma_start3A_308 = tpu.memref_slice %arg4[%dma_start3A_307, %mul3A_2] : memref<64x8192xf32, #tpu.memory_space<hbm>> -> memref<64x256xf32, #tpu.memory_space<hbm>>
      %dma_start3A_309 = arith.constant 0 : i32
      %dma_start3A_310 = tpu.memref_slice %arg4[%dma_start3A_309, %mul3A_2] : memref<64x8192xf32, #tpu.memory_space<hbm>> -> memref<64x256xf32, #tpu.memory_space<hbm>>
      tpu.enqueue_dma source(%arg7 : memref<64x256xf32, #tpu.memory_space<vmem>>) target(%dma_start3A_310 : memref<64x256xf32, #tpu.memory_space<hbm>>) target_semaphore(%run_scoped3A : memref<!tpu.dma_semaphore, #tpu.memory_space<semaphore_mem>>)
      %dma_wait3A = arith.constant 0 : i32
      %dma_wait3A_311 = tpu.memref_slice %arg4[%dma_wait3A, %mul3A_2] : memref<64x8192xf32, #tpu.memory_space<hbm>> -> memref<64x256xf32, #tpu.memory_space<hbm>>
      %dma_wait3A_312 = arith.constant 0 : i32
      %dma_wait3A_313 = tpu.memref_slice %arg4[%dma_wait3A_312, %mul3A_2] : memref<64x8192xf32, #tpu.memory_space<hbm>> -> memref<64x256xf32, #tpu.memory_space<hbm>>
      tpu.wait_dma2 semaphore(%run_scoped3A : memref<!tpu.dma_semaphore, #tpu.memory_space<semaphore_mem>>) src(%arg7 : memref<64x256xf32, #tpu.memory_space<vmem>>) dst(%dma_wait3A_313 : memref<64x256xf32, #tpu.memory_space<hbm>>)
      tpu.yield
    }) : () -> ()
    return
  }
}

module attributes {stable_mosaic.version = 14 : i64} {
  func.func @body(%arg0: i32, %arg1: i32, %arg2: memref<64x1024xf32, #tpu.memory_space<vmem>>, %arg3: memref<64x1024xf32, #tpu.memory_space<vmem>>, %arg4: memref<1024x1024xf32, #tpu.memory_space<vmem>>, %arg5: memref<1024x1024xf32, #tpu.memory_space<vmem>>) attributes {dimension_semantics = [#tpu.dimension_semantics<arbitrary>, #tpu.dimension_semantics<arbitrary>], iteration_bounds = array<i64: 2, 4>, scalar_prefetch = 0 : i64, scratch_operands = 0 : i64, tpu.core_type = #tpu.core_type<tc>, window_params = [{transform_indices = @transform_0, window_bounds = array<i64: 64, 1024>}, {pipeline_mode = #tpu.pipeline_mode<synchronous>, transform_indices = @transform_1, window_bounds = array<i64: 64, 1024>}, {transform_indices = @transform_2, window_bounds = array<i64: 1024, 1024>}, {transform_indices = @transform_3, window_bounds = array<i64: 1024, 1024>}]} {
    %get3A = arith.constant 0 : index
    %get3A_0 = arith.constant 0 : index
    %get3A_1 = vector.load %arg2[%get3A, %get3A_0] : memref<64x1024xf32, #tpu.memory_space<vmem>>, vector<64x1024xf32>
    %get3A_2 = arith.constant 0 : index
    %get3A_3 = arith.constant 0 : index
    %get3A_4 = vector.load %arg3[%get3A_2, %get3A_3] : memref<64x1024xf32, #tpu.memory_space<vmem>>, vector<64x1024xf32>
    %dot_general3A = arith.constant dense<0.000000e+00> : vector<1024x1024xf32>
    %dot_general3A_5 = tpu.matmul %get3A_1, %get3A_4, %dot_general3A {dimension_numbers = #tpu.dot_dimension_numbers<[0], [0], [1], [1], [0, 1, 1, 1], [], []>, transpose_lhs_hint = false} : vector<64x1024xf32>, vector<64x1024xf32>, vector<1024x1024xf32> -> vector<1024x1024xf32>
    %get3A_6 = arith.constant 0 : index
    %get3A_7 = arith.constant 0 : index
    %get3A_8 = vector.load %arg4[%get3A_6, %get3A_7] : memref<1024x1024xf32, #tpu.memory_space<vmem>>, vector<1024x1024xf32>
    %add3A = arith.addf %dot_general3A_5, %get3A_8 : vector<1024x1024xf32>
    %swap3A = arith.constant 0 : index
    %swap3A_9 = arith.constant 0 : index
    %swap3A_10 = vector.load %arg5[%swap3A, %swap3A_9] : memref<1024x1024xf32, #tpu.memory_space<vmem>>, vector<1024x1024xf32>
    tpu.vector_store %arg5[%swap3A, %swap3A_9], %add3A {strides = array<i32>} : memref<1024x1024xf32, #tpu.memory_space<vmem>>, vector<1024x1024xf32>,
    return
  }
  func.func @transform_0(%arg0: i32, %arg1: i32) -> (i32, i32) {
    %mul3A = arith.constant 2 : i32
    %mul3A_0 = arith.muli %arg1, %mul3A : i32
    %add3A = arith.addi %mul3A_0, %arg0 : i32
    %c0_i32 = arith.constant 0 : i32
    %c0_i32_1 = arith.constant 0 : i32
    return %c0_i32, %add3A : i32, i32
  }
  func.func @transform_1(%arg0: i32, %arg1: i32) -> (i32, i32) {
    %c0_i32 = arith.constant 0 : i32
    %c0_i32_0 = arith.constant 0 : i32
    %c0_i32_1 = arith.constant 0 : i32
    return %c0_i32, %c0_i32_0 : i32, i32
  }
  func.func @transform_2(%arg0: i32, %arg1: i32) -> (i32, i32) {
    %c0_i32 = arith.constant 0 : i32
    %c0_i32_0 = arith.constant 0 : i32
    return %arg0, %c0_i32 : i32, i32
  }
  func.func @transform_3(%arg0: i32, %arg1: i32) -> (i32, i32) {
    %mul3A = arith.constant 2 : i32
    %mul3A_0 = arith.muli %arg1, %mul3A : i32
    %add3A = arith.addi %mul3A_0, %arg0 : i32
    %c0_i32 = arith.constant 0 : i32
    %c0_i32_1 = arith.constant 0 : i32
    return %add3A, %c0_i32 : i32, i32
  }
}

</mosaic_0001>

<sc_bundles>
// kernel: kernel.4.cloned.1.call-start
scs
__scs_entry_jumppad:
0x0: {  	(pc) =	sbr.rel $0x88, $3  }
0x1: {  	(tag) =	ssettag $0x0;
	lr =	simm.s32 $0x1  }
0x2: {  	[smem:$0x3F9D] =	sst lr;
	_ =	strace $0xD0000000  }
0x3: {  	_ = 	snop  }
0x4: {  	_ = 	snop  }
0x5: {  	_ = 	snop  }
0x6: {  	_ = 	snop  }
0x7: {  	_ = 	snop  }
__scs_overlays_trampoline_lowered:
0x8: {  	[smem:$0x3FAC] =	sst s0  }
0x9: {  	[smem:$0x3FAD] =	sst s1  }
0xa: {  	[smem:$0x3FAE] =	sst s2  }
0xb: {  	[smem:$0x3FAF] =	sst s3  }
0xc: {  	[smem:$0x3FB0] =	sst s4  }
0xd: {  	[smem:$0x3FB1] =	sst s5  }
0xe: {  	[smem:$0x3FB2] =	sst s6  }
0xf: {  	[smem:$0x3FB3] =	sst s7  }
0x10: {  	[smem:$0x3FB4] =	sst s8  }
0x11: {  	[smem:$0x3FB5] =	sst s9;
	s0 =	simm.s32 @!p0 $0x0  }
0x12: {  	s1 =	sld [smem:$0x3F9B];
	s0 =	simm.s32 @p0 $0x1  }
0x13: {  	[smem:$0x3FB6] =	sst s0;
	s0 =	simm.s32 @!p1 $0x0  }
0x14: {  	s2 =	sld [smem:$0x3F9A];
	s0 =	simm.s32 @p1 $0x1  }
0x15: {  	[smem:$0x3FB7] =	sst s0;
	s0 =	simm.s32 @!p2 $0x0  }
0x16: {  	s3 =	sld [smem:$0x3FDB];
	s0 =	simm.s32 @p2 $0x1  }
0x17: {  	s4 =	simm.s32 $0x1BF5;
	[smem:$0x3FB9] =	sst s0  }
0x18: {  	s0 =	sld [smem:$0x3F9C];
	_ =	swait.ge [sflag:s4], $0x0  }
0x19: {  	s7 =	sld [smem:$0x3F9D]  }
0x1a: {  	s8 =	sadd.s32 $0xFFFFE003, lr  }
0x1b: {  	s9 =	sadd.s32 $0xFFFFFEF7, lr;
	s5 =	simm.s32 $0xFFFFFFFF;
	p2 =	slt.u32 s8, $0xFFFFF086  }
0x1c: {  	p1 =	slt.u32 s9, $0xF7A;
	s5 =	simm.s32 @!p2 $0x0  }
0x1d: {  	s5 =	simm.s32 @p1 $0x1;
	p0 =	seq.s32 s7, s2  }
0x1e: {  	s7 =	smul.u32 @!p0 $0xF7A, s2;
	p2 =	seq.s32 @!p0 s5, $0x0  }
0x1f: {  	s9 =	smul.u32 $0xF7A, s1;
	s8 =	simm.s32 @!p0 $0x1BF5;
	p2 =	por !p2, p0  }
0x20: {  	[sflag:s8] =	ssyncset.s32 @!p0 $0xFFFFF086;
	s6 =	sadd.s32 @!p0 s3, s7;
	s7 =	simm.s32 @!p0 $0x108  }
0x21: {  	s3 =	sadd.s32 s3, s9;
	s6 =	sadd.s32 @!p0 $0x88, s6;
	s7 =	simm.s32 @p2 $0x1082  }
0x22: {  	[simem:s7], [sflag:s8] =	dma.local @!p0 [hbm:s6], $0xF7A  }
0x23: {  	s9 =	sor.u32 $0xD0000000, s2;
	s6 =	simm.s32 $0x108;
	_ =	swait.ge @!p0 [sflag:s8], $0x0  }
0x24: {  	s3 =	sadd.s32 $0x88, s3;
	s6 =	simm.s32 @!p1 $0x1082;
	[sflag:s4] =	ssyncset.s32 $0xFFFFF086  }
0x25: {  	[simem:s6], [sflag:s4] =	dma.local [hbm:s3], $0xF7A  }
0x26: {  	[smem:$0x3F9D] =	sst s1;
	(tag) =	ssettag s2;
	_ =	strace s9  }
0x27: {  	s1 =	sld [smem:$0x3FAD]  }
0x28: {  	s2 =	sld [smem:$0x3FAE]  }
0x29: {  	s4 =	sld [smem:$0x3FB0]  }
0x2a: {  	p0 =	seq.s32 s5, $0x0;
	s5 =	sld [smem:$0x3FB1]  }
0x2b: {  	s6 =	sld [smem:$0x3FB2]  }
0x2c: {  	s7 =	sld [smem:$0x3FB3]  }
0x2d: {  	s3 =	simm.s32 $0x108;
	s8 =	sld [smem:$0x3FB4]  }
0x2e: {  	s3 =	simm.s32 @!p0 $0x1082;
	s9 =	sld [smem:$0x3FB5]  }
0x2f: {  	lr =	sadd.s32 s0, s3;
	s0 =	sld [smem:$0x3FAC]  }
0x30: {  	s3 =	sld [smem:$0x3FAF]  }
0x31: {  	[smem:$0x3FB8] =	sst s10  }
0x32: {  	s10 =	sld [smem:$0x3FB6];
	_ =	sdelay $0x3  }
0x33: {  	p0 =	seq.s32 s10, $0x1;
	s10 =	sld [smem:$0x3FB8];
	_ =	sdelay $0x3  }
0x34: {  	[smem:$0x3FB8] =	sst s10  }
0x35: {  	s10 =	sld [smem:$0x3FB7];
	_ =	sdelay $0x3  }
0x36: {  	p1 =	seq.s32 s10, $0x1;
	s10 =	sld [smem:$0x3FB8];
	_ =	sdelay $0x3  }
0x37: {  	[smem:$0x3FB8] =	sst s10  }
0x38: {  	s10 =	sld [smem:$0x3FB9]  }
0x39: {  	_ = 	snop;
	(pc) =	sbr.ind lr, $3  }
0x3a: {  	_ = 	snop  }
0x3b: {  	_ = 	snop  }
0x3c: {  	p2 =	seq.s32 s10, $0x1;
	s10 =	sld [smem:$0x3FB8]  }
0x3d: {  	_ =	shalt  }
0x3e: {  	_ =	shalt  }
0x3f: {  	_ =	shalt  }
0x40: {  	_ =	shalt  }
0x41: {  	_ =	shalt  }
0x42: {  	_ =	shalt  }
0x43: {  	_ =	shalt  }
0x44: {  	_ =	shalt  }
0x45: {  	_ =	shalt  }
0x46: {  	_ =	shalt  }
0x47: {  	_ =	shalt  }
0x48: {  	_ =	shalt  }
0x49: {  	_ =	shalt  }
0x4a: {  	_ =	shalt  }
0x4b: {  	_ =	shalt  }
0x4c: {  	_ =	shalt  }
0x4d: {  	_ =	shalt  }
0x4e: {  	_ =	shalt  }
0x4f: {  	_ =	shalt  }
0x50: {  	_ =	shalt  }
0x51: {  	_ =	shalt  }
0x52: {  	_ =	shalt  }
0x53: {  	_ =	shalt  }
0x54: {  	_ =	shalt  }
0x55: {  	_ =	shalt  }
0x56: {  	_ =	shalt  }
0x57: {  	_ =	shalt  }
0x58: {  	_ =	shalt  }
0x59: {  	_ =	shalt  }
0x5a: {  	_ =	shalt  }
0x5b: {  	_ =	shalt  }
0x5c: {  	_ =	shalt  }
0x5d: {  	_ =	shalt  }
0x5e: {  	_ =	shalt  }
0x5f: {  	_ =	shalt  }
0x60: {  	_ =	shalt  }
0x61: {  	_ =	shalt  }
0x62: {  	_ =	shalt  }
0x63: {  	_ =	shalt  }
0x64: {  	_ =	shalt  }
0x65: {  	_ =	shalt  }
0x66: {  	_ =	shalt  }
0x67: {  	_ =	shalt  }
0x68: {  	_ =	shalt  }
0x69: {  	_ =	shalt  }
0x6a: {  	_ =	shalt  }
0x6b: {  	_ =	shalt  }
0x6c: {  	_ =	shalt  }
0x6d: {  	_ =	shalt  }
0x6e: {  	_ =	shalt  }
0x6f: {  	_ =	shalt  }
0x70: {  	_ =	shalt  }
0x71: {  	_ =	shalt  }
0x72: {  	_ =	shalt  }
0x73: {  	_ =	shalt  }
0x74: {  	_ =	shalt  }
0x75: {  	_ =	shalt  }
0x76: {  	_ =	shalt  }
0x77: {  	_ =	shalt  }
0x78: {  	_ =	shalt  }
0x79: {  	_ =	shalt  }
0x7a: {  	_ =	shalt  }
0x7b: {  	_ =	shalt  }
0x7c: {  	_ =	shalt  }
0x7d: {  	_ =	shalt  }
0x7e: {  	_ =	shalt  }
0x7f: {  	_ =	shalt  }
0x80: {  	_ =	shalt  }
0x81: {  	_ =	shalt  }
0x82: {  	_ =	shalt  }
0x83: {  	_ =	shalt  }
0x84: {  	_ =	shalt  }
0x85: {  	_ =	shalt  }
0x86: {  	_ =	shalt  }
0x87: {  	_ =	shalt  }
.Lfunc_end0:
.L_simem_size_0:
called_computation_lowered:
.L_overlay_start_0:
0x88: {  	s2 =	sld [smem:$0x3FD9]  }
0x89: {  	s3 =	sld [smem:$0x3FFE];
	_ =	sdelay $0x1  }
0x8a: {  	s1 =	srdreg.scid  }
0x8b: {  	s0 =	sand.u32 $0x1, s1  }
0x8c: {  	s17 =	sshll.u32 s0, $0xA;
	s2 =	sadd.s32 s3, s2  }
0x8d: {  	s2 =	sadd.s32 s2, s17  }
0x8e: {  	[smem:$0x3FC4] =	sst s2  }
0x8f: {  	_ = 	snop  }
0x90: {  	s2 =	sld [smem:$0x3FC8]  }
0x91: {  	s18 =	sld [smem:$0x3FD0];
	(tm) =	ssettm $0x1  }
0x92: {  	s4 =	sld [smem:$0x3FFB];
	_ =	sdelay $0x3  }
0x93: {  	_ =	strace s4  }
0x94: {  	s4 =	sld [smem:$0x3FFC];
	_ =	sdelay $0x3  }
0x95: {  	_ =	strace s4  }
0x96: {  	s4 =	sld [smem:$0x3FFD];
	_ =	sdelay $0x3  }
0x97: {  	_ =	strace s4  }
0x98: {  	_ =	strace $0x8FFFFFFF  }
0x99: {  	s19 =	sld [smem:$0x3FDB];
	_ =	sdelay $0x1  }
0x9a: {  	s5 =	simm.s32 $_scs_section_size  }
0x9b: {  	s6 =	simm.s32 $_size__tile_overlayer_lowered;
	s7 =	simm.s32 $_tile_overlayer_lowered  }
0x9c: {  	s22 =	simm.s32 $0x1BFF;
	s21 =	sshll.u32 s7, $0x1;
	s4 =	sadd.s32 s5, s19  }
0x9d: {  	s8 =	simm.s32 $0x0;
	s20 =	sshll.u32 s6, $0x1;
	s6 =	sadd.s32 s21, s4  }
0x9e: {  	[timem:s8], [sflag:s22] =	dma.local [hbm:s6], s20  }
0x9f: {  	_ =	swait.ge [sflag:s22], s20  }
0xa0: {  	s5 =	ssub.s32 $0x0, s20;
	[sflag:s22] =	ssyncset.done $0x0  }
0xa1: {  	[sflag:s22] =	ssyncadd.s32 s5;
	_ =	sdelay $0x1  }
0xa2: {  	s23 =	simm.s32 $0x1B8B  }
0xa3: {  	_ =	swait.ge [sflag:s23], $0x1  }
0xa4: {  	[sflag:s23] =	ssyncset.done $0x0  }
0xa5: {  	s25 =	simm.s32 $0x1B8E;
	s24 =	sld [smem:$0x3FFE];
	[sflag:s23] =	ssyncadd.s32 $0xFFFFFFFF  }
0xa6: {  	s26 =	simm.s32 $execute0_lowered;
	[smem:$0x3FD2] =	sst s25  }
0xa7: {  	s6 =	sshll.u32 s26, $0x1;
	_ =	strace $0x80000046;
	[dreg:$0x1] =	wrdreg $0xFFFFFFFF  }
0xa8: {  	s28 =	simm.s32 $_size_execute0_lowered;
	s4 =	sadd.s32 s4, s6;
	[dreg:$0x0] =	wrdreg $0x0  }
0xa9: {  	s6 =	sshll.u32 s28, $0x1;
	[dreg:$0x2] =	wrdreg s4  }
0xaa: {  	[dreg:$0x3] =	wrdreg s6  }
0xab: {  	[dreg:$0x4] =	wrdreg $0xC0  }
0xac: {  	_ =	task [dreg:s8], $0x5FFFF  }
0xad: {  	[dreg:$0x1] =	wrdreg $0xFFFFFFFF  }
0xae: {  	[dreg:$0x0] =	wrdreg $0x60  }
0xaf: {  	[dreg:$0x2] =	wrdreg s24  }
0xb0: {  	[dreg:$0x3] =	wrdreg s2  }
0xb1: {  	[dreg:$0x4] =	wrdreg s18  }
0xb2: {  	[dreg:$0x5] =	wrdreg $0x9  }
0xb3: {  	_ =	task.clear_ibuf [dreg:s8], $0x6FFFF;
	_ =	strace $0x90000046  }
0xb4: {  	s29 =	simm.s32 $0x9;
	_ =	strace $0x80000048  }
0xb5: {  	_ =	swait.ge [sflag:s29], $0x1  }
0xb6: {  	[sflag:s29] =	ssyncadd.s32 $0xFFFFFFFF  }
0xb7: {  	_ =	strace $0x90000048  }
0xb8: {  	_ =	sfence  }
0xb9: {  	s30 =	sld [smem:$0x0];
	_ =	sdelay $0x2  }
0xba: {  	s31 =	sshll.u32 s1, $0xD;
	s1 =	sshrl.u32 s1, $0x2  }
0xbb: {  	s3 =	sand.u32 $0x4000, s31;
	s1 =	sadd.s32 s1, s30  }
0xbc: {  	s0 =	sor.u32 s3, s0;
	s1 =	sshll.u32 s1, $0x11  }
0xbd: {  	s0 =	sor.u32 s1, s0  }
0xbe: {  	s0 =	sadd.s32 $0x8F2B, s0  }
0xbf: {  	[sflag:s0] =	ssyncadd.remote.s32 $0x1  }
0xc0: {  	_ =	sfence.sel $0xFFFF  }
0xc1: {  	[dreg:$0x0] =	wrdreg $0xFFFFFFFF;
	(pc) =	sbr.abs _section_cstart, $3  }
0xc2: {  	[dreg:$0x1] =	wrdreg $0xFFFFFFFF  }
0xc3: {  	_ =	task.clear_ibuf [dreg:s8], $0x2FFFF;
	_ =	strace $0x9FFFFFFF  }
0xc4: {  	(tm) =	ssettm $0x7FFFFFFF  }
0xc5: {  	_ =	shalt  }
tec
execute0_lowered:
.L_overlay_start_1:
0x0: {  	(tag) =	ssettag $0x1  }
0x1: {  	vm0 =	vcmask $0x308;
	vm1 =	vcmask $0x70C  }
0x2: {  	v0 =	vimm.s32 $0xB80;
	vm9 =	vcmask $0x300;
	vm2 =	vcmask $0xB10  }
0x3: {  	vm10 =	vcmask $0x704;
	vm3 =	vcmask $0xF14;
	vm13 =	vcmask $0xB08  }
0x4: {  	vm4 =	vcmask $0x1318;
	vm15 =	vcmask $0xF0C;
	vm5 =	vcmask $0x171C  }
0x5: {  	vm11 =	vcmask $0x1310;
	vm6 =	vcmask $0x1B20;
	vm12 =	vcmask $0x1714  }
0x6: {  	vm7 =	vcmask $0x1F24;
	vm14 =	vcmask $0x1B18;
	vm8 =	vcmask $0x2328  }
0x7: {  	v1 =	vimm.s32 $0x1B80;
	v2 =	vimm.s32 $0x2B80;
	v3 =	vimm.s32 $0x3B80  }
0x8: {  	v4 =	vlaneseq.u32;
	v0 =	vsel vm9, $0x0, v0;
	v1 =	vsel vm9, $0x1000, v1  }
0x9: {  	v2 =	vsel vm9, $0x2000, v2;
	v3 =	vsel vm9, $0x3000, v3;
	vm9 =	vcmask $0x272C  }
0xa: {  	v0 =	vsel vm10, $0x80, v0;
	v1 =	vsel vm10, $0x1080, v1;
	v2 =	vsel vm10, $0x2080, v2  }
0xb: {  	v3 =	vsel vm10, $0x3080, v3;
	vm10 =	vcmask $0x2B30;
	v0 =	vsel vm13, $0x100, v0  }
0xc: {  	v1 =	vsel vm13, $0x1100, v1;
	v2 =	vsel vm13, $0x2100, v2;
	v3 =	vsel vm13, $0x3100, v3  }
0xd: {  	vm13 =	vcmask $0x2320;
	v0 =	vsel vm15, $0x180, v0;
	v1 =	vsel vm15, $0x1180, v1  }
0xe: {  	v2 =	vsel vm15, $0x2180, v2;
	v3 =	vsel vm15, $0x3180, v3;
	vm15 =	vcmask $0x2B28  }
0xf: {  	v0 =	vsel vm11, $0x200, v0;
	v1 =	vsel vm11, $0x1200, v1;
	v2 =	vsel vm11, $0x2200, v2  }
0x10: {  	v3 =	vsel vm11, $0x3200, v3;
	vm11 =	vcmask $0x2F34;
	v0 =	vsel vm12, $0x280, v0  }
0x11: {  	v1 =	vsel vm12, $0x1280, v1;
	v2 =	vsel vm12, $0x2280, v2;
	v3 =	vsel vm12, $0x3280, v3  }
0x12: {  	vm12 =	vcmask $0x1B18;
	v0 =	vsel vm14, $0x300, v0;
	vm14 =	vcmask $0x1F1C  }
0x13: {  	v1 =	vsel vm12, $0x1300, v1;
	vm12 =	vcmask $0x1B18;
	v0 =	vsel vm14, $0x380, v0  }
0x14: {  	v2 =	vsel vm12, $0x2300, v2;
	v3 =	vsel vm12, $0x3300, v3;
	v1 =	vsel vm14, $0x1380, v1  }
0x15: {  	vm12 =	vcmask $0x3338;
	v0 =	vsel vm13, $0x800, v0;
	vm13 =	vcmask $0x2724  }
0x16: {  	v2 =	vsel vm14, $0x2380, v2;
	v3 =	vsel vm14, $0x3380, v3;
	vm14 =	vcmask $0x2320  }
0x17: {  	s0 =	rddreg [dreg:$0x0];
	s2 =	srdreg.scid;
	v0 =	vsel vm13, $0x880, v0;
	v1 =	vsel vm14, $0x1800, v1;
	vm14 =	vcmask $0x2320  }
0x18: {  	s1 =	rddreg [dreg:$0x1];
	s4 =	stileid.u32;
	v0 =	vsel vm15, $0x900, v0;
	v2 =	vsel vm14, $0x2800, v2;
	v3 =	vsel vm14, $0x3800, v3  }
0x19: {  	s3 =	rddreg [dreg:$0x2];
	s6 =	simm.s32 $0x0;
	s9 =	simm.s32 $0x7A1400;
	vm14 =	vcmask $0x2F2C;
	v1 =	vsel vm13, $0x1880, v1;
	v2 =	vsel vm13, $0x2880, v2  }
0x1a: {  	s8 =	simm.s32 $0x400;
	s7 =	simm.s32 $0x4180;
	s10 =	simm.s32 $0x6180;
	v3 =	vsel vm13, $0x3880, v3;
	vm13 =	vcmask $0x373C;
	v0 =	vsel vm14, $0x980, v0  }
0x1b: {  	s15 =	simm.s32 $0x8180;
	s16 =	simm.s32 $0xA180;
	s17 =	simm.s32 $0xC180;
	v1 =	vsel vm15, $0x1900, v1;
	v2 =	vsel vm15, $0x2900, v2;
	v3 =	vsel vm15, $0x3900, v3  }
0x1c: {  	s26 =	simm.s32 $0xE180;
	s19 =	simm.s32 $0x10180;
	s22 =	simm.s32 $0x8;
	vm15 =	vcmask $0x3330;
	v1 =	vsel vm14, $0x1980, v1;
	v2 =	vsel vm14, $0x2980, v2  }
0x1d: {  	s2 =	sand.u32 $0x1, s2;
	s4 =	sshll.u32 s4, $0x9;
	[smem:$0x7FF] =	sst s6;
	v3 =	vsel vm14, $0x3980, v3;
	v0 =	vsel vm15, $0xA00, v0;
	v1 =	vsel vm15, $0x1A00, v1  }
0x1e: {  	s6 =	simm.s32 $0x2180;
	s5 =	sshll.u32 s2, $0x8;
	s2 =	ssub.s32 $0x2, s2;
	v2 =	vsel vm15, $0x2A00, v2;
	v3 =	vsel vm15, $0x3A00, v3;
	vm15 =	vcmask $0x3734  }
0x1f: {  	_ =	strace $0x80000047;
	s4 =	sor.u32 s5, s4;
	s29 =	sshrl.u32 s2, $0x1;
	vm14 =	vmmov $0x1;
	v5 =	vsel vm15, $0xA80, v0;
	v6 =	vsel vm15, $0x1A80, v1  }
0x20: {  	s5 =	sshrl.u32 s4, $0x3;
	s2 =	ssub.s32 s2, s29;
	s30 =	sadd.s32 s3, s4;
	v7 =	vsel vm15, $0x2A80, v2;
	v8 =	vsel vm15, $0x3A80, v3;
	vm15 =	vcmask $0x3B38  }
0x21: {  	s0 =	sadd.s32 s5, s0;
	[dreg:$0x5] =	wrdreg s30;
	s31 =	smax.u32 s2, $0x1;
	v0 =	vmul.u32 $0x80, v4;
	v1 =	vsel vm15, $0xB00, v5;
	v2 =	vsel vm15, $0x1B00, v6  }
0x22: {  	s3 =	simm.s32 $0x9;
	s0 =	sadd.s32 $0xA00, s0;
	[dreg:$0x6] =	wrdreg s31;
	v3 =	vsel vm15, $0x2B00, v7;
	v4 =	vsel vm15, $0x3B00, v8;
	vm15 =	vmmov $0x7fff  }
0x23: {  	s5 =	simm.s32 $0x180;
	s2 =	simm.s32 $0x0;
	[dreg:$0x4] =	wrdreg s0;
	v5 =	vor.u32 $0x800, v0;
	v6 =	vor.u32 $0x1000, v0;
	v7 =	vor.u32 $0x1800, v0  }
.LBB2_1:
0x24: {  	[dreg:$0x7] =	wrdreg s2  }
0x25: {  	s0 =	simm.s32 $0x0;
	s25 =	rddreg [dreg:$0x4]  }
0x26: {  	[tilespmem:s0], [sflag:$0x9] =	stream.linear.gather [hbm4b:s25+s0], $0x100, $0x38;
	[tilespmem:$0x14180] =	vst v63  }
0x27: {  	_ =	swait.ge [sflag:s3], $0x100  }
0x28: {  	[sflag:s3] =	ssyncset.done $0x0  }
0x29: {  	[sflag:s3] =	ssyncadd.s32 $0xFFFFFF00  }
0x2a: {  	v8 =	vld [tilespmem:$0x0];
	_ =	sdelay $0x4  }
0x2b: {  	v9 =	vnsel vm14, $0x0, v8  }
0x2c: {  	(xrf0) =	vadd.scan.msk.s32 $0xffff, v9  }
0x2d: {  	v38 =	vsel vm0, $0x0, v8  }
0x2e: {  	(xrf0) =	vadd.scan.msk.s32 $0xffff, v38  }
0x2f: {  	v39 =	vsel vm1, $0x0, v8  }
0x30: {  	(xrf0) =	vadd.scan.msk.s32 $0xffff, v39  }
0x31: {  	v41 =	vsel vm2, $0x0, v8  }
0x32: {  	v40, _, _ =	vpop (xrf0);
	(xrf0) =	vadd.scan.msk.s32 $0xffff, v41  }
0x33: {  	(v2sf) =	vpush v40, $0xF  }
0x34: {  	v42 =	vsel vm3, $0x0, v8;
	v10, _, _ =	vpop (xrf0)  }
0x35: {  	v43 =	vsel vm4, $0x0, v8;
	(xrf0) =	vadd.scan.msk.s32 $0xffff, v42;
	(v2sf) =	vpush v10, $0xF  }
0x36: {  	v45 =	vsel vm5, $0x0, v8;
	v44, _, _ =	vpop (xrf0);
	(xrf0) =	vadd.scan.msk.s32 $0xffff, v43  }
0x37: {  	v46 =	vsel vm6, $0x0, v8;
	(v2sf) =	vpush v44, $0xF;
	(xrf0) =	vadd.scan.msk.s32 $0xffff, v45  }
0x38: {  	v47, _, _ =	vpop (xrf0);
	(xrf0) =	vadd.scan.msk.s32 $0xffff, v46;
	_ =	sdelay $0x1  }
0x39: {  	v48 =	vsel vm7, $0x0, v8;
	(v2sf) =	vpush v47, $0xF  }
0x3a: {  	v50 =	vsel vm8, $0x0, v8;
	v49, _, _ =	vpop (xrf0);
	(xrf0) =	vadd.scan.msk.s32 $0xffff, v48  }
0x3b: {  	v52 =	vsel vm9, $0x0, v8;
	(v2sf) =	vpush v49, $0xF;
	v51, _, _ =	vpop (xrf0);
	(xrf0) =	vadd.scan.msk.s32 $0xffff, v50  }
0x3c: {  	v54 =	vsel vm10, $0x0, v8;
	(v2sf) =	vpush v51, $0xF;
	v53, _, _ =	vpop (xrf0);
	(xrf0) =	vadd.scan.msk.s32 $0xffff, v52  }
0x3d: {  	v55, _, _ =	vpop (xrf0);
	(xrf0) =	vadd.scan.msk.s32 $0xffff, v54  }
0x3e: {  	(v2sf) =	vpush v53, $0xF  }
0x3f: {  	v56 =	vsel vm11, $0x0, v8  }
0x40: {  	v58 =	vsel vm12, $0x0, v8;
	(v2sf) =	vpush v55, $0xF;
	v57, _, _ =	vpop (xrf0);
	(xrf0) =	vadd.scan.msk.s32 $0xffff, v56  }
0x41: {  	v60 =	vsel vm13, $0x0, v8;
	v59, _, _ =	vpop (xrf0);
	(xrf0) =	vadd.scan.msk.s32 $0xffff, v58;
	s4 =	spop (v2sf)  }
0x42: {  	v8 =	vsel vm15, $0x0, v8;
	(xrf0) =	vadd.scan.msk.s32 $0xffff, v60;
	v61, _, _ =	vpop (xrf0);
	(v2sf) =	vpush v57, $0xF;
	s3 =	sand.u32 $0xFFFFF80, s4  }
0x43: {  	s28 =	spop (v2sf);
	s0 =	sadd.s32 s1, s3;
	v62, _, _ =	vpop (xrf0);
	(xrf0) =	vadd.scan.msk.s32 $0xffff, v8  }
0x44: {  	(v2sf) =	vpush v59, $0xF;
	[tilespmem:s5], [sflag:$0x1] =	stream.strided.gather [hbm4b:s0+s8], $0x2000, s9, s8, $0x38;
	[tilespmem:$0x14180] =	vst v63  }
0x45: {  	(v2sf) =	vpush v61, $0xF;
	s29 =	spop (v2sf);
	s5 =	sand.u32 $0xFFFFF80, s28  }
0x46: {  	s11 =	sand.u32 $0xFFFFF80, s29;
	s0 =	sadd.s32 s1, s5  }
0x47: {  	(v2sf) =	vpush v62, $0xF;
	v8, _, _ =	vpop (xrf0);
	[tilespmem:s6], [sflag:$0x2] =	stream.strided.gather [hbm4b:s0+s8], $0x2000, s9, s8, $0x38;
	[tilespmem:$0x14180] =	vst v63  }
0x48: {  	v63, _, _ =	vpop (xrf0);
	(v2sf) =	vpush v8, $0xF;
	s0 =	sadd.s32 s1, s11;
	s5 =	spop (v2sf)  }
0x49: {  	v8, _, _ =	vpop (xrf0);
	(v2sf) =	vpush v63, $0xF;
	[tilespmem:s7], [sflag:$0x3] =	stream.strided.gather [hbm4b:s0+s8], $0x2000, s9, s8, $0x38;
	[tilespmem:$0x14180] =	vst v63  }
0x4a: {  	s6 =	spop (v2sf);
	(v2sf) =	vpush v8, $0xF;
	s12 =	sand.u32 $0xFFFFF80, s5;
	v8, _, _ =	vpop (xrf0)  }
0x4b: {  	s7 =	spop (v2sf);
	s0 =	sadd.s32 s1, s12;
	s13 =	sand.u32 $0xFFFFF80, s6;
	(v2sf) =	vpush v8, $0xF  }
0x4c: {  	[tilespmem:s10], [sflag:$0x4] =	stream.strided.gather [hbm4b:s0+s8], $0x2000, s9, s8, $0x38;
	[tilespmem:$0x14180] =	vst v63  }
0x4d: {  	s30 =	spop (v2sf);
	s0 =	sadd.s32 s1, s13;
	s14 =	sand.u32 $0xFFFFF80, s7  }
0x4e: {  	[tilespmem:s15], [sflag:$0x5] =	stream.strided.gather [hbm4b:s0+s8], $0x2000, s9, s8, $0x38;
	[tilespmem:$0x14180] =	vst v63  }
0x4f: {  	s0 =	sadd.s32 s1, s14;
	s15 =	sand.u32 $0xFFFFF80, s30;
	s18 =	spop (v2sf)  }
0x50: {  	[tilespmem:s16], [sflag:$0x6] =	stream.strided.gather [hbm4b:s0+s8], $0x2000, s9, s8, $0x38;
	[tilespmem:$0x14180] =	vst v63  }
0x51: {  	s0 =	sadd.s32 s1, s15;
	s25 =	spop (v2sf)  }
0x52: {  	[tilespmem:s17], [sflag:$0x7] =	stream.strided.gather [hbm4b:s0+s8], $0x2000, s9, s8, $0x38;
	[tilespmem:$0x14180] =	vst v63  }
0x53: {  	s20 =	sand.u32 $0xFFFFF80, s18;
	s24 =	spop (v2sf)  }
0x54: {  	s0 =	sadd.s32 s1, s20;
	s23 =	spop (v2sf)  }
0x55: {  	[tilespmem:s26], [sflag:$0x8] =	stream.strided.gather [hbm4b:s0+s8], $0x2000, s9, s8, $0x38;
	[tilespmem:$0x14180] =	vst v63  }
0x56: {  	s16 =	spop (v2sf)  }
0x57: {  	s17 =	spop (v2sf)  }
0x58: {  	s21 =	spop (v2sf)  }
0x59: {  	s20 =	spop (v2sf)  }
0x5a: {  	s31 =	simm.s32 $0xF;
	s2 =	simm.s32 $0x10;
	s0 =	spop (v2sf)  }
.LBB2_2:
0x5b: {  	v8 =	vld [tilespmem:s2+$0x0];
	_ =	sdelay $0x4  }
0x5c: {  	v9 =	vnsel vm14, $0x0, v8  }
0x5d: {  	v32 =	vsel vm0, $0x0, v8;
	(xrf0) =	vadd.scan.msk.s32 $0xffff, v9  }
0x5e: {  	v33 =	vsel vm1, $0x0, v8;
	(xrf0) =	vadd.scan.msk.s32 $0xffff, v32  }
0x5f: {  	v34 =	vsel vm2, $0x0, v8;
	(xrf0) =	vadd.scan.msk.s32 $0xffff, v33  }
0x60: {  	v35 =	vsel vm3, $0x0, v8;
	(xrf0) =	vadd.scan.msk.s32 $0xffff, v34  }
0x61: {  	v36 =	vsel vm4, $0x0, v8;
	(xrf0) =	vadd.scan.msk.s32 $0xffff, v35  }
0x62: {  	v37 =	vsel vm5, $0x0, v8;
	(xrf0) =	vadd.scan.msk.s32 $0xffff, v36  }
0x63: {  	v38 =	vsel vm6, $0x0, v8;
	v10, _, _ =	vpop (xrf0);
	(xrf0) =	vadd.scan.msk.s32 $0xffff, v37  }
0x64: {  	v40 =	vsel vm7, $0x0, v8;
	(v2sf) =	vpush v10, $0xF;
	v39, _, _ =	vpop (xrf0);
	(xrf0) =	vadd.scan.msk.s32 $0xffff, v38  }
0x65: {  	v42 =	vsel vm8, $0x0, v8;
	(v2sf) =	vpush v39, $0xF;
	v41, _, _ =	vpop (xrf0);
	(xrf0) =	vadd.scan.msk.s32 $0xffff, v40  }
0x66: {  	v44 =	vsel vm9, $0x0, v8;
	(v2sf) =	vpush v41, $0xF;
	v43, _, _ =	vpop (xrf0);
	(xrf0) =	vadd.scan.msk.s32 $0xffff, v42  }
0x67: {  	v46 =	vsel vm10, $0x0, v8;
	(v2sf) =	vpush v43, $0xF;
	v45, _, _ =	vpop (xrf0);
	(xrf0) =	vadd.scan.msk.s32 $0xffff, v44  }
0x68: {  	v48 =	vsel vm11, $0x0, v8;
	(v2sf) =	vpush v45, $0xF;
	v47, _, _ =	vpop (xrf0);
	(xrf0) =	vadd.scan.msk.s32 $0xffff, v46  }
0x69: {  	v50 =	vsel vm12, $0x0, v8;
	(v2sf) =	vpush v47, $0xF;
	v49, _, _ =	vpop (xrf0);
	(xrf0) =	vadd.scan.msk.s32 $0xffff, v48  }
0x6a: {  	v52 =	vsel vm13, $0x0, v8;
	v8 =	vsel vm15, $0x0, v8;
	(v2sf) =	vpush v49, $0xF;
	v51, _, _ =	vpop (xrf0);
	(xrf0) =	vadd.scan.msk.s32 $0xffff, v50  }
0x6b: {  	(v2sf) =	vpush v51, $0xF;
	v53, _, _ =	vpop (xrf0);
	(xrf0) =	vadd.scan.msk.s32 $0xffff, v52  }
0x6c: {  	(v2sf) =	vpush v53, $0xF;
	v54, _, _ =	vpop (xrf0);
	(xrf0) =	vadd.scan.msk.s32 $0xffff, v8  }
0x6d: {  	v8, _, _ =	vpop (xrf0);
	(v2sf) =	vpush v54, $0xF  }
0x6e: {  	v55, _, _ =	vpop (xrf0);
	(v2sf) =	vpush v8, $0xF  }
0x6f: {  	v8, _, _ =	vpop (xrf0);
	(v2sf) =	vpush v55, $0xF  }
0x70: {  	[dreg:$0x1c] =	wrdreg s16;
	v56, _, _ =	vpop (xrf0);
	(v2sf) =	vpush v8, $0xF  }
0x71: {  	[dreg:$0x1b] =	wrdreg s17;
	v8, _, _ =	vpop (xrf0);
	(v2sf) =	vpush v56, $0xF  }
0x72: {  	[dreg:$0x1a] =	wrdreg s20;
	(v2sf) =	vpush v8, $0xF;
	v8, _, _ =	vpop (xrf0)  }
0x73: {  	[dreg:$0x19] =	wrdreg s21;
	s3 =	spop (v2sf);
	(v2sf) =	vpush v8, $0xF  }
0x74: {  	[dreg:$0x17] =	wrdreg s3;
	s9 =	spop (v2sf)  }
0x75: {  	[dreg:$0x16] =	wrdreg s9;
	s10 =	spop (v2sf)  }
0x76: {  	[dreg:$0x15] =	wrdreg s10;
	s11 =	spop (v2sf)  }
0x77: {  	[dreg:$0x14] =	wrdreg s11;
	s12 =	spop (v2sf)  }
0x78: {  	[dreg:$0x13] =	wrdreg s12;
	s13 =	spop (v2sf)  }
0x79: {  	[dreg:$0x12] =	wrdreg s13;
	s14 =	spop (v2sf)  }
0x7a: {  	[dreg:$0x11] =	wrdreg s14;
	s15 =	spop (v2sf)  }
0x7b: {  	[dreg:$0xf] =	wrdreg s15;
	s26 =	spop (v2sf)  }
0x7c: {  	[dreg:$0x8] =	wrdreg s26;
	s8 =	spop (v2sf)  }
0x7d: {  	[dreg:$0x9] =	wrdreg s8;
	s9 =	spop (v2sf)  }
0x7e: {  	[dreg:$0xa] =	wrdreg s9;
	s10 =	spop (v2sf)  }
0x7f: {  	[dreg:$0xb] =	wrdreg s10;
	s11 =	spop (v2sf)  }
0x80: {  	[dreg:$0xc] =	wrdreg s11;
	s12 =	spop (v2sf)  }
0x81: {  	s4 =	sand.u32 $0x7F, s4;
	[dreg:$0xd] =	wrdreg s12;
	s13 =	spop (v2sf)  }
0x82: {  	v8 =	vor.u32 s4, v0;
	s9 =	sadd.s32 $0xFFFFFFF1, s31;
	[dreg:$0xe] =	wrdreg s13;
	s14 =	spop (v2sf)  }
0x83: {  	v57 =	vmov s9;
	s10 =	simm.s32 $0x1;
	[dreg:$0x10] =	wrdreg s14  }
0x84: {  	v58 =	vshll.u32 v57, $0x3;
	_ =	swait.ge [sflag:s10], $0x2000  }
0x85: {  	v9 =	vand.u32 $0x70, v57;
	v10 =	vand.u32 $0x400, v58;
	[sflag:s10] =	ssyncset.done $0x0  }
0x86: {  	s12 =	simm.s32 $0x180;
	v9 =	vor.u32 v9, v10;
	[sflag:s10] =	ssyncadd.s32 $0xFFFFE000  }
0x87: {  	v10 =	vor.u32 v1, v9;
	v8 =	vld.idx.msk [tilespmem:v8+s12+$0x0], $0xffff  }
0x88: {  	v11 =	vor.u32 s4, v5;
	_ =	sdelay $0x3  }
0x89: {  	[tilespmem:v10+s19+$0x0] =	vst.idx.msk $0xffff, v8  }
0x8a: {  	v59 =	vor.u32 v2, v9;
	v8 =	vld.idx.msk [tilespmem:v11+s12+$0x0], $0xffff  }
0x8b: {  	v60 =	vor.u32 s4, v6;
	_ =	sdelay $0x3  }
0x8c: {  	[tilespmem:v59+s19+$0x0] =	vst.idx.msk $0xffff, v8  }
0x8d: {  	v61 =	vor.u32 v3, v9;
	v8 =	vld.idx.msk [tilespmem:v60+s12+$0x0], $0xffff  }
0x8e: {  	v62 =	vor.u32 s4, v7;
	_ =	sdelay $0x3  }
0x8f: {  	[tilespmem:v61+s19+$0x0] =	vst.idx.msk $0xffff, v8  }
0x90: {  	v9 =	vor.u32 v4, v9;
	v8 =	vld.idx.msk [tilespmem:v62+s12+$0x0], $0xffff;
	_ =	sdelay $0x2  }
0x91: {  	s3 =	sand.u32 $0xFFFFF80, s25  }
0x92: {  	s15 =	sand.u32 $0x7F, s28;
	s28 =	sadd.s32 $0xFFFFFFF2, s31;
	s26 =	simm.s32 $0x400  }
0x93: {  	s9 =	sadd.s32 s1, s3;
	s11 =	simm.s32 $0x7A1400;
	s14 =	simm.s32 $0x2;
	[tilespmem:v9+s19+$0x0] =	vst.idx.msk $0xffff, v8;
	v8 =	vor.u32 s15, v0  }
0x94: {  	v63 =	vmov s28;
	[tilespmem:s12], [sflag:$0x1] =	stream.strided.gather [hbm4b:s9+s26], $0x2000, s11, s26, $0x38;
	[tilespmem:$0x14180] =	vst v63  }
0x95: {  	v12 =	vshll.u32 v63, $0x3;
	_ =	swait.ge [sflag:s14], $0x2000  }
0x96: {  	v10 =	vand.u32 $0x400, v12;
	v9 =	vand.u32 $0x71, v63;
	[sflag:s14] =	ssyncset.done $0x0  }
0x97: {  	s13 =	simm.s32 $0x2180;
	v9 =	vor.u32 v9, v10;
	[sflag:s14] =	ssyncadd.s32 $0xFFFFE000  }
0x98: {  	v10 =	vor.u32 v1, v9;
	v8 =	vld.idx.msk [tilespmem:v8+s13+$0x0], $0xffff  }
0x99: {  	v13 =	vor.u32 s15, v5;
	_ =	sdelay $0x3  }
0x9a: {  	[tilespmem:v10+s19+$0x0] =	vst.idx.msk $0xffff, v8  }
0x9b: {  	v14 =	vor.u32 v2, v9;
	v8 =	vld.idx.msk [tilespmem:v13+s13+$0x0], $0xffff  }
0x9c: {  	v15 =	vor.u32 s15, v6;
	_ =	sdelay $0x3  }
0x9d: {  	[tilespmem:v14+s19+$0x0] =	vst.idx.msk $0xffff, v8  }
0x9e: {  	v16 =	vor.u32 v3, v9;
	v8 =	vld.idx.msk [tilespmem:v15+s13+$0x0], $0xffff  }
0x9f: {  	v17 =	vor.u32 s15, v7;
	_ =	sdelay $0x3  }
0xa0: {  	[tilespmem:v16+s19+$0x0] =	vst.idx.msk $0xffff, v8  }
0xa1: {  	v9 =	vor.u32 v4, v9;
	v8 =	vld.idx.msk [tilespmem:v17+s13+$0x0], $0xffff;
	_ =	sdelay $0x3  }
0xa2: {  	s8 =	sand.u32 $0x7F, s29;
	s15 =	sand.u32 $0xFFFFF80, s24  }
0xa3: {  	s28 =	sadd.s32 $0xFFFFFFF3, s31;
	s9 =	sadd.s32 s1, s15;
	s15 =	simm.s32 $0x3;
	[tilespmem:v9+s19+$0x0] =	vst.idx.msk $0xffff, v8;
	v8 =	vor.u32 s8, v0  }
0xa4: {  	v18 =	vmov s28;
	[tilespmem:s13], [sflag:$0x2] =	stream.strided.gather [hbm4b:s9+s26], $0x2000, s11, s26, $0x38;
	[tilespmem:$0x14180] =	vst v63  }
0xa5: {  	v19 =	vshll.u32 v18, $0x3;
	_ =	swait.ge [sflag:s15], $0x2000  }
0xa6: {  	v10 =	vand.u32 $0x400, v19;
	v9 =	vand.u32 $0x72, v18;
	[sflag:s15] =	ssyncset.done $0x0  }
0xa7: {  	s28 =	simm.s32 $0x4180;
	v9 =	vor.u32 v9, v10;
	[sflag:s15] =	ssyncadd.s32 $0xFFFFE000  }
0xa8: {  	v10 =	vor.u32 v1, v9;
	v8 =	vld.idx.msk [tilespmem:v8+s28+$0x0], $0xffff  }
0xa9: {  	v20 =	vor.u32 s8, v5;
	_ =	sdelay $0x3  }
0xaa: {  	[tilespmem:v10+s19+$0x0] =	vst.idx.msk $0xffff, v8  }
0xab: {  	v21 =	vor.u32 v2, v9;
	v8 =	vld.idx.msk [tilespmem:v20+s28+$0x0], $0xffff  }
0xac: {  	v22 =	vor.u32 s8, v6;
	_ =	sdelay $0x3  }
0xad: {  	[tilespmem:v21+s19+$0x0] =	vst.idx.msk $0xffff, v8  }
0xae: {  	v23 =	vor.u32 v3, v9;
	v8 =	vld.idx.msk [tilespmem:v22+s28+$0x0], $0xffff  }
0xaf: {  	v24 =	vor.u32 s8, v7;
	_ =	sdelay $0x3  }
0xb0: {  	[tilespmem:v23+s19+$0x0] =	vst.idx.msk $0xffff, v8  }
0xb1: {  	v9 =	vor.u32 v4, v9;
	v8 =	vld.idx.msk [tilespmem:v24+s28+$0x0], $0xffff;
	_ =	sdelay $0x3  }
0xb2: {  	s4 =	sand.u32 $0x7F, s5;
	s3 =	sand.u32 $0xFFFFF80, s23;
	s8 =	sadd.s32 $0xFFFFFFF4, s31  }
0xb3: {  	s5 =	sadd.s32 s1, s3;
	v25 =	vmov s8;
	s8 =	simm.s32 $0x4;
	[tilespmem:v9+s19+$0x0] =	vst.idx.msk $0xffff, v8;
	v8 =	vor.u32 s4, v0  }
0xb4: {  	[tilespmem:s28], [sflag:$0x3] =	stream.strided.gather [hbm4b:s5+s26], $0x2000, s11, s26, $0x38;
	[tilespmem:$0x14180] =	vst v63  }
0xb5: {  	v26 =	vshll.u32 v25, $0x3;
	_ =	swait.ge [sflag:s8], $0x2000  }
0xb6: {  	v10 =	vand.u32 $0x400, v26;
	v9 =	vand.u32 $0x73, v25;
	[sflag:s8] =	ssyncset.done $0x0  }
0xb7: {  	s29 =	simm.s32 $0x6180;
	v9 =	vor.u32 v9, v10;
	[sflag:s8] =	ssyncadd.s32 $0xFFFFE000  }
0xb8: {  	v10 =	vor.u32 v1, v9;
	v8 =	vld.idx.msk [tilespmem:v8+s29+$0x0], $0xffff  }
0xb9: {  	v27 =	vor.u32 s4, v5;
	_ =	sdelay $0x3  }
0xba: {  	[tilespmem:v10+s19+$0x0] =	vst.idx.msk $0xffff, v8  }
0xbb: {  	v28 =	vor.u32 v2, v9;
	v8 =	vld.idx.msk [tilespmem:v27+s29+$0x0], $0xffff  }
0xbc: {  	v29 =	vor.u32 s4, v6;
	_ =	sdelay $0x3  }
0xbd: {  	[tilespmem:v28+s19+$0x0] =	vst.idx.msk $0xffff, v8  }
0xbe: {  	v30 =	vor.u32 v3, v9;
	v8 =	vld.idx.msk [tilespmem:v29+s29+$0x0], $0xffff  }
0xbf: {  	v31 =	vor.u32 s4, v7;
	_ =	sdelay $0x3  }
0xc0: {  	[tilespmem:v30+s19+$0x0] =	vst.idx.msk $0xffff, v8  }
0xc1: {  	v9 =	vor.u32 v4, v9;
	v8 =	vld.idx.msk [tilespmem:v31+s29+$0x0], $0xffff;
	_ =	sdelay $0x2  }
0xc2: {  	s16 =	sand.u32 $0xFFFFF80, s16  }
0xc3: {  	s3 =	sadd.s32 $0xFFFFFFF5, s31;
	s9 =	smov.u32 s0;
	s4 =	sand.u32 $0x7F, s6  }
0xc4: {  	s0 =	simm.s32 $0x5;
	s5 =	sadd.s32 s1, s16;
	[dreg:$0x18] =	wrdreg s9;
	[tilespmem:v9+s19+$0x0] =	vst.idx.msk $0xffff, v8;
	v8 =	vor.u32 s4, v0  }
0xc5: {  	v32 =	vmov s3;
	[tilespmem:s29], [sflag:$0x4] =	stream.strided.gather [hbm4b:s5+s26], $0x2000, s11, s26, $0x38;
	[tilespmem:$0x14180] =	vst v63  }
0xc6: {  	v33 =	vshll.u32 v32, $0x3;
	_ =	swait.ge [sflag:s0], $0x2000  }
0xc7: {  	v10 =	vand.u32 $0x400, v33;
	v9 =	vand.u32 $0x74, v32;
	[sflag:s0] =	ssyncset.done $0x0  }
0xc8: {  	s16 =	simm.s32 $0x8180;
	v9 =	vor.u32 v9, v10;
	[sflag:s0] =	ssyncadd.s32 $0xFFFFE000  }
0xc9: {  	v10 =	vor.u32 v1, v9;
	v8 =	vld.idx.msk [tilespmem:v8+s16+$0x0], $0xffff  }
0xca: {  	v34 =	vor.u32 s4, v5;
	_ =	sdelay $0x3  }
0xcb: {  	[tilespmem:v10+s19+$0x0] =	vst.idx.msk $0xffff, v8  }
0xcc: {  	v35 =	vor.u32 v2, v9;
	v8 =	vld.idx.msk [tilespmem:v34+s16+$0x0], $0xffff  }
0xcd: {  	v36 =	vor.u32 s4, v6;
	_ =	sdelay $0x3  }
0xce: {  	[tilespmem:v35+s19+$0x0] =	vst.idx.msk $0xffff, v8  }
0xcf: {  	v37 =	vor.u32 v3, v9;
	v8 =	vld.idx.msk [tilespmem:v36+s16+$0x0], $0xffff  }
0xd0: {  	v38 =	vor.u32 s4, v7;
	_ =	sdelay $0x3  }
0xd1: {  	[tilespmem:v37+s19+$0x0] =	vst.idx.msk $0xffff, v8  }
0xd2: {  	v9 =	vor.u32 v4, v9;
	v8 =	vld.idx.msk [tilespmem:v38+s16+$0x0], $0xffff;
	_ =	sdelay $0x3  }
0xd3: {  	s7 =	sand.u32 $0x7F, s7;
	s17 =	sand.u32 $0xFFFFF80, s17;
	s3 =	sadd.s32 $0xFFFFFFF6, s31  }
0xd4: {  	v39 =	vmov s3;
	s3 =	simm.s32 $0x6;
	s5 =	sadd.s32 s1, s17;
	[tilespmem:v9+s19+$0x0] =	vst.idx.msk $0xffff, v8;
	v8 =	vor.u32 s7, v0  }
0xd5: {  	[tilespmem:s16], [sflag:$0x5] =	stream.strided.gather [hbm4b:s5+s26], $0x2000, s11, s26, $0x38;
	[tilespmem:$0x14180] =	vst v63  }
0xd6: {  	v40 =	vshll.u32 v39, $0x3;
	_ =	swait.ge [sflag:s3], $0x2000  }
0xd7: {  	v10 =	vand.u32 $0x400, v40;
	v9 =	vand.u32 $0x75, v39;
	[sflag:s3] =	ssyncset.done $0x0  }
0xd8: {  	s17 =	simm.s32 $0xA180;
	v9 =	vor.u32 v9, v10;
	[sflag:s3] =	ssyncadd.s32 $0xFFFFE000  }
0xd9: {  	v10 =	vor.u32 v1, v9;
	v8 =	vld.idx.msk [tilespmem:v8+s17+$0x0], $0xffff  }
0xda: {  	v41 =	vor.u32 s7, v5;
	_ =	sdelay $0x3  }
0xdb: {  	[tilespmem:v10+s19+$0x0] =	vst.idx.msk $0xffff, v8  }
0xdc: {  	v42 =	vor.u32 v2, v9;
	v8 =	vld.idx.msk [tilespmem:v41+s17+$0x0], $0xffff  }
0xdd: {  	v43 =	vor.u32 s7, v6;
	_ =	sdelay $0x3  }
0xde: {  	[tilespmem:v42+s19+$0x0] =	vst.idx.msk $0xffff, v8  }
0xdf: {  	v44 =	vor.u32 v3, v9;
	v8 =	vld.idx.msk [tilespmem:v43+s17+$0x0], $0xffff  }
0xe0: {  	v45 =	vor.u32 s7, v7;
	_ =	sdelay $0x3  }
0xe1: {  	[tilespmem:v44+s19+$0x0] =	vst.idx.msk $0xffff, v8  }
0xe2: {  	v9 =	vor.u32 v4, v9;
	v8 =	vld.idx.msk [tilespmem:v45+s17+$0x0], $0xffff;
	_ =	sdelay $0x3  }
0xe3: {  	s4 =	sand.u32 $0x7F, s30;
	s7 =	sand.u32 $0xFFFFF80, s21;
	s21 =	sadd.s32 $0xFFFFFFF7, s31  }
0xe4: {  	s5 =	sadd.s32 s1, s7;
	v46 =	vmov s21;
	s21 =	simm.s32 $0x7;
	[tilespmem:v9+s19+$0x0] =	vst.idx.msk $0xffff, v8;
	v8 =	vor.u32 s4, v0  }
0xe5: {  	[tilespmem:s17], [sflag:$0x6] =	stream.strided.gather [hbm4b:s5+s26], $0x2000, s11, s26, $0x38;
	[tilespmem:$0x14180] =	vst v63  }
0xe6: {  	v47 =	vshll.u32 v46, $0x3;
	_ =	swait.ge [sflag:s21], $0x2000  }
0xe7: {  	v10 =	vand.u32 $0x400, v47;
	v9 =	vand.u32 $0x76, v46;
	[sflag:s21] =	ssyncset.done $0x0  }
0xe8: {  	s30 =	simm.s32 $0xC180;
	v9 =	vor.u32 v9, v10;
	[sflag:s21] =	ssyncadd.s32 $0xFFFFE000  }
0xe9: {  	v10 =	vor.u32 v1, v9;
	v8 =	vld.idx.msk [tilespmem:v8+s30+$0x0], $0xffff  }
0xea: {  	v48 =	vor.u32 s4, v5;
	_ =	sdelay $0x3  }
0xeb: {  	[tilespmem:v10+s19+$0x0] =	vst.idx.msk $0xffff, v8  }
0xec: {  	v49 =	vor.u32 v2, v9;
	v8 =	vld.idx.msk [tilespmem:v48+s30+$0x0], $0xffff  }
0xed: {  	v50 =	vor.u32 s4, v6;
	_ =	sdelay $0x3  }
0xee: {  	[tilespmem:v49+s19+$0x0] =	vst.idx.msk $0xffff, v8  }
0xef: {  	v51 =	vor.u32 v3, v9;
	v8 =	vld.idx.msk [tilespmem:v50+s30+$0x0], $0xffff  }
0xf0: {  	v52 =	vor.u32 s4, v7;
	_ =	sdelay $0x3  }
0xf1: {  	[tilespmem:v51+s19+$0x0] =	vst.idx.msk $0xffff, v8  }
0xf2: {  	v9 =	vor.u32 v4, v9;
	v8 =	vld.idx.msk [tilespmem:v52+s30+$0x0], $0xffff;
	_ =	sdelay $0x3  }
0xf3: {  	s18 =	sand.u32 $0x7F, s18;
	s7 =	sand.u32 $0xFFFFF80, s20  }
0xf4: {  	s20 =	sadd.s32 $0xFFFFFFF8, s31;
	s4 =	sadd.s32 s1, s7;
	[tilespmem:v9+s19+$0x0] =	vst.idx.msk $0xffff, v8;
	v8 =	vor.u32 s18, v0  }
0xf5: {  	v53 =	vmov s20;
	[tilespmem:s30], [sflag:$0x7] =	stream.strided.gather [hbm4b:s4+s26], $0x2000, s11, s26, $0x38;
	[tilespmem:$0x14180] =	vst v63  }
0xf6: {  	v54 =	vshll.u32 v53, $0x3;
	_ =	swait.ge [sflag:s22], $0x2000  }
0xf7: {  	v10 =	vand.u32 $0x400, v54;
	v9 =	vand.u32 $0x77, v53;
	[sflag:s22] =	ssyncset.done $0x0  }
0xf8: {  	s20 =	simm.s32 $0xE180;
	v9 =	vor.u32 v9, v10;
	[sflag:s22] =	ssyncadd.s32 $0xFFFFE000  }
0xf9: {  	v10 =	vor.u32 v1, v9;
	v8 =	vld.idx.msk [tilespmem:v8+s20+$0x0], $0xffff  }
0xfa: {  	v55 =	vor.u32 s18, v5;
	_ =	sdelay $0x3  }
0xfb: {  	[tilespmem:v10+s19+$0x0] =	vst.idx.msk $0xffff, v8  }
0xfc: {  	v56 =	vor.u32 v2, v9;
	v8 =	vld.idx.msk [tilespmem:v55+s20+$0x0], $0xffff  }
0xfd: {  	v57 =	vor.u32 s18, v6;
	_ =	sdelay $0x3  }
0xfe: {  	[tilespmem:v56+s19+$0x0] =	vst.idx.msk $0xffff, v8  }
0xff: {  	v58 =	vor.u32 v3, v9;
	v8 =	vld.idx.msk [tilespmem:v57+s20+$0x0], $0xffff  }
0x100: {  	v59 =	vor.u32 s18, v7;
	_ =	sdelay $0x3  }
0x101: {  	[tilespmem:v58+s19+$0x0] =	vst.idx.msk $0xffff, v8  }
0x102: {  	v9 =	vor.u32 v4, v9;
	v8 =	vld.idx.msk [tilespmem:v59+s20+$0x0], $0xffff;
	_ =	sdelay $0x3  }
0x103: {  	s6 =	sand.u32 $0xFFFFF80, s9;
	s7 =	sand.u32 $0x7F, s25  }
0x104: {  	s9 =	sadd.s32 $0xFFFFFFF9, s31;
	s4 =	sadd.s32 s1, s6;
	[tilespmem:v9+s19+$0x0] =	vst.idx.msk $0xffff, v8;
	v8 =	vor.u32 s7, v0  }
0x105: {  	v60 =	vmov s9;
	[tilespmem:s20], [sflag:$0x8] =	stream.strided.gather [hbm4b:s4+s26], $0x2000, s11, s26, $0x38;
	[tilespmem:$0x14180] =	vst v63  }
0x106: {  	v61 =	vshll.u32 v60, $0x3;
	_ =	swait.ge [sflag:s10], $0x2000  }
0x107: {  	v10 =	vand.u32 $0x400, v61;
	v9 =	vand.u32 $0x78, v60;
	[sflag:s10] =	ssyncset.done $0x0  }
0x108: {  	v9 =	vor.u32 v9, v10;
	[sflag:s10] =	ssyncadd.s32 $0xFFFFE000  }
0x109: {  	v10 =	vor.u32 v1, v9;
	v8 =	vld.idx.msk [tilespmem:v8+s12+$0x0], $0xffff  }
0x10a: {  	v62 =	vor.u32 s7, v5;
	_ =	sdelay $0x3  }
0x10b: {  	[tilespmem:v10+s19+$0x0] =	vst.idx.msk $0xffff, v8  }
0x10c: {  	v63 =	vor.u32 v2, v9;
	v8 =	vld.idx.msk [tilespmem:v62+s12+$0x0], $0xffff  }
0x10d: {  	v12 =	vor.u32 s7, v6;
	_ =	sdelay $0x3  }
0x10e: {  	[tilespmem:v63+s19+$0x0] =	vst.idx.msk $0xffff, v8  }
0x10f: {  	v13 =	vor.u32 v3, v9;
	v8 =	vld.idx.msk [tilespmem:v12+s12+$0x0], $0xffff  }
0x110: {  	v14 =	vor.u32 s7, v7;
	_ =	sdelay $0x3  }
0x111: {  	[tilespmem:v13+s19+$0x0] =	vst.idx.msk $0xffff, v8  }
0x112: {  	v9 =	vor.u32 v4, v9;
	v8 =	vld.idx.msk [tilespmem:v14+s12+$0x0], $0xffff;
	_ =	sdelay $0x1  }
0x113: {  	p0 =	seq.s32 s31, $0xFF  }
0x114: {  	s18 =	simm.s32 @!p0 $0x180;
	s10 =	rddreg [dreg:$0x17]  }
0x115: {  	s6 =	simm.s32 @!p0 $0x400;
	s4 =	sand.u32 @!p0 $0xFFFFF80, s10;
	s12 =	sand.u32 $0x7F, s24  }
0x116: {  	s7 =	simm.s32 @!p0 $0x7A1400;
	s11 =	sadd.s32 $0xFFFFFFFA, s31;
	s4 =	sadd.s32 @!p0 s1, s4;
	[tilespmem:v9+s19+$0x0] =	vst.idx.msk $0xffff, v8;
	v8 =	vor.u32 s12, v0  }
0x117: {  	v15 =	vmov s11;
	[tilespmem:s18], [sflag:$0x1] =	stream.strided.gather @!p0 [hbm4b:s4+s6], $0x2000, s7, s6, $0x38;
	[tilespmem:$0x14180] =	vst v63  }
0x118: {  	v16 =	vshll.u32 v15, $0x3;
	_ =	swait.ge [sflag:s14], $0x2000  }
0x119: {  	v10 =	vand.u32 $0x400, v16;
	v9 =	vand.u32 $0x79, v15;
	[sflag:s14] =	ssyncset.done $0x0  }
0x11a: {  	v9 =	vor.u32 v9, v10;
	[sflag:s14] =	ssyncadd.s32 $0xFFFFE000  }
0x11b: {  	v10 =	vor.u32 v1, v9;
	v8 =	vld.idx.msk [tilespmem:v8+s13+$0x0], $0xffff  }
0x11c: {  	v17 =	vor.u32 s12, v5;
	_ =	sdelay $0x3  }
0x11d: {  	[tilespmem:v10+s19+$0x0] =	vst.idx.msk $0xffff, v8  }
0x11e: {  	v18 =	vor.u32 v2, v9;
	v8 =	vld.idx.msk [tilespmem:v17+s13+$0x0], $0xffff  }
0x11f: {  	v19 =	vor.u32 s12, v6;
	_ =	sdelay $0x3  }
0x120: {  	[tilespmem:v18+s19+$0x0] =	vst.idx.msk $0xffff, v8  }
0x121: {  	v20 =	vor.u32 v3, v9;
	v8 =	vld.idx.msk [tilespmem:v19+s13+$0x0], $0xffff  }
0x122: {  	v21 =	vor.u32 s12, v7;
	_ =	sdelay $0x3  }
0x123: {  	[tilespmem:v20+s19+$0x0] =	vst.idx.msk $0xffff, v8  }
0x124: {  	v9 =	vor.u32 v4, v9;
	v8 =	vld.idx.msk [tilespmem:v21+s13+$0x0], $0xffff;
	_ =	sdelay $0x2  }
0x125: {  	s11 =	rddreg [dreg:$0x16]  }
0x126: {  	s23 =	sand.u32 $0x7F, s23;
	s4 =	sand.u32 @!p0 $0xFFFFF80, s11  }
0x127: {  	s24 =	sadd.s32 $0xFFFFFFFB, s31;
	s18 =	simm.s32 @!p0 $0x2180;
	s4 =	sadd.s32 @!p0 s1, s4;
	[tilespmem:v9+s19+$0x0] =	vst.idx.msk $0xffff, v8;
	v8 =	vor.u32 s23, v0  }
0x128: {  	v22 =	vmov s24;
	[tilespmem:s18], [sflag:$0x2] =	stream.strided.gather @!p0 [hbm4b:s4+s6], $0x2000, s7, s6, $0x38;
	[tilespmem:$0x14180] =	vst v63  }
0x129: {  	v23 =	vshll.u32 v22, $0x3;
	_ =	swait.ge [sflag:s15], $0x2000  }
0x12a: {  	v10 =	vand.u32 $0x400, v23;
	v9 =	vand.u32 $0x7A, v22;
	[sflag:s15] =	ssyncset.done $0x0  }
0x12b: {  	v9 =	vor.u32 v9, v10;
	[sflag:s15] =	ssyncadd.s32 $0xFFFFE000  }
0x12c: {  	v10 =	vor.u32 v1, v9;
	v8 =	vld.idx.msk [tilespmem:v8+s28+$0x0], $0xffff  }
0x12d: {  	v24 =	vor.u32 s23, v5;
	_ =	sdelay $0x3  }
0x12e: {  	[tilespmem:v10+s19+$0x0] =	vst.idx.msk $0xffff, v8  }
0x12f: {  	v25 =	vor.u32 v2, v9;
	v8 =	vld.idx.msk [tilespmem:v24+s28+$0x0], $0xffff  }
0x130: {  	v26 =	vor.u32 s23, v6;
	_ =	sdelay $0x3  }
0x131: {  	[tilespmem:v25+s19+$0x0] =	vst.idx.msk $0xffff, v8  }
0x132: {  	v27 =	vor.u32 v3, v9;
	v8 =	vld.idx.msk [tilespmem:v26+s28+$0x0], $0xffff  }
0x133: {  	v28 =	vor.u32 s23, v7;
	_ =	sdelay $0x3  }
0x134: {  	[tilespmem:v27+s19+$0x0] =	vst.idx.msk $0xffff, v8  }
0x135: {  	v9 =	vor.u32 v4, v9;
	v8 =	vld.idx.msk [tilespmem:v28+s28+$0x0], $0xffff;
	_ =	sdelay $0x1  }
0x136: {  	s12 =	rddreg [dreg:$0x15]  }
0x137: {  	s25 =	rddreg [dreg:$0x1c]  }
0x138: {  	s4 =	sand.u32 @!p0 $0xFFFFF80, s12;
	s5 =	sand.u32 $0x7F, s25  }
0x139: {  	s26 =	sadd.s32 $0xFFFFFFFC, s31;
	s18 =	simm.s32 @!p0 $0x4180;
	s4 =	sadd.s32 @!p0 s1, s4;
	[tilespmem:v9+s19+$0x0] =	vst.idx.msk $0xffff, v8;
	v8 =	vor.u32 s5, v0  }
0x13a: {  	v29 =	vmov s26;
	[tilespmem:s18], [sflag:$0x3] =	stream.strided.gather @!p0 [hbm4b:s4+s6], $0x2000, s7, s6, $0x38;
	[tilespmem:$0x14180] =	vst v63  }
0x13b: {  	v30 =	vshll.u32 v29, $0x3;
	_ =	swait.ge [sflag:s8], $0x2000  }
0x13c: {  	v10 =	vand.u32 $0x400, v30;
	v9 =	vand.u32 $0x7B, v29;
	[sflag:s8] =	ssyncset.done $0x0  }
0x13d: {  	v9 =	vor.u32 v9, v10;
	[sflag:s8] =	ssyncadd.s32 $0xFFFFE000  }
0x13e: {  	v10 =	vor.u32 v1, v9;
	v8 =	vld.idx.msk [tilespmem:v8+s29+$0x0], $0xffff  }
0x13f: {  	v31 =	vor.u32 s5, v5;
	_ =	sdelay $0x3  }
0x140: {  	[tilespmem:v10+s19+$0x0] =	vst.idx.msk $0xffff, v8  }
0x141: {  	v32 =	vor.u32 v2, v9;
	v8 =	vld.idx.msk [tilespmem:v31+s29+$0x0], $0xffff  }
0x142: {  	v33 =	vor.u32 s5, v6;
	_ =	sdelay $0x3  }
0x143: {  	[tilespmem:v32+s19+$0x0] =	vst.idx.msk $0xffff, v8  }
0x144: {  	v34 =	vor.u32 v3, v9;
	v8 =	vld.idx.msk [tilespmem:v33+s29+$0x0], $0xffff  }
0x145: {  	v35 =	vor.u32 s5, v7;
	_ =	sdelay $0x3  }
0x146: {  	[tilespmem:v34+s19+$0x0] =	vst.idx.msk $0xffff, v8  }
0x147: {  	v9 =	vor.u32 v4, v9;
	v8 =	vld.idx.msk [tilespmem:v35+s29+$0x0], $0xffff;
	_ =	sdelay $0x1  }
0x148: {  	s9 =	rddreg [dreg:$0x1b]  }
0x149: {  	s8 =	rddreg [dreg:$0x14]  }
0x14a: {  	s5 =	sand.u32 $0x7F, s9;
	s4 =	sand.u32 @!p0 $0xFFFFF80, s8  }
0x14b: {  	s13 =	sadd.s32 $0xFFFFFFFD, s31;
	s18 =	simm.s32 @!p0 $0x6180;
	s4 =	sadd.s32 @!p0 s1, s4;
	[tilespmem:v9+s19+$0x0] =	vst.idx.msk $0xffff, v8;
	v8 =	vor.u32 s5, v0  }
0x14c: {  	v36 =	vmov s13;
	[tilespmem:s18], [sflag:$0x4] =	stream.strided.gather @!p0 [hbm4b:s4+s6], $0x2000, s7, s6, $0x38;
	[tilespmem:$0x14180] =	vst v63  }
0x14d: {  	v37 =	vshll.u32 v36, $0x3;
	_ =	swait.ge [sflag:s0], $0x2000  }
0x14e: {  	v10 =	vand.u32 $0x400, v37;
	v9 =	vand.u32 $0x7C, v36;
	[sflag:s0] =	ssyncset.done $0x0  }
0x14f: {  	v9 =	vor.u32 v9, v10;
	[sflag:s0] =	ssyncadd.s32 $0xFFFFE000  }
0x150: {  	v10 =	vor.u32 v1, v9;
	v8 =	vld.idx.msk [tilespmem:v8+s16+$0x0], $0xffff  }
0x151: {  	v38 =	vor.u32 s5, v5;
	_ =	sdelay $0x3  }
0x152: {  	[tilespmem:v10+s19+$0x0] =	vst.idx.msk $0xffff, v8  }
0x153: {  	v39 =	vor.u32 v2, v9;
	v8 =	vld.idx.msk [tilespmem:v38+s16+$0x0], $0xffff  }
0x154: {  	v40 =	vor.u32 s5, v6;
	_ =	sdelay $0x3  }
0x155: {  	[tilespmem:v39+s19+$0x0] =	vst.idx.msk $0xffff, v8  }
0x156: {  	v41 =	vor.u32 v3, v9;
	v8 =	vld.idx.msk [tilespmem:v40+s16+$0x0], $0xffff  }
0x157: {  	v42 =	vor.u32 s5, v7;
	_ =	sdelay $0x3  }
0x158: {  	[tilespmem:v41+s19+$0x0] =	vst.idx.msk $0xffff, v8  }
0x159: {  	v9 =	vor.u32 v4, v9;
	v8 =	vld.idx.msk [tilespmem:v42+s16+$0x0], $0xffff;
	_ =	sdelay $0x1  }
0x15a: {  	s13 =	rddreg [dreg:$0x13]  }
0x15b: {  	s14 =	rddreg [dreg:$0x19]  }
0x15c: {  	s4 =	sand.u32 @!p0 $0xFFFFF80, s13;
	s15 =	sand.u32 $0x7F, s14  }
0x15d: {  	s18 =	simm.s32 @!p0 $0x8180;
	s4 =	sadd.s32 @!p0 s1, s4;
	s16 =	sadd.s32 $0xFFFFFFFE, s31;
	[tilespmem:v9+s19+$0x0] =	vst.idx.msk $0xffff, v8;
	v8 =	vor.u32 s15, v0  }
0x15e: {  	v43 =	vmov s16;
	[tilespmem:s18], [sflag:$0x5] =	stream.strided.gather @!p0 [hbm4b:s4+s6], $0x2000, s7, s6, $0x38;
	[tilespmem:$0x14180] =	vst v63  }
0x15f: {  	v44 =	vshll.u32 v43, $0x3;
	_ =	swait.ge [sflag:s3], $0x2000  }
0x160: {  	v10 =	vand.u32 $0x400, v44;
	v9 =	vand.u32 $0x7D, v43;
	[sflag:s3] =	ssyncset.done $0x0  }
0x161: {  	v9 =	vor.u32 v9, v10;
	[sflag:s3] =	ssyncadd.s32 $0xFFFFE000  }
0x162: {  	v10 =	vor.u32 v1, v9;
	v8 =	vld.idx.msk [tilespmem:v8+s17+$0x0], $0xffff  }
0x163: {  	v45 =	vor.u32 s15, v5;
	_ =	sdelay $0x3  }
0x164: {  	[tilespmem:v10+s19+$0x0] =	vst.idx.msk $0xffff, v8  }
0x165: {  	v46 =	vor.u32 v2, v9;
	v8 =	vld.idx.msk [tilespmem:v45+s17+$0x0], $0xffff  }
0x166: {  	v47 =	vor.u32 s15, v6;
	_ =	sdelay $0x3  }
0x167: {  	[tilespmem:v46+s19+$0x0] =	vst.idx.msk $0xffff, v8  }
0x168: {  	v48 =	vor.u32 v3, v9;
	v8 =	vld.idx.msk [tilespmem:v47+s17+$0x0], $0xffff  }
0x169: {  	v49 =	vor.u32 s15, v7;
	_ =	sdelay $0x3  }
0x16a: {  	[tilespmem:v48+s19+$0x0] =	vst.idx.msk $0xffff, v8  }
0x16b: {  	v9 =	vor.u32 v4, v9;
	v8 =	vld.idx.msk [tilespmem:v49+s17+$0x0], $0xffff;
	_ =	sdelay $0x1  }
0x16c: {  	s14 =	rddreg [dreg:$0x12]  }
0x16d: {  	s23 =	rddreg [dreg:$0x1a]  }
0x16e: {  	s4 =	sand.u32 @!p0 $0xFFFFF80, s14;
	s24 =	sand.u32 $0x7F, s23  }
0x16f: {  	s25 =	sadd.s32 $0xFFFFFFFF, s31;
	s9 =	simm.s32 @!p0 $0xA180;
	s4 =	sadd.s32 @!p0 s1, s4;
	[tilespmem:v9+s19+$0x0] =	vst.idx.msk $0xffff, v8;
	v8 =	vor.u32 s24, v0  }
0x170: {  	v50 =	vmov s25;
	[tilespmem:s9], [sflag:$0x6] =	stream.strided.gather @!p0 [hbm4b:s4+s6], $0x2000, s7, s6, $0x38;
	[tilespmem:$0x14180] =	vst v63  }
0x171: {  	v51 =	vshll.u32 v50, $0x3;
	_ =	swait.ge [sflag:s21], $0x2000  }
0x172: {  	v10 =	vand.u32 $0x400, v51;
	v9 =	vand.u32 $0x7E, v50;
	[sflag:s21] =	ssyncset.done $0x0  }
0x173: {  	v9 =	vor.u32 v9, v10;
	[sflag:s21] =	ssyncadd.s32 $0xFFFFE000  }
0x174: {  	v10 =	vor.u32 v1, v9;
	v8 =	vld.idx.msk [tilespmem:v8+s30+$0x0], $0xffff  }
0x175: {  	v52 =	vor.u32 s24, v5;
	_ =	sdelay $0x3  }
0x176: {  	[tilespmem:v10+s19+$0x0] =	vst.idx.msk $0xffff, v8  }
0x177: {  	v53 =	vor.u32 v2, v9;
	v8 =	vld.idx.msk [tilespmem:v52+s30+$0x0], $0xffff  }
0x178: {  	v54 =	vor.u32 s24, v6;
	_ =	sdelay $0x3  }
0x179: {  	[tilespmem:v53+s19+$0x0] =	vst.idx.msk $0xffff, v8  }
0x17a: {  	v55 =	vor.u32 v3, v9;
	v8 =	vld.idx.msk [tilespmem:v54+s30+$0x0], $0xffff  }
0x17b: {  	v56 =	vor.u32 s24, v7;
	_ =	sdelay $0x3  }
0x17c: {  	[tilespmem:v55+s19+$0x0] =	vst.idx.msk $0xffff, v8  }
0x17d: {  	v9 =	vor.u32 v4, v9;
	v8 =	vld.idx.msk [tilespmem:v56+s30+$0x0], $0xffff;
	_ =	sdelay $0x1  }
0x17e: {  	s26 =	rddreg [dreg:$0x18]  }
0x17f: {  	s30 =	rddreg [dreg:$0x11]  }
0x180: {  	s0 =	sand.u32 $0x7F, s26;
	s3 =	sand.u32 @!p0 $0xFFFFF80, s30  }
0x181: {  	s4 =	simm.s32 @!p0 $0xC180;
	s3 =	sadd.s32 @!p0 s1, s3;
	[tilespmem:v9+s19+$0x0] =	vst.idx.msk $0xffff, v8;
	v8 =	vor.u32 s0, v0  }
0x182: {  	v57 =	vmov s31;
	[tilespmem:s4], [sflag:$0x7] =	stream.strided.gather @!p0 [hbm4b:s3+s6], $0x2000, s7, s6, $0x38;
	[tilespmem:$0x14180] =	vst v63  }
0x183: {  	v58 =	vshll.u32 v57, $0x3;
	_ =	swait.ge [sflag:s22], $0x2000  }
0x184: {  	v10 =	vand.u32 $0x400, v58;
	v9 =	vand.u32 $0x7F, v57;
	[sflag:s22] =	ssyncset.done $0x0  }
0x185: {  	v9 =	vor.u32 v9, v10;
	[sflag:s22] =	ssyncadd.s32 $0xFFFFE000  }
0x186: {  	v10 =	vor.u32 v1, v9;
	v8 =	vld.idx.msk [tilespmem:v8+s20+$0x0], $0xffff  }
0x187: {  	v59 =	vor.u32 s0, v5;
	_ =	sdelay $0x3  }
0x188: {  	[tilespmem:v10+s19+$0x0] =	vst.idx.msk $0xffff, v8  }
0x189: {  	v60 =	vor.u32 v2, v9;
	v8 =	vld.idx.msk [tilespmem:v59+s20+$0x0], $0xffff  }
0x18a: {  	v61 =	vor.u32 s0, v6;
	_ =	sdelay $0x3  }
0x18b: {  	[tilespmem:v60+s19+$0x0] =	vst.idx.msk $0xffff, v8  }
0x18c: {  	v62 =	vor.u32 v3, v9;
	v8 =	vld.idx.msk [tilespmem:v61+s20+$0x0], $0xffff  }
0x18d: {  	v63 =	vor.u32 s0, v7;
	_ =	sdelay $0x2  }
0x18e: {  	s18 =	rddreg [dreg:$0xf]  }
0x18f: {  	s21 =	rddreg [dreg:$0xd];
	[tilespmem:v62+s19+$0x0] =	vst.idx.msk $0xffff, v8  }
0x190: {  	s2 =	sadd.s32 @!p0 $0x10, s2;
	s31 =	sadd.s32 @!p0 $0x10, s31;
	v9 =	vor.u32 v4, v9;
	s17 =	rddreg [dreg:$0xc];
	v8 =	vld.idx.msk [tilespmem:v63+s20+$0x0], $0xffff  }
0x191: {  	s28 =	smov.u32 s11;
	p1 =	sne.s32 @!p0 s31, $0x10F;
	s16 =	rddreg [dreg:$0xb]  }
0x192: {  	s29 =	smov.u32 s12;
	p1 =	por p0, !p1;
	s23 =	rddreg [dreg:$0xa]  }
.Ltmp0:
0x193: {  	s5 =	smov.u32 s8;
	s24 =	rddreg [dreg:$0x9];
	(pc) =	sbr.rel @!p1 .LBB2_2-.Ltmp0, $4  }
0x194: {  	s3 =	simm.s32 @!p0 $0xE180;
	s25 =	rddreg [dreg:$0x8];
	s0 =	sand.u32 @!p0 $0xFFFFF80, s18  }
0x195: {  	s4 =	smov.u32 s10;
	s0 =	sadd.s32 @!p0 s1, s0;
	s20 =	rddreg [dreg:$0xe];
	[tilespmem:v9+s19+$0x0] =	vst.idx.msk $0xffff, v8  }
0x196: {  	[tilespmem:s3], [sflag:$0x8] =	stream.strided.gather @!p0 [hbm4b:s0+s6], $0x2000, s7, s6, $0x38;
	[tilespmem:$0x14180] =	vst v63  }
0x197: {  	s0 =	rddreg [dreg:$0x10];
	s7 =	smov.u32 s14;
	s6 =	smov.u32 s13  }
0x198: {  	s0 =	rddreg [dreg:$0x5];
	s2 =	simm.s32 $0x800;
	s3 =	simm.s32 $0x10000  }
0x199: {  	[hbm4b:s0+s2] =	stream.strided.scatter [tilespmem:s19], [sflag:$0x9], $0x4000, s3, s2, $0x38;
	[tilespmem:$0x14180] =	vst v63  }
0x19a: {  	s3 =	simm.s32 $0x9  }
0x19b: {  	_ =	swait.ge [sflag:s3], $0x4000  }
0x19c: {  	s30 =	rddreg [dreg:$0x7]  }
0x19d: {  	s31 =	rddreg [dreg:$0x6];
	s2 =	sadd.s32 $0x1, s30  }
0x19e: {  	p0 =	sne.s32 s2, s31  }
.Ltmp1:
0x19f: {  	_ = 	snop;
	(pc) =	sbr.rel @p0 .LBB2_1-.Ltmp1, $4  }
0x1a0: {  	s8 =	simm.s32 $0x400;
	s9 =	simm.s32 $0x7A1400;
	s5 =	simm.s32 $0x180  }
0x1a1: {  	s6 =	simm.s32 $0x2180;
	s7 =	simm.s32 $0x4180;
	s10 =	simm.s32 $0x6180  }
0x1a2: {  	s15 =	simm.s32 $0x8180;
	s16 =	simm.s32 $0xA180;
	[sflag:s3] =	ssyncset.done $0x0  }
0x1a3: {  	s17 =	simm.s32 $0xC180;
	s26 =	simm.s32 $0xE180;
	[sflag:s3] =	ssyncadd.s32 $0xFFFFC000  }
0x1a4: {  	_ =	sfence.sel $0x180000  }
0x1a5: {  	[bflag:$0x0] =	sbarrier.arrive $0xFFFF  }
0x1a6: {  	_ =	strace $0x90000047  }
0x1a7: {  	s0 =	stileid.u32;
	[bflag:$0x2] =	sbarrier.arrive $0xFFFF  }
0x1a8: {  	p0 =	sne.s32 s0, $0x0;
	s0 =	rddreg [dreg:$0x3]  }
0x1a9: {  	s0 =	sadd.s32 @!p0 $0x100000, s0  }
0x1aa: {  	[sflag:s0] =	ssyncadd.tile.s32 @!p0 $0x1;
	_ =	shalt  }
.Lfunc_end2:
_tile_overlayer_lowered:
.L_overlay_start_2:
0x1ab: {  	(tag) =	ssettag $0x2  }
0x1ac: {  	s0 =	rddreg [dreg:$0x0];
	s2 =	stileid.u32  }
0x1ad: {  	s1 =	rddreg [dreg:$0x1];
	p0 =	sne.s32 s2, $0x0  }
0x1ae: {  	s3 =	rddreg [dreg:$0x2];
	[bflag:$0x3] =	sbarrier.arrive $0xFFFF;
	s2 =	simm.s32 @!p0 $0x1C09  }
0x1af: {  	[timem:s3], [sflag:s2] =	dma.local @!p0 [hbm:s0], s1  }
0x1b0: {  	s0 =	simm.s32 @!p0 $0x9  }
0x1b1: {  	_ =	swait.ge @!p0 [sflag:s0], s1  }
0x1b2: {  	s1 =	ssub.s32 @!p0 $0x0, s1;
	[sflag:s0] =	ssyncset.done @!p0 $0x0  }
0x1b3: {  	[sflag:s0] =	ssyncadd.s32 @!p0 s1  }
0x1b4: {  	[bflag:$0x3] =	sbarrier.arrive $0xFFFF  }
0x1b5: {  	_ =	shalt  }

</sc_bundles>
